<compile_context>
chip_gen: v7x
topology: tpu7x:2x2x1
jax: 0.10.2.dev20260603
libtpu: 0.0.44.dev20260713+nightly
codegen_flags: <defaults>
</compile_context>

<pallas_src>
import jax
import jax.numpy as jnp
from jax import lax
from jax.experimental import pallas as pl
from jax.experimental.pallas import tpu as pltpu
from jax.experimental.pallas import tpu_sc as plsc

_NW = 32
_CHUNK = 16
_NBUF = 6
_LANES = 16


def kernel(x, table):
    seq_len = x.shape[1]
    n_rows, d = table.shape
    assert n_rows == 2 * seq_len - 1 and seq_len % _NW == 0
    per_w = seq_len // _NW
    n_reg = per_w // _CHUNK
    split = seq_len - 1
    a_hi = (split // 8) * 8
    b_hi = a_hi + seq_len
    tail_dst0 = n_rows - _LANES

    def body(table_hbm, out_hbm, *scratch):
        bufs = scratch[:_NBUF]
        idxs = scratch[_NBUF:2 * _NBUF]
        gsems = scratch[2 * _NBUF:3 * _NBUF]
        ssems = scratch[3 * _NBUF:4 * _NBUF]
        tbuf, tidx_g, tidx_s, tsem = scratch[4 * _NBUF:]
        wid = lax.axis_index("s") * 2 + lax.axis_index("c")
        iota = lax.iota(jnp.int32, _LANES)

        a_dst = jnp.minimum(wid * per_w, a_hi - per_w)
        b_dst = a_hi + wid * per_w

        def dst_of(i):
            off = (i % n_reg) * _CHUNK
            base = a_dst if i < n_reg else b_dst
            return pl.multiple_of(base + off, 8)

        def fill_idx(i):
            b = i % _NBUF
            dst0 = b_dst + (i % n_reg) * _CHUNK
            for k in range(_CHUNK // _LANES):
                v = dst0 + (k * _LANES + seq_len) + iota
                idxs[b][pl.ds(k * _LANES, _LANES)] = jnp.where(
                    v >= n_rows, v - n_rows, v)

        def gather(i):
            b = i % _NBUF
            if i < n_reg:
                src = pl.multiple_of(dst_of(i) + seq_len, 8)
                return pltpu.make_async_copy(
                    table_hbm.at[pl.ds(src, _CHUNK)], bufs[b], gsems[b])
            return pltpu.make_async_copy(
                table_hbm.at[idxs[b]], bufs[b], gsems[b])

        def scatter(i):
            b = i % _NBUF
            return pltpu.make_async_copy(
                bufs[b], out_hbm.at[pl.ds(dst_of(i), _CHUNK)], ssems[b])

        n_chunks = 2 * n_reg
        for i in range(n_chunks):
            if i >= _NBUF:
                scatter(i - _NBUF).wait()
            if i >= n_reg:
                fill_idx(i)
            gather(i).start()
            if i >= 1:
                gather(i - 1).wait()
                scatter(i - 1).start()
        gather(n_chunks - 1).wait()
        scatter(n_chunks - 1).start()
        for i in range(n_chunks - _NBUF, n_chunks):
            scatter(i).wait()

        @pl.when(wid == 0)
        def _():
            tidx_g[...] = tail_dst0 - split + iota
            tidx_s[...] = tail_dst0 + iota
            tg = pltpu.make_async_copy(table_hbm.at[tidx_g], tbuf, tsem)
            tg.start()
            tg.wait()
            ts = pltpu.make_async_copy(tbuf, out_hbm.at[tidx_s], tsem)
            ts.start()
            ts.wait()

    f = pl.kernel(
        body,
        out_type=jax.ShapeDtypeStruct((n_rows, d), table.dtype),
        mesh=plsc.VectorSubcoreMesh(core_axis_name="c", subcore_axis_name="s"),
        scratch_types=([pltpu.VMEM((_CHUNK, d), table.dtype)] * _NBUF
                       + [pltpu.VMEM((_CHUNK,), jnp.int32)] * _NBUF
                       + [pltpu.SemaphoreType.DMA] * (2 * _NBUF)
                       + [pltpu.VMEM((_LANES, d), table.dtype),
                          pltpu.VMEM((_LANES,), jnp.int32),
                          pltpu.VMEM((_LANES,), jnp.int32),
                          pltpu.SemaphoreType.DMA]),
    )
    return f(table)

# --- scband reference (transcript-rebuilt; emitter-appended) ---
"""Pipeline reference for scband-relative-positional-embedding-15994458210650 (READ-ONLY COPY).

The authoritative reference and input builder live on the scoring server;
editing this copy changes nothing except your own understanding.
"""

import jax, jax.numpy as jnp
import numpy as np

MAX_SEQ_LEN = 8192
D_MODEL = 1024


def setup_inputs(seed: int = 0) -> dict:
    key = jax.random.key(seed)
    k1, k2 = jax.random.split(key)
    x = jax.random.normal(k1, (2, MAX_SEQ_LEN, D_MODEL), dtype=jnp.float32)
    table = jax.random.normal(k2, (2 * MAX_SEQ_LEN - 1, D_MODEL), dtype=jnp.float32) * 0.02
    return {"x": x, "table": table}


def reference(x, table):
    # Faithful translation of RelativePositionalEmbedding.forward:
    #   seq_len = x.size(1)
    #   positions = arange(-seq_len + 1, seq_len)
    #   return embedding(positions)
    # Table has 2*max_seq_len-1 rows. With seq_len == max_seq_len, the negative
    # positions -seq_len+1 .. -1 index (via Python/JAX wrap-around semantics)
    # rows max_seq_len .. 2*max_seq_len-2, i.e. the standard relative-position
    # offset layout. Gather maps to a SparseCore-friendly embedding lookup.
    seq_len = x.shape[1]
    positions = jnp.arange(-seq_len + 1, seq_len)
    return table[positions]

if __name__ == "__main__":
    import jax
    _d = setup_inputs()
    print(jax.jit(kernel)(*tuple(_d.values())))

</pallas_src>

<mosaic_0001>
#map = affine_map<(d0, d1) -> (0, 0)>
module attributes {stable_mosaic.version = 14 : i64} {
  func.func @body(%arg0: i32, %arg1: i32, %arg2: memref<16383x1024xf32, #tpu.memory_space<hbm>>, %arg3: memref<16383x1024xf32, #tpu.memory_space<hbm>>, %arg4: memref<16x1024xf32, #tpu.memory_space<vmem>>, %arg5: memref<16x1024xf32, #tpu.memory_space<vmem>>, %arg6: memref<16x1024xf32, #tpu.memory_space<vmem>>, %arg7: memref<16x1024xf32, #tpu.memory_space<vmem>>, %arg8: memref<16x1024xf32, #tpu.memory_space<vmem>>, %arg9: memref<16x1024xf32, #tpu.memory_space<vmem>>, %arg10: memref<16xi32, #tpu.memory_space<vmem>>, %arg11: memref<16xi32, #tpu.memory_space<vmem>>, %arg12: memref<16xi32, #tpu.memory_space<vmem>>, %arg13: memref<16xi32, #tpu.memory_space<vmem>>, %arg14: memref<16xi32, #tpu.memory_space<vmem>>, %arg15: memref<16xi32, #tpu.memory_space<vmem>>, %arg16: memref<!tpu.dma_semaphore, #tpu.memory_space<semaphore_mem>>, %arg17: memref<!tpu.dma_semaphore, #tpu.memory_space<semaphore_mem>>, %arg18: memref<!tpu.dma_semaphore, #tpu.memory_space<semaphore_mem>>, %arg19: memref<!tpu.dma_semaphore, #tpu.memory_space<semaphore_mem>>, %arg20: memref<!tpu.dma_semaphore, #tpu.memory_space<semaphore_mem>>, %arg21: memref<!tpu.dma_semaphore, #tpu.memory_space<semaphore_mem>>, %arg22: memref<!tpu.dma_semaphore, #tpu.memory_space<semaphore_mem>>, %arg23: memref<!tpu.dma_semaphore, #tpu.memory_space<semaphore_mem>>, %arg24: memref<!tpu.dma_semaphore, #tpu.memory_space<semaphore_mem>>, %arg25: memref<!tpu.dma_semaphore, #tpu.memory_space<semaphore_mem>>, %arg26: memref<!tpu.dma_semaphore, #tpu.memory_space<semaphore_mem>>, %arg27: memref<!tpu.dma_semaphore, #tpu.memory_space<semaphore_mem>>, %arg28: memref<16x1024xf32, #tpu.memory_space<vmem>>, %arg29: memref<16xi32, #tpu.memory_space<vmem>>, %arg30: memref<16xi32, #tpu.memory_space<vmem>>, %arg31: memref<!tpu.dma_semaphore, #tpu.memory_space<semaphore_mem>>) attributes {dimension_semantics = [#tpu.dimension_semantics<core_parallel>, #tpu.dimension_semantics<subcore_parallel>], iteration_bounds = array<i64: 2, 16>, scalar_prefetch = 0 : i64, scratch_operands = 28 : i64, tpu.core_type = #tpu.core_type<sc_vector_subcore>, window_params = [{transform_indices = #map}, {transform_indices = #map}]} {
    %mul3A = arith.constant 2 : i32
    %mul3A_0 = arith.muli %arg1, %mul3A : i32
    %add3A = arith.addi %mul3A_0, %arg0 : i32
    %iota3A = tpu.iota {dimensions = array<i32: 0>} : vector<16xi32>
    %mul3A_1 = arith.constant 256 : i32
    %mul3A_2 = arith.muli %add3A, %mul3A_1 : i32
    %min3A = arith.constant 7928 : i32
    %min3A_3 = arith.minsi %mul3A_2, %min3A : i32
    %mul3A_4 = arith.constant 256 : i32
    %mul3A_5 = arith.muli %add3A, %mul3A_4 : i32
    %add3A_6 = arith.constant 8184 : i32
    %add3A_7 = arith.addi %add3A_6, %mul3A_5 : i32
    %add3A_8 = arith.constant 0 : i32
    %add3A_9 = arith.addi %min3A_3, %add3A_8 : i32
    %multiple_of3A = tpu.assume_multiple %add3A_9, 8 : i32
    %add3A_10 = arith.constant 8192 : i32
    %add3A_11 = arith.addi %multiple_of3A, %add3A_10 : i32
    %multiple_of3A_12 = tpu.assume_multiple %add3A_11, 8 : i32
    %dma_start3A = arith.constant 0 : i32
    %dma_start3A_13 = tpu.memref_slice %arg2[%multiple_of3A_12, %dma_start3A] : memref<16383x1024xf32, #tpu.memory_space<hbm>> -> memref<16x1024xf32, #tpu.memory_space<hbm>>
    %dma_start3A_14 = arith.constant 0 : i32
    %dma_start3A_15 = tpu.memref_slice %arg2[%multiple_of3A_12, %dma_start3A_14] : memref<16383x1024xf32, #tpu.memory_space<hbm>> -> memref<16x1024xf32, #tpu.memory_space<hbm>>
    tpu.enqueue_dma source(%dma_start3A_15 : memref<16x1024xf32, #tpu.memory_space<hbm>>) target(%arg4 : memref<16x1024xf32, #tpu.memory_space<vmem>>) target_semaphore(%arg16 : memref<!tpu.dma_semaphore, #tpu.memory_space<semaphore_mem>>)
    %add3A_16 = arith.constant 16 : i32
    %add3A_17 = arith.addi %min3A_3, %add3A_16 : i32
    %multiple_of3A_18 = tpu.assume_multiple %add3A_17, 8 : i32
    %add3A_19 = arith.constant 8192 : i32
    %add3A_20 = arith.addi %multiple_of3A_18, %add3A_19 : i32
    %multiple_of3A_21 = tpu.assume_multiple %add3A_20, 8 : i32
    %dma_start3A_22 = arith.constant 0 : i32
    %dma_start3A_23 = tpu.memref_slice %arg2[%multiple_of3A_21, %dma_start3A_22] : memref<16383x1024xf32, #tpu.memory_space<hbm>> -> memref<16x1024xf32, #tpu.memory_space<hbm>>
    %dma_start3A_24 = arith.constant 0 : i32
    %dma_start3A_25 = tpu.memref_slice %arg2[%multiple_of3A_21, %dma_start3A_24] : memref<16383x1024xf32, #tpu.memory_space<hbm>> -> memref<16x1024xf32, #tpu.memory_space<hbm>>
    tpu.enqueue_dma source(%dma_start3A_25 : memref<16x1024xf32, #tpu.memory_space<hbm>>) target(%arg5 : memref<16x1024xf32, #tpu.memory_space<vmem>>) target_semaphore(%arg17 : memref<!tpu.dma_semaphore, #tpu.memory_space<semaphore_mem>>)
    %add3A_26 = arith.constant 0 : i32
    %add3A_27 = arith.addi %min3A_3, %add3A_26 : i32
    %multiple_of3A_28 = tpu.assume_multiple %add3A_27, 8 : i32
    %add3A_29 = arith.constant 8192 : i32
    %add3A_30 = arith.addi %multiple_of3A_28, %add3A_29 : i32
    %multiple_of3A_31 = tpu.assume_multiple %add3A_30, 8 : i32
    %dma_wait3A = arith.constant 0 : i32
    %dma_wait3A_32 = tpu.memref_slice %arg2[%multiple_of3A_31, %dma_wait3A] : memref<16383x1024xf32, #tpu.memory_space<hbm>> -> memref<16x1024xf32, #tpu.memory_space<hbm>>
    %dma_wait3A_33 = arith.constant 0 : i32
    %dma_wait3A_34 = tpu.memref_slice %arg2[%multiple_of3A_31, %dma_wait3A_33] : memref<16383x1024xf32, #tpu.memory_space<hbm>> -> memref<16x1024xf32, #tpu.memory_space<hbm>>
    tpu.wait_dma2 semaphore(%arg16 : memref<!tpu.dma_semaphore, #tpu.memory_space<semaphore_mem>>) src(%dma_wait3A_34 : memref<16x1024xf32, #tpu.memory_space<hbm>>) dst(%arg4 : memref<16x1024xf32, #tpu.memory_space<vmem>>)
    %add3A_35 = arith.constant 0 : i32
    %add3A_36 = arith.addi %min3A_3, %add3A_35 : i32
    %multiple_of3A_37 = tpu.assume_multiple %add3A_36, 8 : i32
    %dma_start3A_38 = arith.constant 0 : i32
    %dma_start3A_39 = tpu.memref_slice %arg3[%multiple_of3A_37, %dma_start3A_38] : memref<16383x1024xf32, #tpu.memory_space<hbm>> -> memref<16x1024xf32, #tpu.memory_space<hbm>>
    %dma_start3A_40 = arith.constant 0 : i32
    %dma_start3A_41 = tpu.memref_slice %arg3[%multiple_of3A_37, %dma_start3A_40] : memref<16383x1024xf32, #tpu.memory_space<hbm>> -> memref<16x1024xf32, #tpu.memory_space<hbm>>
    tpu.enqueue_dma source(%arg4 : memref<16x1024xf32, #tpu.memory_space<vmem>>) target(%dma_start3A_41 : memref<16x1024xf32, #tpu.memory_space<hbm>>) target_semaphore(%arg22 : memref<!tpu.dma_semaphore, #tpu.memory_space<semaphore_mem>>)
    %add3A_42 = arith.constant 32 : i32
    %add3A_43 = arith.addi %min3A_3, %add3A_42 : i32
    %multiple_of3A_44 = tpu.assume_multiple %add3A_43, 8 : i32
    %add3A_45 = arith.constant 8192 : i32
    %add3A_46 = arith.addi %multiple_of3A_44, %add3A_45 : i32
    %multiple_of3A_47 = tpu.assume_multiple %add3A_46, 8 : i32
    %dma_start3A_48 = arith.constant 0 : i32
    %dma_start3A_49 = tpu.memref_slice %arg2[%multiple_of3A_47, %dma_start3A_48] : memref<16383x1024xf32, #tpu.memory_space<hbm>> -> memref<16x1024xf32, #tpu.memory_space<hbm>>
    %dma_start3A_50 = arith.constant 0 : i32
    %dma_start3A_51 = tpu.memref_slice %arg2[%multiple_of3A_47, %dma_start3A_50] : memref<16383x1024xf32, #tpu.memory_space<hbm>> -> memref<16x1024xf32, #tpu.memory_space<hbm>>
    tpu.enqueue_dma source(%dma_start3A_51 : memref<16x1024xf32, #tpu.memory_space<hbm>>) target(%arg6 : memref<16x1024xf32, #tpu.memory_space<vmem>>) target_semaphore(%arg18 : memref<!tpu.dma_semaphore, #tpu.memory_space<semaphore_mem>>)
    %add3A_52 = arith.constant 16 : i32
    %add3A_53 = arith.addi %min3A_3, %add3A_52 : i32
    %multiple_of3A_54 = tpu.assume_multiple %add3A_53, 8 : i32
    %add3A_55 = arith.constant 8192 : i32
    %add3A_56 = arith.addi %multiple_of3A_54, %add3A_55 : i32
    %multiple_of3A_57 = tpu.assume_multiple %add3A_56, 8 : i32
    %dma_wait3A_58 = arith.constant 0 : i32
    %dma_wait3A_59 = tpu.memref_slice %arg2[%multiple_of3A_57, %dma_wait3A_58] : memref<16383x1024xf32, #tpu.memory_space<hbm>> -> memref<16x1024xf32, #tpu.memory_space<hbm>>
    %dma_wait3A_60 = arith.constant 0 : i32
    %dma_wait3A_61 = tpu.memref_slice %arg2[%multiple_of3A_57, %dma_wait3A_60] : memref<16383x1024xf32, #tpu.memory_space<hbm>> -> memref<16x1024xf32, #tpu.memory_space<hbm>>
    tpu.wait_dma2 semaphore(%arg17 : memref<!tpu.dma_semaphore, #tpu.memory_space<semaphore_mem>>) src(%dma_wait3A_61 : memref<16x1024xf32, #tpu.memory_space<hbm>>) dst(%arg5 : memref<16x1024xf32, #tpu.memory_space<vmem>>)
    %add3A_62 = arith.constant 16 : i32
    %add3A_63 = arith.addi %min3A_3, %add3A_62 : i32
    %multiple_of3A_64 = tpu.assume_multiple %add3A_63, 8 : i32
    %dma_start3A_65 = arith.constant 0 : i32
    %dma_start3A_66 = tpu.memref_slice %arg3[%multiple_of3A_64, %dma_start3A_65] : memref<16383x1024xf32, #tpu.memory_space<hbm>> -> memref<16x1024xf32, #tpu.memory_space<hbm>>
    %dma_start3A_67 = arith.constant 0 : i32
    %dma_start3A_68 = tpu.memref_slice %arg3[%multiple_of3A_64, %dma_start3A_67] : memref<16383x1024xf32, #tpu.memory_space<hbm>> -> memref<16x1024xf32, #tpu.memory_space<hbm>>
    tpu.enqueue_dma source(%arg5 : memref<16x1024xf32, #tpu.memory_space<vmem>>) target(%dma_start3A_68 : memref<16x1024xf32, #tpu.memory_space<hbm>>) target_semaphore(%arg23 : memref<!tpu.dma_semaphore, #tpu.memory_space<semaphore_mem>>)
    %add3A_69 = arith.constant 48 : i32
    %add3A_70 = arith.addi %min3A_3, %add3A_69 : i32
    %multiple_of3A_71 = tpu.assume_multiple %add3A_70, 8 : i32
    %add3A_72 = arith.constant 8192 : i32
    %add3A_73 = arith.addi %multiple_of3A_71, %add3A_72 : i32
    %multiple_of3A_74 = tpu.assume_multiple %add3A_73, 8 : i32
    %dma_start3A_75 = arith.constant 0 : i32
    %dma_start3A_76 = tpu.memref_slice %arg2[%multiple_of3A_74, %dma_start3A_75] : memref<16383x1024xf32, #tpu.memory_space<hbm>> -> memref<16x1024xf32, #tpu.memory_space<hbm>>
    %dma_start3A_77 = arith.constant 0 : i32
    %dma_start3A_78 = tpu.memref_slice %arg2[%multiple_of3A_74, %dma_start3A_77] : memref<16383x1024xf32, #tpu.memory_space<hbm>> -> memref<16x1024xf32, #tpu.memory_space<hbm>>
    tpu.enqueue_dma source(%dma_start3A_78 : memref<16x1024xf32, #tpu.memory_space<hbm>>) target(%arg7 : memref<16x1024xf32, #tpu.memory_space<vmem>>) target_semaphore(%arg19 : memref<!tpu.dma_semaphore, #tpu.memory_space<semaphore_mem>>)
    %add3A_79 = arith.constant 32 : i32
    %add3A_80 = arith.addi %min3A_3, %add3A_79 : i32
    %multiple_of3A_81 = tpu.assume_multiple %add3A_80, 8 : i32
    %add3A_82 = arith.constant 8192 : i32
    %add3A_83 = arith.addi %multiple_of3A_81, %add3A_82 : i32
    %multiple_of3A_84 = tpu.assume_multiple %add3A_83, 8 : i32
    %dma_wait3A_85 = arith.constant 0 : i32
    %dma_wait3A_86 = tpu.memref_slice %arg2[%multiple_of3A_84, %dma_wait3A_85] : memref<16383x1024xf32, #tpu.memory_space<hbm>> -> memref<16x1024xf32, #tpu.memory_space<hbm>>
    %dma_wait3A_87 = arith.constant 0 : i32
    %dma_wait3A_88 = tpu.memref_slice %arg2[%multiple_of3A_84, %dma_wait3A_87] : memref<16383x1024xf32, #tpu.memory_space<hbm>> -> memref<16x1024xf32, #tpu.memory_space<hbm>>
    tpu.wait_dma2 semaphore(%arg18 : memref<!tpu.dma_semaphore, #tpu.memory_space<semaphore_mem>>) src(%dma_wait3A_88 : memref<16x1024xf32, #tpu.memory_space<hbm>>) dst(%arg6 : memref<16x1024xf32, #tpu.memory_space<vmem>>)
    %add3A_89 = arith.constant 32 : i32
    %add3A_90 = arith.addi %min3A_3, %add3A_89 : i32
    %multiple_of3A_91 = tpu.assume_multiple %add3A_90, 8 : i32
    %dma_start3A_92 = arith.constant 0 : i32
    %dma_start3A_93 = tpu.memref_slice %arg3[%multiple_of3A_91, %dma_start3A_92] : memref<16383x1024xf32, #tpu.memory_space<hbm>> -> memref<16x1024xf32, #tpu.memory_space<hbm>>
    %dma_start3A_94 = arith.constant 0 : i32
    %dma_start3A_95 = tpu.memref_slice %arg3[%multiple_of3A_91, %dma_start3A_94] : memref<16383x1024xf32, #tpu.memory_space<hbm>> -> memref<16x1024xf32, #tpu.memory_space<hbm>>
    tpu.enqueue_dma source(%arg6 : memref<16x1024xf32, #tpu.memory_space<vmem>>) target(%dma_start3A_95 : memref<16x1024xf32, #tpu.memory_space<hbm>>) target_semaphore(%arg24 : memref<!tpu.dma_semaphore, #tpu.memory_space<semaphore_mem>>)
    %add3A_96 = arith.constant 64 : i32
    %add3A_97 = arith.addi %min3A_3, %add3A_96 : i32
    %multiple_of3A_98 = tpu.assume_multiple %add3A_97, 8 : i32
    %add3A_99 = arith.constant 8192 : i32
    %add3A_100 = arith.addi %multiple_of3A_98, %add3A_99 : i32
    %multiple_of3A_101 = tpu.assume_multiple %add3A_100, 8 : i32
    %dma_start3A_102 = arith.constant 0 : i32
    %dma_start3A_103 = tpu.memref_slice %arg2[%multiple_of3A_101, %dma_start3A_102] : memref<16383x1024xf32, #tpu.memory_space<hbm>> -> memref<16x1024xf32, #tpu.memory_space<hbm>>
    %dma_start3A_104 = arith.constant 0 : i32
    %dma_start3A_105 = tpu.memref_slice %arg2[%multiple_of3A_101, %dma_start3A_104] : memref<16383x1024xf32, #tpu.memory_space<hbm>> -> memref<16x1024xf32, #tpu.memory_space<hbm>>
    tpu.enqueue_dma source(%dma_start3A_105 : memref<16x1024xf32, #tpu.memory_space<hbm>>) target(%arg8 : memref<16x1024xf32, #tpu.memory_space<vmem>>) target_semaphore(%arg20 : memref<!tpu.dma_semaphore, #tpu.memory_space<semaphore_mem>>)
    %add3A_106 = arith.constant 48 : i32
    %add3A_107 = arith.addi %min3A_3, %add3A_106 : i32
    %multiple_of3A_108 = tpu.assume_multiple %add3A_107, 8 : i32
    %add3A_109 = arith.constant 8192 : i32
    %add3A_110 = arith.addi %multiple_of3A_108, %add3A_109 : i32
    %multiple_of3A_111 = tpu.assume_multiple %add3A_110, 8 : i32
    %dma_wait3A_112 = arith.constant 0 : i32
    %dma_wait3A_113 = tpu.memref_slice %arg2[%multiple_of3A_111, %dma_wait3A_112] : memref<16383x1024xf32, #tpu.memory_space<hbm>> -> memref<16x1024xf32, #tpu.memory_space<hbm>>
    %dma_wait3A_114 = arith.constant 0 : i32
    %dma_wait3A_115 = tpu.memref_slice %arg2[%multiple_of3A_111, %dma_wait3A_114] : memref<16383x1024xf32, #tpu.memory_space<hbm>> -> memref<16x1024xf32, #tpu.memory_space<hbm>>
    tpu.wait_dma2 semaphore(%arg19 : memref<!tpu.dma_semaphore, #tpu.memory_space<semaphore_mem>>) src(%dma_wait3A_115 : memref<16x1024xf32, #tpu.memory_space<hbm>>) dst(%arg7 : memref<16x1024xf32, #tpu.memory_space<vmem>>)
    %add3A_116 = arith.constant 48 : i32
    %add3A_117 = arith.addi %min3A_3, %add3A_116 : i32
    %multiple_of3A_118 = tpu.assume_multiple %add3A_117, 8 : i32
    %dma_start3A_119 = arith.constant 0 : i32
    %dma_start3A_120 = tpu.memref_slice %arg3[%multiple_of3A_118, %dma_start3A_119] : memref<16383x1024xf32, #tpu.memory_space<hbm>> -> memref<16x1024xf32, #tpu.memory_space<hbm>>
    %dma_start3A_121 = arith.constant 0 : i32
    %dma_start3A_122 = tpu.memref_slice %arg3[%multiple_of3A_118, %dma_start3A_121] : memref<16383x1024xf32, #tpu.memory_space<hbm>> -> memref<16x1024xf32, #tpu.memory_space<hbm>>
    tpu.enqueue_dma source(%arg7 : memref<16x1024xf32, #tpu.memory_space<vmem>>) target(%dma_start3A_122 : memref<16x1024xf32, #tpu.memory_space<hbm>>) target_semaphore(%arg25 : memref<!tpu.dma_semaphore, #tpu.memory_space<semaphore_mem>>)
    %add3A_123 = arith.constant 80 : i32
    %add3A_124 = arith.addi %min3A_3, %add3A_123 : i32
    %multiple_of3A_125 = tpu.assume_multiple %add3A_124, 8 : i32
    %add3A_126 = arith.constant 8192 : i32
    %add3A_127 = arith.addi %multiple_of3A_125, %add3A_126 : i32
    %multiple_of3A_128 = tpu.assume_multiple %add3A_127, 8 : i32
    %dma_start3A_129 = arith.constant 0 : i32
    %dma_start3A_130 = tpu.memref_slice %arg2[%multiple_of3A_128, %dma_start3A_129] : memref<16383x1024xf32, #tpu.memory_space<hbm>> -> memref<16x1024xf32, #tpu.memory_space<hbm>>
    %dma_start3A_131 = arith.constant 0 : i32
    %dma_start3A_132 = tpu.memref_slice %arg2[%multiple_of3A_128, %dma_start3A_131] : memref<16383x1024xf32, #tpu.memory_space<hbm>> -> memref<16x1024xf32, #tpu.memory_space<hbm>>
    tpu.enqueue_dma source(%dma_start3A_132 : memref<16x1024xf32, #tpu.memory_space<hbm>>) target(%arg9 : memref<16x1024xf32, #tpu.memory_space<vmem>>) target_semaphore(%arg21 : memref<!tpu.dma_semaphore, #tpu.memory_space<semaphore_mem>>)
    %add3A_133 = arith.constant 64 : i32
    %add3A_134 = arith.addi %min3A_3, %add3A_133 : i32
    %multiple_of3A_135 = tpu.assume_multiple %add3A_134, 8 : i32
    %add3A_136 = arith.constant 8192 : i32
    %add3A_137 = arith.addi %multiple_of3A_135, %add3A_136 : i32
    %multiple_of3A_138 = tpu.assume_multiple %add3A_137, 8 : i32
    %dma_wait3A_139 = arith.constant 0 : i32
    %dma_wait3A_140 = tpu.memref_slice %arg2[%multiple_of3A_138, %dma_wait3A_139] : memref<16383x1024xf32, #tpu.memory_space<hbm>> -> memref<16x1024xf32, #tpu.memory_space<hbm>>
    %dma_wait3A_141 = arith.constant 0 : i32
    %dma_wait3A_142 = tpu.memref_slice %arg2[%multiple_of3A_138, %dma_wait3A_141] : memref<16383x1024xf32, #tpu.memory_space<hbm>> -> memref<16x1024xf32, #tpu.memory_space<hbm>>
    tpu.wait_dma2 semaphore(%arg20 : memref<!tpu.dma_semaphore, #tpu.memory_space<semaphore_mem>>) src(%dma_wait3A_142 : memref<16x1024xf32, #tpu.memory_space<hbm>>) dst(%arg8 : memref<16x1024xf32, #tpu.memory_space<vmem>>)
    %add3A_143 = arith.constant 64 : i32
    %add3A_144 = arith.addi %min3A_3, %add3A_143 : i32
    %multiple_of3A_145 = tpu.assume_multiple %add3A_144, 8 : i32
    %dma_start3A_146 = arith.constant 0 : i32
    %dma_start3A_147 = tpu.memref_slice %arg3[%multiple_of3A_145, %dma_start3A_146] : memref<16383x1024xf32, #tpu.memory_space<hbm>> -> memref<16x1024xf32, #tpu.memory_space<hbm>>
    %dma_start3A_148 = arith.constant 0 : i32
    %dma_start3A_149 = tpu.memref_slice %arg3[%multiple_of3A_145, %dma_start3A_148] : memref<16383x1024xf32, #tpu.memory_space<hbm>> -> memref<16x1024xf32, #tpu.memory_space<hbm>>
    tpu.enqueue_dma source(%arg8 : memref<16x1024xf32, #tpu.memory_space<vmem>>) target(%dma_start3A_149 : memref<16x1024xf32, #tpu.memory_space<hbm>>) target_semaphore(%arg26 : memref<!tpu.dma_semaphore, #tpu.memory_space<semaphore_mem>>)
    %add3A_150 = arith.constant 0 : i32
    %add3A_151 = arith.addi %min3A_3, %add3A_150 : i32
    %multiple_of3A_152 = tpu.assume_multiple %add3A_151, 8 : i32
    %dma_wait3A_153 = arith.constant 0 : i32
    %dma_wait3A_154 = tpu.memref_slice %arg3[%multiple_of3A_152, %dma_wait3A_153] : memref<16383x1024xf32, #tpu.memory_space<hbm>> -> memref<16x1024xf32, #tpu.memory_space<hbm>>
    %dma_wait3A_155 = arith.constant 0 : i32
    %dma_wait3A_156 = tpu.memref_slice %arg3[%multiple_of3A_152, %dma_wait3A_155] : memref<16383x1024xf32, #tpu.memory_space<hbm>> -> memref<16x1024xf32, #tpu.memory_space<hbm>>
    tpu.wait_dma2 semaphore(%arg22 : memref<!tpu.dma_semaphore, #tpu.memory_space<semaphore_mem>>) src(%arg4 : memref<16x1024xf32, #tpu.memory_space<vmem>>) dst(%dma_wait3A_156 : memref<16x1024xf32, #tpu.memory_space<hbm>>)
    %add3A_157 = arith.constant 96 : i32
    %add3A_158 = arith.addi %min3A_3, %add3A_157 : i32
    %multiple_of3A_159 = tpu.assume_multiple %add3A_158, 8 : i32
    %add3A_160 = arith.constant 8192 : i32
    %add3A_161 = arith.addi %multiple_of3A_159, %add3A_160 : i32
    %multiple_of3A_162 = tpu.assume_multiple %add3A_161, 8 : i32
    %dma_start3A_163 = arith.constant 0 : i32
    %dma_start3A_164 = tpu.memref_slice %arg2[%multiple_of3A_162, %dma_start3A_163] : memref<16383x1024xf32, #tpu.memory_space<hbm>> -> memref<16x1024xf32, #tpu.memory_space<hbm>>
    %dma_start3A_165 = arith.constant 0 : i32
    %dma_start3A_166 = tpu.memref_slice %arg2[%multiple_of3A_162, %dma_start3A_165] : memref<16383x1024xf32, #tpu.memory_space<hbm>> -> memref<16x1024xf32, #tpu.memory_space<hbm>>
    tpu.enqueue_dma source(%dma_start3A_166 : memref<16x1024xf32, #tpu.memory_space<hbm>>) target(%arg4 : memref<16x1024xf32, #tpu.memory_space<vmem>>) target_semaphore(%arg16 : memref<!tpu.dma_semaphore, #tpu.memory_space<semaphore_mem>>)
    %add3A_167 = arith.constant 80 : i32
    %add3A_168 = arith.addi %min3A_3, %add3A_167 : i32
    %multiple_of3A_169 = tpu.assume_multiple %add3A_168, 8 : i32
    %add3A_170 = arith.constant 8192 : i32
    %add3A_171 = arith.addi %multiple_of3A_169, %add3A_170 : i32
    %multiple_of3A_172 = tpu.assume_multiple %add3A_171, 8 : i32
    %dma_wait3A_173 = arith.constant 0 : i32
    %dma_wait3A_174 = tpu.memref_slice %arg2[%multiple_of3A_172, %dma_wait3A_173] : memref<16383x1024xf32, #tpu.memory_space<hbm>> -> memref<16x1024xf32, #tpu.memory_space<hbm>>
    %dma_wait3A_175 = arith.constant 0 : i32
    %dma_wait3A_176 = tpu.memref_slice %arg2[%multiple_of3A_172, %dma_wait3A_175] : memref<16383x1024xf32, #tpu.memory_space<hbm>> -> memref<16x1024xf32, #tpu.memory_space<hbm>>
    tpu.wait_dma2 semaphore(%arg21 : memref<!tpu.dma_semaphore, #tpu.memory_space<semaphore_mem>>) src(%dma_wait3A_176 : memref<16x1024xf32, #tpu.memory_space<hbm>>) dst(%arg9 : memref<16x1024xf32, #tpu.memory_space<vmem>>)
    %add3A_177 = arith.constant 80 : i32
    %add3A_178 = arith.addi %min3A_3, %add3A_177 : i32
    %multiple_of3A_179 = tpu.assume_multiple %add3A_178, 8 : i32
    %dma_start3A_180 = arith.constant 0 : i32
    %dma_start3A_181 = tpu.memref_slice %arg3[%multiple_of3A_179, %dma_start3A_180] : memref<16383x1024xf32, #tpu.memory_space<hbm>> -> memref<16x1024xf32, #tpu.memory_space<hbm>>
    %dma_start3A_182 = arith.constant 0 : i32
    %dma_start3A_183 = tpu.memref_slice %arg3[%multiple_of3A_179, %dma_start3A_182] : memref<16383x1024xf32, #tpu.memory_space<hbm>> -> memref<16x1024xf32, #tpu.memory_space<hbm>>
    tpu.enqueue_dma source(%arg9 : memref<16x1024xf32, #tpu.memory_space<vmem>>) target(%dma_start3A_183 : memref<16x1024xf32, #tpu.memory_space<hbm>>) target_semaphore(%arg27 : memref<!tpu.dma_semaphore, #tpu.memory_space<semaphore_mem>>)
    %add3A_184 = arith.constant 16 : i32
    %add3A_185 = arith.addi %min3A_3, %add3A_184 : i32
    %multiple_of3A_186 = tpu.assume_multiple %add3A_185, 8 : i32
    %dma_wait3A_187 = arith.constant 0 : i32
    %dma_wait3A_188 = tpu.memref_slice %arg3[%multiple_of3A_186, %dma_wait3A_187] : memref<16383x1024xf32, #tpu.memory_space<hbm>> -> memref<16x1024xf32, #tpu.memory_space<hbm>>
    %dma_wait3A_189 = arith.constant 0 : i32
    %dma_wait3A_190 = tpu.memref_slice %arg3[%multiple_of3A_186, %dma_wait3A_189] : memref<16383x1024xf32, #tpu.memory_space<hbm>> -> memref<16x1024xf32, #tpu.memory_space<hbm>>
    tpu.wait_dma2 semaphore(%arg23 : memref<!tpu.dma_semaphore, #tpu.memory_space<semaphore_mem>>) src(%arg5 : memref<16x1024xf32, #tpu.memory_space<vmem>>) dst(%dma_wait3A_190 : memref<16x1024xf32, #tpu.memory_space<hbm>>)
    %add3A_191 = arith.constant 112 : i32
    %add3A_192 = arith.addi %min3A_3, %add3A_191 : i32
    %multiple_of3A_193 = tpu.assume_multiple %add3A_192, 8 : i32
    %add3A_194 = arith.constant 8192 : i32
    %add3A_195 = arith.addi %multiple_of3A_193, %add3A_194 : i32
    %multiple_of3A_196 = tpu.assume_multiple %add3A_195, 8 : i32
    %dma_start3A_197 = arith.constant 0 : i32
    %dma_start3A_198 = tpu.memref_slice %arg2[%multiple_of3A_196, %dma_start3A_197] : memref<16383x1024xf32, #tpu.memory_space<hbm>> -> memref<16x1024xf32, #tpu.memory_space<hbm>>
    %dma_start3A_199 = arith.constant 0 : i32
    %dma_start3A_200 = tpu.memref_slice %arg2[%multiple_of3A_196, %dma_start3A_199] : memref<16383x1024xf32, #tpu.memory_space<hbm>> -> memref<16x1024xf32, #tpu.memory_space<hbm>>
    tpu.enqueue_dma source(%dma_start3A_200 : memref<16x1024xf32, #tpu.memory_space<hbm>>) target(%arg5 : memref<16x1024xf32, #tpu.memory_space<vmem>>) target_semaphore(%arg17 : memref<!tpu.dma_semaphore, #tpu.memory_space<semaphore_mem>>)
    %add3A_201 = arith.constant 96 : i32
    %add3A_202 = arith.addi %min3A_3, %add3A_201 : i32
    %multiple_of3A_203 = tpu.assume_multiple %add3A_202, 8 : i32
    %add3A_204 = arith.constant 8192 : i32
    %add3A_205 = arith.addi %multiple_of3A_203, %add3A_204 : i32
    %multiple_of3A_206 = tpu.assume_multiple %add3A_205, 8 : i32
    %dma_wait3A_207 = arith.constant 0 : i32
    %dma_wait3A_208 = tpu.memref_slice %arg2[%multiple_of3A_206, %dma_wait3A_207] : memref<16383x1024xf32, #tpu.memory_space<hbm>> -> memref<16x1024xf32, #tpu.memory_space<hbm>>
    %dma_wait3A_209 = arith.constant 0 : i32
    %dma_wait3A_210 = tpu.memref_slice %arg2[%multiple_of3A_206, %dma_wait3A_209] : memref<16383x1024xf32, #tpu.memory_space<hbm>> -> memref<16x1024xf32, #tpu.memory_space<hbm>>
    tpu.wait_dma2 semaphore(%arg16 : memref<!tpu.dma_semaphore, #tpu.memory_space<semaphore_mem>>) src(%dma_wait3A_210 : memref<16x1024xf32, #tpu.memory_space<hbm>>) dst(%arg4 : memref<16x1024xf32, #tpu.memory_space<vmem>>)
    %add3A_211 = arith.constant 96 : i32
    %add3A_212 = arith.addi %min3A_3, %add3A_211 : i32
    %multiple_of3A_213 = tpu.assume_multiple %add3A_212, 8 : i32
    %dma_start3A_214 = arith.constant 0 : i32
    %dma_start3A_215 = tpu.memref_slice %arg3[%multiple_of3A_213, %dma_start3A_214] : memref<16383x1024xf32, #tpu.memory_space<hbm>> -> memref<16x1024xf32, #tpu.memory_space<hbm>>
    %dma_start3A_216 = arith.constant 0 : i32
    %dma_start3A_217 = tpu.memref_slice %arg3[%multiple_of3A_213, %dma_start3A_216] : memref<16383x1024xf32, #tpu.memory_space<hbm>> -> memref<16x1024xf32, #tpu.memory_space<hbm>>
    tpu.enqueue_dma source(%arg4 : memref<16x1024xf32, #tpu.memory_space<vmem>>) target(%dma_start3A_217 : memref<16x1024xf32, #tpu.memory_space<hbm>>) target_semaphore(%arg22 : memref<!tpu.dma_semaphore, #tpu.memory_space<semaphore_mem>>)
    %add3A_218 = arith.constant 32 : i32
    %add3A_219 = arith.addi %min3A_3, %add3A_218 : i32
    %multiple_of3A_220 = tpu.assume_multiple %add3A_219, 8 : i32
    %dma_wait3A_221 = arith.constant 0 : i32
    %dma_wait3A_222 = tpu.memref_slice %arg3[%multiple_of3A_220, %dma_wait3A_221] : memref<16383x1024xf32, #tpu.memory_space<hbm>> -> memref<16x1024xf32, #tpu.memory_space<hbm>>
    %dma_wait3A_223 = arith.constant 0 : i32
    %dma_wait3A_224 = tpu.memref_slice %arg3[%multiple_of3A_220, %dma_wait3A_223] : memref<16383x1024xf32, #tpu.memory_space<hbm>> -> memref<16x1024xf32, #tpu.memory_space<hbm>>
    tpu.wait_dma2 semaphore(%arg24 : memref<!tpu.dma_semaphore, #tpu.memory_space<semaphore_mem>>) src(%arg6 : memref<16x1024xf32, #tpu.memory_space<vmem>>) dst(%dma_wait3A_224 : memref<16x1024xf32, #tpu.memory_space<hbm>>)
    %add3A_225 = arith.constant 128 : i32
    %add3A_226 = arith.addi %min3A_3, %add3A_225 : i32
    %multiple_of3A_227 = tpu.assume_multiple %add3A_226, 8 : i32
    %add3A_228 = arith.constant 8192 : i32
    %add3A_229 = arith.addi %multiple_of3A_227, %add3A_228 : i32
    %multiple_of3A_230 = tpu.assume_multiple %add3A_229, 8 : i32
    %dma_start3A_231 = arith.constant 0 : i32
    %dma_start3A_232 = tpu.memref_slice %arg2[%multiple_of3A_230, %dma_start3A_231] : memref<16383x1024xf32, #tpu.memory_space<hbm>> -> memref<16x1024xf32, #tpu.memory_space<hbm>>
    %dma_start3A_233 = arith.constant 0 : i32
    %dma_start3A_234 = tpu.memref_slice %arg2[%multiple_of3A_230, %dma_start3A_233] : memref<16383x1024xf32, #tpu.memory_space<hbm>> -> memref<16x1024xf32, #tpu.memory_space<hbm>>
    tpu.enqueue_dma source(%dma_start3A_234 : memref<16x1024xf32, #tpu.memory_space<hbm>>) target(%arg6 : memref<16x1024xf32, #tpu.memory_space<vmem>>) target_semaphore(%arg18 : memref<!tpu.dma_semaphore, #tpu.memory_space<semaphore_mem>>)
    %add3A_235 = arith.constant 112 : i32
    %add3A_236 = arith.addi %min3A_3, %add3A_235 : i32
    %multiple_of3A_237 = tpu.assume_multiple %add3A_236, 8 : i32
    %add3A_238 = arith.constant 8192 : i32
    %add3A_239 = arith.addi %multiple_of3A_237, %add3A_238 : i32
    %multiple_of3A_240 = tpu.assume_multiple %add3A_239, 8 : i32
    %dma_wait3A_241 = arith.constant 0 : i32
    %dma_wait3A_242 = tpu.memref_slice %arg2[%multiple_of3A_240, %dma_wait3A_241] : memref<16383x1024xf32, #tpu.memory_space<hbm>> -> memref<16x1024xf32, #tpu.memory_space<hbm>>
    %dma_wait3A_243 = arith.constant 0 : i32
    %dma_wait3A_244 = tpu.memref_slice %arg2[%multiple_of3A_240, %dma_wait3A_243] : memref<16383x1024xf32, #tpu.memory_space<hbm>> -> memref<16x1024xf32, #tpu.memory_space<hbm>>
    tpu.wait_dma2 semaphore(%arg17 : memref<!tpu.dma_semaphore, #tpu.memory_space<semaphore_mem>>) src(%dma_wait3A_244 : memref<16x1024xf32, #tpu.memory_space<hbm>>) dst(%arg5 : memref<16x1024xf32, #tpu.memory_space<vmem>>)
    %add3A_245 = arith.constant 112 : i32
    %add3A_246 = arith.addi %min3A_3, %add3A_245 : i32
    %multiple_of3A_247 = tpu.assume_multiple %add3A_246, 8 : i32
    %dma_start3A_248 = arith.constant 0 : i32
    %dma_start3A_249 = tpu.memref_slice %arg3[%multiple_of3A_247, %dma_start3A_248] : memref<16383x1024xf32, #tpu.memory_space<hbm>> -> memref<16x1024xf32, #tpu.memory_space<hbm>>
    %dma_start3A_250 = arith.constant 0 : i32
    %dma_start3A_251 = tpu.memref_slice %arg3[%multiple_of3A_247, %dma_start3A_250] : memref<16383x1024xf32, #tpu.memory_space<hbm>> -> memref<16x1024xf32, #tpu.memory_space<hbm>>
    tpu.enqueue_dma source(%arg5 : memref<16x1024xf32, #tpu.memory_space<vmem>>) target(%dma_start3A_251 : memref<16x1024xf32, #tpu.memory_space<hbm>>) target_semaphore(%arg23 : memref<!tpu.dma_semaphore, #tpu.memory_space<semaphore_mem>>)
    %add3A_252 = arith.constant 48 : i32
    %add3A_253 = arith.addi %min3A_3, %add3A_252 : i32
    %multiple_of3A_254 = tpu.assume_multiple %add3A_253, 8 : i32
    %dma_wait3A_255 = arith.constant 0 : i32
    %dma_wait3A_256 = tpu.memref_slice %arg3[%multiple_of3A_254, %dma_wait3A_255] : memref<16383x1024xf32, #tpu.memory_space<hbm>> -> memref<16x1024xf32, #tpu.memory_space<hbm>>
    %dma_wait3A_257 = arith.constant 0 : i32
    %dma_wait3A_258 = tpu.memref_slice %arg3[%multiple_of3A_254, %dma_wait3A_257] : memref<16383x1024xf32, #tpu.memory_space<hbm>> -> memref<16x1024xf32, #tpu.memory_space<hbm>>
    tpu.wait_dma2 semaphore(%arg25 : memref<!tpu.dma_semaphore, #tpu.memory_space<semaphore_mem>>) src(%arg7 : memref<16x1024xf32, #tpu.memory_space<vmem>>) dst(%dma_wait3A_258 : memref<16x1024xf32, #tpu.memory_space<hbm>>)
    %add3A_259 = arith.constant 144 : i32
    %add3A_260 = arith.addi %min3A_3, %add3A_259 : i32
    %multiple_of3A_261 = tpu.assume_multiple %add3A_260, 8 : i32
    %add3A_262 = arith.constant 8192 : i32
    %add3A_263 = arith.addi %multiple_of3A_261, %add3A_262 : i32
    %multiple_of3A_264 = tpu.assume_multiple %add3A_263, 8 : i32
    %dma_start3A_265 = arith.constant 0 : i32
    %dma_start3A_266 = tpu.memref_slice %arg2[%multiple_of3A_264, %dma_start3A_265] : memref<16383x1024xf32, #tpu.memory_space<hbm>> -> memref<16x1024xf32, #tpu.memory_space<hbm>>
    %dma_start3A_267 = arith.constant 0 : i32
    %dma_start3A_268 = tpu.memref_slice %arg2[%multiple_of3A_264, %dma_start3A_267] : memref<16383x1024xf32, #tpu.memory_space<hbm>> -> memref<16x1024xf32, #tpu.memory_space<hbm>>
    tpu.enqueue_dma source(%dma_start3A_268 : memref<16x1024xf32, #tpu.memory_space<hbm>>) target(%arg7 : memref<16x1024xf32, #tpu.memory_space<vmem>>) target_semaphore(%arg19 : memref<!tpu.dma_semaphore, #tpu.memory_space<semaphore_mem>>)
    %add3A_269 = arith.constant 128 : i32
    %add3A_270 = arith.addi %min3A_3, %add3A_269 : i32
    %multiple_of3A_271 = tpu.assume_multiple %add3A_270, 8 : i32
    %add3A_272 = arith.constant 8192 : i32
    %add3A_273 = arith.addi %multiple_of3A_271, %add3A_272 : i32
    %multiple_of3A_274 = tpu.assume_multiple %add3A_273, 8 : i32
    %dma_wait3A_275 = arith.constant 0 : i32
    %dma_wait3A_276 = tpu.memref_slice %arg2[%multiple_of3A_274, %dma_wait3A_275] : memref<16383x1024xf32, #tpu.memory_space<hbm>> -> memref<16x1024xf32, #tpu.memory_space<hbm>>
    %dma_wait3A_277 = arith.constant 0 : i32
    %dma_wait3A_278 = tpu.memref_slice %arg2[%multiple_of3A_274, %dma_wait3A_277] : memref<16383x1024xf32, #tpu.memory_space<hbm>> -> memref<16x1024xf32, #tpu.memory_space<hbm>>
    tpu.wait_dma2 semaphore(%arg18 : memref<!tpu.dma_semaphore, #tpu.memory_space<semaphore_mem>>) src(%dma_wait3A_278 : memref<16x1024xf32, #tpu.memory_space<hbm>>) dst(%arg6 : memref<16x1024xf32, #tpu.memory_space<vmem>>)
    %add3A_279 = arith.constant 128 : i32
    %add3A_280 = arith.addi %min3A_3, %add3A_279 : i32
    %multiple_of3A_281 = tpu.assume_multiple %add3A_280, 8 : i32
    %dma_start3A_282 = arith.constant 0 : i32
    %dma_start3A_283 = tpu.memref_slice %arg3[%multiple_of3A_281, %dma_start3A_282] : memref<16383x1024xf32, #tpu.memory_space<hbm>> -> memref<16x1024xf32, #tpu.memory_space<hbm>>
    %dma_start3A_284 = arith.constant 0 : i32
    %dma_start3A_285 = tpu.memref_slice %arg3[%multiple_of3A_281, %dma_start3A_284] : memref<16383x1024xf32, #tpu.memory_space<hbm>> -> memref<16x1024xf32, #tpu.memory_space<hbm>>
    tpu.enqueue_dma source(%arg6 : memref<16x1024xf32, #tpu.memory_space<vmem>>) target(%dma_start3A_285 : memref<16x1024xf32, #tpu.memory_space<hbm>>) target_semaphore(%arg24 : memref<!tpu.dma_semaphore, #tpu.memory_space<semaphore_mem>>)
    %add3A_286 = arith.constant 64 : i32
    %add3A_287 = arith.addi %min3A_3, %add3A_286 : i32
    %multiple_of3A_288 = tpu.assume_multiple %add3A_287, 8 : i32
    %dma_wait3A_289 = arith.constant 0 : i32
    %dma_wait3A_290 = tpu.memref_slice %arg3[%multiple_of3A_288, %dma_wait3A_289] : memref<16383x1024xf32, #tpu.memory_space<hbm>> -> memref<16x1024xf32, #tpu.memory_space<hbm>>
    %dma_wait3A_291 = arith.constant 0 : i32
    %dma_wait3A_292 = tpu.memref_slice %arg3[%multiple_of3A_288, %dma_wait3A_291] : memref<16383x1024xf32, #tpu.memory_space<hbm>> -> memref<16x1024xf32, #tpu.memory_space<hbm>>
    tpu.wait_dma2 semaphore(%arg26 : memref<!tpu.dma_semaphore, #tpu.memory_space<semaphore_mem>>) src(%arg8 : memref<16x1024xf32, #tpu.memory_space<vmem>>) dst(%dma_wait3A_292 : memref<16x1024xf32, #tpu.memory_space<hbm>>)
    %add3A_293 = arith.constant 160 : i32
    %add3A_294 = arith.addi %min3A_3, %add3A_293 : i32
    %multiple_of3A_295 = tpu.assume_multiple %add3A_294, 8 : i32
    %add3A_296 = arith.constant 8192 : i32
    %add3A_297 = arith.addi %multiple_of3A_295, %add3A_296 : i32
    %multiple_of3A_298 = tpu.assume_multiple %add3A_297, 8 : i32
    %dma_start3A_299 = arith.constant 0 : i32
    %dma_start3A_300 = tpu.memref_slice %arg2[%multiple_of3A_298, %dma_start3A_299] : memref<16383x1024xf32, #tpu.memory_space<hbm>> -> memref<16x1024xf32, #tpu.memory_space<hbm>>
    %dma_start3A_301 = arith.constant 0 : i32
    %dma_start3A_302 = tpu.memref_slice %arg2[%multiple_of3A_298, %dma_start3A_301] : memref<16383x1024xf32, #tpu.memory_space<hbm>> -> memref<16x1024xf32, #tpu.memory_space<hbm>>
    tpu.enqueue_dma source(%dma_start3A_302 : memref<16x1024xf32, #tpu.memory_space<hbm>>) target(%arg8 : memref<16x1024xf32, #tpu.memory_space<vmem>>) target_semaphore(%arg20 : memref<!tpu.dma_semaphore, #tpu.memory_space<semaphore_mem>>)
    %add3A_303 = arith.constant 144 : i32
    %add3A_304 = arith.addi %min3A_3, %add3A_303 : i32
    %multiple_of3A_305 = tpu.assume_multiple %add3A_304, 8 : i32
    %add3A_306 = arith.constant 8192 : i32
    %add3A_307 = arith.addi %multiple_of3A_305, %add3A_306 : i32
    %multiple_of3A_308 = tpu.assume_multiple %add3A_307, 8 : i32
    %dma_wait3A_309 = arith.constant 0 : i32
    %dma_wait3A_310 = tpu.memref_slice %arg2[%multiple_of3A_308, %dma_wait3A_309] : memref<16383x1024xf32, #tpu.memory_space<hbm>> -> memref<16x1024xf32, #tpu.memory_space<hbm>>
    %dma_wait3A_311 = arith.constant 0 : i32
    %dma_wait3A_312 = tpu.memref_slice %arg2[%multiple_of3A_308, %dma_wait3A_311] : memref<16383x1024xf32, #tpu.memory_space<hbm>> -> memref<16x1024xf32, #tpu.memory_space<hbm>>
    tpu.wait_dma2 semaphore(%arg19 : memref<!tpu.dma_semaphore, #tpu.memory_space<semaphore_mem>>) src(%dma_wait3A_312 : memref<16x1024xf32, #tpu.memory_space<hbm>>) dst(%arg7 : memref<16x1024xf32, #tpu.memory_space<vmem>>)
    %add3A_313 = arith.constant 144 : i32
    %add3A_314 = arith.addi %min3A_3, %add3A_313 : i32
    %multiple_of3A_315 = tpu.assume_multiple %add3A_314, 8 : i32
    %dma_start3A_316 = arith.constant 0 : i32
    %dma_start3A_317 = tpu.memref_slice %arg3[%multiple_of3A_315, %dma_start3A_316] : memref<16383x1024xf32, #tpu.memory_space<hbm>> -> memref<16x1024xf32, #tpu.memory_space<hbm>>
    %dma_start3A_318 = arith.constant 0 : i32
    %dma_start3A_319 = tpu.memref_slice %arg3[%multiple_of3A_315, %dma_start3A_318] : memref<16383x1024xf32, #tpu.memory_space<hbm>> -> memref<16x1024xf32, #tpu.memory_space<hbm>>
    tpu.enqueue_dma source(%arg7 : memref<16x1024xf32, #tpu.memory_space<vmem>>) target(%dma_start3A_319 : memref<16x1024xf32, #tpu.memory_space<hbm>>) target_semaphore(%arg25 : memref<!tpu.dma_semaphore, #tpu.memory_space<semaphore_mem>>)
    %add3A_320 = arith.constant 80 : i32
    %add3A_321 = arith.addi %min3A_3, %add3A_320 : i32
    %multiple_of3A_322 = tpu.assume_multiple %add3A_321, 8 : i32
    %dma_wait3A_323 = arith.constant 0 : i32
    %dma_wait3A_324 = tpu.memref_slice %arg3[%multiple_of3A_322, %dma_wait3A_323] : memref<16383x1024xf32, #tpu.memory_space<hbm>> -> memref<16x1024xf32, #tpu.memory_space<hbm>>
    %dma_wait3A_325 = arith.constant 0 : i32
    %dma_wait3A_326 = tpu.memref_slice %arg3[%multiple_of3A_322, %dma_wait3A_325] : memref<16383x1024xf32, #tpu.memory_space<hbm>> -> memref<16x1024xf32, #tpu.memory_space<hbm>>
    tpu.wait_dma2 semaphore(%arg27 : memref<!tpu.dma_semaphore, #tpu.memory_space<semaphore_mem>>) src(%arg9 : memref<16x1024xf32, #tpu.memory_space<vmem>>) dst(%dma_wait3A_326 : memref<16x1024xf32, #tpu.memory_space<hbm>>)
    %add3A_327 = arith.constant 176 : i32
    %add3A_328 = arith.addi %min3A_3, %add3A_327 : i32
    %multiple_of3A_329 = tpu.assume_multiple %add3A_328, 8 : i32
    %add3A_330 = arith.constant 8192 : i32
    %add3A_331 = arith.addi %multiple_of3A_329, %add3A_330 : i32
    %multiple_of3A_332 = tpu.assume_multiple %add3A_331, 8 : i32
    %dma_start3A_333 = arith.constant 0 : i32
    %dma_start3A_334 = tpu.memref_slice %arg2[%multiple_of3A_332, %dma_start3A_333] : memref<16383x1024xf32, #tpu.memory_space<hbm>> -> memref<16x1024xf32, #tpu.memory_space<hbm>>
    %dma_start3A_335 = arith.constant 0 : i32
    %dma_start3A_336 = tpu.memref_slice %arg2[%multiple_of3A_332, %dma_start3A_335] : memref<16383x1024xf32, #tpu.memory_space<hbm>> -> memref<16x1024xf32, #tpu.memory_space<hbm>>
    tpu.enqueue_dma source(%dma_start3A_336 : memref<16x1024xf32, #tpu.memory_space<hbm>>) target(%arg9 : memref<16x1024xf32, #tpu.memory_space<vmem>>) target_semaphore(%arg21 : memref<!tpu.dma_semaphore, #tpu.memory_space<semaphore_mem>>)
    %add3A_337 = arith.constant 160 : i32
    %add3A_338 = arith.addi %min3A_3, %add3A_337 : i32
    %multiple_of3A_339 = tpu.assume_multiple %add3A_338, 8 : i32
    %add3A_340 = arith.constant 8192 : i32
    %add3A_341 = arith.addi %multiple_of3A_339, %add3A_340 : i32
    %multiple_of3A_342 = tpu.assume_multiple %add3A_341, 8 : i32
    %dma_wait3A_343 = arith.constant 0 : i32
    %dma_wait3A_344 = tpu.memref_slice %arg2[%multiple_of3A_342, %dma_wait3A_343] : memref<16383x1024xf32, #tpu.memory_space<hbm>> -> memref<16x1024xf32, #tpu.memory_space<hbm>>
    %dma_wait3A_345 = arith.constant 0 : i32
    %dma_wait3A_346 = tpu.memref_slice %arg2[%multiple_of3A_342, %dma_wait3A_345] : memref<16383x1024xf32, #tpu.memory_space<hbm>> -> memref<16x1024xf32, #tpu.memory_space<hbm>>
    tpu.wait_dma2 semaphore(%arg20 : memref<!tpu.dma_semaphore, #tpu.memory_space<semaphore_mem>>) src(%dma_wait3A_346 : memref<16x1024xf32, #tpu.memory_space<hbm>>) dst(%arg8 : memref<16x1024xf32, #tpu.memory_space<vmem>>)
    %add3A_347 = arith.constant 160 : i32
    %add3A_348 = arith.addi %min3A_3, %add3A_347 : i32
    %multiple_of3A_349 = tpu.assume_multiple %add3A_348, 8 : i32
    %dma_start3A_350 = arith.constant 0 : i32
    %dma_start3A_351 = tpu.memref_slice %arg3[%multiple_of3A_349, %dma_start3A_350] : memref<16383x1024xf32, #tpu.memory_space<hbm>> -> memref<16x1024xf32, #tpu.memory_space<hbm>>
    %dma_start3A_352 = arith.constant 0 : i32
    %dma_start3A_353 = tpu.memref_slice %arg3[%multiple_of3A_349, %dma_start3A_352] : memref<16383x1024xf32, #tpu.memory_space<hbm>> -> memref<16x1024xf32, #tpu.memory_space<hbm>>
    tpu.enqueue_dma source(%arg8 : memref<16x1024xf32, #tpu.memory_space<vmem>>) target(%dma_start3A_353 : memref<16x1024xf32, #tpu.memory_space<hbm>>) target_semaphore(%arg26 : memref<!tpu.dma_semaphore, #tpu.memory_space<semaphore_mem>>)
    %add3A_354 = arith.constant 96 : i32
    %add3A_355 = arith.addi %min3A_3, %add3A_354 : i32
    %multiple_of3A_356 = tpu.assume_multiple %add3A_355, 8 : i32
    %dma_wait3A_357 = arith.constant 0 : i32
    %dma_wait3A_358 = tpu.memref_slice %arg3[%multiple_of3A_356, %dma_wait3A_357] : memref<16383x1024xf32, #tpu.memory_space<hbm>> -> memref<16x1024xf32, #tpu.memory_space<hbm>>
    %dma_wait3A_359 = arith.constant 0 : i32
    %dma_wait3A_360 = tpu.memref_slice %arg3[%multiple_of3A_356, %dma_wait3A_359] : memref<16383x1024xf32, #tpu.memory_space<hbm>> -> memref<16x1024xf32, #tpu.memory_space<hbm>>
    tpu.wait_dma2 semaphore(%arg22 : memref<!tpu.dma_semaphore, #tpu.memory_space<semaphore_mem>>) src(%arg4 : memref<16x1024xf32, #tpu.memory_space<vmem>>) dst(%dma_wait3A_360 : memref<16x1024xf32, #tpu.memory_space<hbm>>)
    %add3A_361 = arith.constant 192 : i32
    %add3A_362 = arith.addi %min3A_3, %add3A_361 : i32
    %multiple_of3A_363 = tpu.assume_multiple %add3A_362, 8 : i32
    %add3A_364 = arith.constant 8192 : i32
    %add3A_365 = arith.addi %multiple_of3A_363, %add3A_364 : i32
    %multiple_of3A_366 = tpu.assume_multiple %add3A_365, 8 : i32
    %dma_start3A_367 = arith.constant 0 : i32
    %dma_start3A_368 = tpu.memref_slice %arg2[%multiple_of3A_366, %dma_start3A_367] : memref<16383x1024xf32, #tpu.memory_space<hbm>> -> memref<16x1024xf32, #tpu.memory_space<hbm>>
    %dma_start3A_369 = arith.constant 0 : i32
    %dma_start3A_370 = tpu.memref_slice %arg2[%multiple_of3A_366, %dma_start3A_369] : memref<16383x1024xf32, #tpu.memory_space<hbm>> -> memref<16x1024xf32, #tpu.memory_space<hbm>>
    tpu.enqueue_dma source(%dma_start3A_370 : memref<16x1024xf32, #tpu.memory_space<hbm>>) target(%arg4 : memref<16x1024xf32, #tpu.memory_space<vmem>>) target_semaphore(%arg16 : memref<!tpu.dma_semaphore, #tpu.memory_space<semaphore_mem>>)
    %add3A_371 = arith.constant 176 : i32
    %add3A_372 = arith.addi %min3A_3, %add3A_371 : i32
    %multiple_of3A_373 = tpu.assume_multiple %add3A_372, 8 : i32
    %add3A_374 = arith.constant 8192 : i32
    %add3A_375 = arith.addi %multiple_of3A_373, %add3A_374 : i32
    %multiple_of3A_376 = tpu.assume_multiple %add3A_375, 8 : i32
    %dma_wait3A_377 = arith.constant 0 : i32
    %dma_wait3A_378 = tpu.memref_slice %arg2[%multiple_of3A_376, %dma_wait3A_377] : memref<16383x1024xf32, #tpu.memory_space<hbm>> -> memref<16x1024xf32, #tpu.memory_space<hbm>>
    %dma_wait3A_379 = arith.constant 0 : i32
    %dma_wait3A_380 = tpu.memref_slice %arg2[%multiple_of3A_376, %dma_wait3A_379] : memref<16383x1024xf32, #tpu.memory_space<hbm>> -> memref<16x1024xf32, #tpu.memory_space<hbm>>
    tpu.wait_dma2 semaphore(%arg21 : memref<!tpu.dma_semaphore, #tpu.memory_space<semaphore_mem>>) src(%dma_wait3A_380 : memref<16x1024xf32, #tpu.memory_space<hbm>>) dst(%arg9 : memref<16x1024xf32, #tpu.memory_space<vmem>>)
    %add3A_381 = arith.constant 176 : i32
    %add3A_382 = arith.addi %min3A_3, %add3A_381 : i32
    %multiple_of3A_383 = tpu.assume_multiple %add3A_382, 8 : i32
    %dma_start3A_384 = arith.constant 0 : i32
    %dma_start3A_385 = tpu.memref_slice %arg3[%multiple_of3A_383, %dma_start3A_384] : memref<16383x1024xf32, #tpu.memory_space<hbm>> -> memref<16x1024xf32, #tpu.memory_space<hbm>>
    %dma_start3A_386 = arith.constant 0 : i32
    %dma_start3A_387 = tpu.memref_slice %arg3[%multiple_of3A_383, %dma_start3A_386] : memref<16383x1024xf32, #tpu.memory_space<hbm>> -> memref<16x1024xf32, #tpu.memory_space<hbm>>
    tpu.enqueue_dma source(%arg9 : memref<16x1024xf32, #tpu.memory_space<vmem>>) target(%dma_start3A_387 : memref<16x1024xf32, #tpu.memory_space<hbm>>) target_semaphore(%arg27 : memref<!tpu.dma_semaphore, #tpu.memory_space<semaphore_mem>>)
    %add3A_388 = arith.constant 112 : i32
    %add3A_389 = arith.addi %min3A_3, %add3A_388 : i32
    %multiple_of3A_390 = tpu.assume_multiple %add3A_389, 8 : i32
    %dma_wait3A_391 = arith.constant 0 : i32
    %dma_wait3A_392 = tpu.memref_slice %arg3[%multiple_of3A_390, %dma_wait3A_391] : memref<16383x1024xf32, #tpu.memory_space<hbm>> -> memref<16x1024xf32, #tpu.memory_space<hbm>>
    %dma_wait3A_393 = arith.constant 0 : i32
    %dma_wait3A_394 = tpu.memref_slice %arg3[%multiple_of3A_390, %dma_wait3A_393] : memref<16383x1024xf32, #tpu.memory_space<hbm>> -> memref<16x1024xf32, #tpu.memory_space<hbm>>
    tpu.wait_dma2 semaphore(%arg23 : memref<!tpu.dma_semaphore, #tpu.memory_space<semaphore_mem>>) src(%arg5 : memref<16x1024xf32, #tpu.memory_space<vmem>>) dst(%dma_wait3A_394 : memref<16x1024xf32, #tpu.memory_space<hbm>>)
    %add3A_395 = arith.constant 208 : i32
    %add3A_396 = arith.addi %min3A_3, %add3A_395 : i32
    %multiple_of3A_397 = tpu.assume_multiple %add3A_396, 8 : i32
    %add3A_398 = arith.constant 8192 : i32
    %add3A_399 = arith.addi %multiple_of3A_397, %add3A_398 : i32
    %multiple_of3A_400 = tpu.assume_multiple %add3A_399, 8 : i32
    %dma_start3A_401 = arith.constant 0 : i32
    %dma_start3A_402 = tpu.memref_slice %arg2[%multiple_of3A_400, %dma_start3A_401] : memref<16383x1024xf32, #tpu.memory_space<hbm>> -> memref<16x1024xf32, #tpu.memory_space<hbm>>
    %dma_start3A_403 = arith.constant 0 : i32
    %dma_start3A_404 = tpu.memref_slice %arg2[%multiple_of3A_400, %dma_start3A_403] : memref<16383x1024xf32, #tpu.memory_space<hbm>> -> memref<16x1024xf32, #tpu.memory_space<hbm>>
    tpu.enqueue_dma source(%dma_start3A_404 : memref<16x1024xf32, #tpu.memory_space<hbm>>) target(%arg5 : memref<16x1024xf32, #tpu.memory_space<vmem>>) target_semaphore(%arg17 : memref<!tpu.dma_semaphore, #tpu.memory_space<semaphore_mem>>)
    %add3A_405 = arith.constant 192 : i32
    %add3A_406 = arith.addi %min3A_3, %add3A_405 : i32
    %multiple_of3A_407 = tpu.assume_multiple %add3A_406, 8 : i32
    %add3A_408 = arith.constant 8192 : i32
    %add3A_409 = arith.addi %multiple_of3A_407, %add3A_408 : i32
    %multiple_of3A_410 = tpu.assume_multiple %add3A_409, 8 : i32
    %dma_wait3A_411 = arith.constant 0 : i32
    %dma_wait3A_412 = tpu.memref_slice %arg2[%multiple_of3A_410, %dma_wait3A_411] : memref<16383x1024xf32, #tpu.memory_space<hbm>> -> memref<16x1024xf32, #tpu.memory_space<hbm>>
    %dma_wait3A_413 = arith.constant 0 : i32
    %dma_wait3A_414 = tpu.memref_slice %arg2[%multiple_of3A_410, %dma_wait3A_413] : memref<16383x1024xf32, #tpu.memory_space<hbm>> -> memref<16x1024xf32, #tpu.memory_space<hbm>>
    tpu.wait_dma2 semaphore(%arg16 : memref<!tpu.dma_semaphore, #tpu.memory_space<semaphore_mem>>) src(%dma_wait3A_414 : memref<16x1024xf32, #tpu.memory_space<hbm>>) dst(%arg4 : memref<16x1024xf32, #tpu.memory_space<vmem>>)
    %add3A_415 = arith.constant 192 : i32
    %add3A_416 = arith.addi %min3A_3, %add3A_415 : i32
    %multiple_of3A_417 = tpu.assume_multiple %add3A_416, 8 : i32
    %dma_start3A_418 = arith.constant 0 : i32
    %dma_start3A_419 = tpu.memref_slice %arg3[%multiple_of3A_417, %dma_start3A_418] : memref<16383x1024xf32, #tpu.memory_space<hbm>> -> memref<16x1024xf32, #tpu.memory_space<hbm>>
    %dma_start3A_420 = arith.constant 0 : i32
    %dma_start3A_421 = tpu.memref_slice %arg3[%multiple_of3A_417, %dma_start3A_420] : memref<16383x1024xf32, #tpu.memory_space<hbm>> -> memref<16x1024xf32, #tpu.memory_space<hbm>>
    tpu.enqueue_dma source(%arg4 : memref<16x1024xf32, #tpu.memory_space<vmem>>) target(%dma_start3A_421 : memref<16x1024xf32, #tpu.memory_space<hbm>>) target_semaphore(%arg22 : memref<!tpu.dma_semaphore, #tpu.memory_space<semaphore_mem>>)
    %add3A_422 = arith.constant 128 : i32
    %add3A_423 = arith.addi %min3A_3, %add3A_422 : i32
    %multiple_of3A_424 = tpu.assume_multiple %add3A_423, 8 : i32
    %dma_wait3A_425 = arith.constant 0 : i32
    %dma_wait3A_426 = tpu.memref_slice %arg3[%multiple_of3A_424, %dma_wait3A_425] : memref<16383x1024xf32, #tpu.memory_space<hbm>> -> memref<16x1024xf32, #tpu.memory_space<hbm>>
    %dma_wait3A_427 = arith.constant 0 : i32
    %dma_wait3A_428 = tpu.memref_slice %arg3[%multiple_of3A_424, %dma_wait3A_427] : memref<16383x1024xf32, #tpu.memory_space<hbm>> -> memref<16x1024xf32, #tpu.memory_space<hbm>>
    tpu.wait_dma2 semaphore(%arg24 : memref<!tpu.dma_semaphore, #tpu.memory_space<semaphore_mem>>) src(%arg6 : memref<16x1024xf32, #tpu.memory_space<vmem>>) dst(%dma_wait3A_428 : memref<16x1024xf32, #tpu.memory_space<hbm>>)
    %add3A_429 = arith.constant 224 : i32
    %add3A_430 = arith.addi %min3A_3, %add3A_429 : i32
    %multiple_of3A_431 = tpu.assume_multiple %add3A_430, 8 : i32
    %add3A_432 = arith.constant 8192 : i32
    %add3A_433 = arith.addi %multiple_of3A_431, %add3A_432 : i32
    %multiple_of3A_434 = tpu.assume_multiple %add3A_433, 8 : i32
    %dma_start3A_435 = arith.constant 0 : i32
    %dma_start3A_436 = tpu.memref_slice %arg2[%multiple_of3A_434, %dma_start3A_435] : memref<16383x1024xf32, #tpu.memory_space<hbm>> -> memref<16x1024xf32, #tpu.memory_space<hbm>>
    %dma_start3A_437 = arith.constant 0 : i32
    %dma_start3A_438 = tpu.memref_slice %arg2[%multiple_of3A_434, %dma_start3A_437] : memref<16383x1024xf32, #tpu.memory_space<hbm>> -> memref<16x1024xf32, #tpu.memory_space<hbm>>
    tpu.enqueue_dma source(%dma_start3A_438 : memref<16x1024xf32, #tpu.memory_space<hbm>>) target(%arg6 : memref<16x1024xf32, #tpu.memory_space<vmem>>) target_semaphore(%arg18 : memref<!tpu.dma_semaphore, #tpu.memory_space<semaphore_mem>>)
    %add3A_439 = arith.constant 208 : i32
    %add3A_440 = arith.addi %min3A_3, %add3A_439 : i32
    %multiple_of3A_441 = tpu.assume_multiple %add3A_440, 8 : i32
    %add3A_442 = arith.constant 8192 : i32
    %add3A_443 = arith.addi %multiple_of3A_441, %add3A_442 : i32
    %multiple_of3A_444 = tpu.assume_multiple %add3A_443, 8 : i32
    %dma_wait3A_445 = arith.constant 0 : i32
    %dma_wait3A_446 = tpu.memref_slice %arg2[%multiple_of3A_444, %dma_wait3A_445] : memref<16383x1024xf32, #tpu.memory_space<hbm>> -> memref<16x1024xf32, #tpu.memory_space<hbm>>
    %dma_wait3A_447 = arith.constant 0 : i32
    %dma_wait3A_448 = tpu.memref_slice %arg2[%multiple_of3A_444, %dma_wait3A_447] : memref<16383x1024xf32, #tpu.memory_space<hbm>> -> memref<16x1024xf32, #tpu.memory_space<hbm>>
    tpu.wait_dma2 semaphore(%arg17 : memref<!tpu.dma_semaphore, #tpu.memory_space<semaphore_mem>>) src(%dma_wait3A_448 : memref<16x1024xf32, #tpu.memory_space<hbm>>) dst(%arg5 : memref<16x1024xf32, #tpu.memory_space<vmem>>)
    %add3A_449 = arith.constant 208 : i32
    %add3A_450 = arith.addi %min3A_3, %add3A_449 : i32
    %multiple_of3A_451 = tpu.assume_multiple %add3A_450, 8 : i32
    %dma_start3A_452 = arith.constant 0 : i32
    %dma_start3A_453 = tpu.memref_slice %arg3[%multiple_of3A_451, %dma_start3A_452] : memref<16383x1024xf32, #tpu.memory_space<hbm>> -> memref<16x1024xf32, #tpu.memory_space<hbm>>
    %dma_start3A_454 = arith.constant 0 : i32
    %dma_start3A_455 = tpu.memref_slice %arg3[%multiple_of3A_451, %dma_start3A_454] : memref<16383x1024xf32, #tpu.memory_space<hbm>> -> memref<16x1024xf32, #tpu.memory_space<hbm>>
    tpu.enqueue_dma source(%arg5 : memref<16x1024xf32, #tpu.memory_space<vmem>>) target(%dma_start3A_455 : memref<16x1024xf32, #tpu.memory_space<hbm>>) target_semaphore(%arg23 : memref<!tpu.dma_semaphore, #tpu.memory_space<semaphore_mem>>)
    %add3A_456 = arith.constant 144 : i32
    %add3A_457 = arith.addi %min3A_3, %add3A_456 : i32
    %multiple_of3A_458 = tpu.assume_multiple %add3A_457, 8 : i32
    %dma_wait3A_459 = arith.constant 0 : i32
    %dma_wait3A_460 = tpu.memref_slice %arg3[%multiple_of3A_458, %dma_wait3A_459] : memref<16383x1024xf32, #tpu.memory_space<hbm>> -> memref<16x1024xf32, #tpu.memory_space<hbm>>
    %dma_wait3A_461 = arith.constant 0 : i32
    %dma_wait3A_462 = tpu.memref_slice %arg3[%multiple_of3A_458, %dma_wait3A_461] : memref<16383x1024xf32, #tpu.memory_space<hbm>> -> memref<16x1024xf32, #tpu.memory_space<hbm>>
    tpu.wait_dma2 semaphore(%arg25 : memref<!tpu.dma_semaphore, #tpu.memory_space<semaphore_mem>>) src(%arg7 : memref<16x1024xf32, #tpu.memory_space<vmem>>) dst(%dma_wait3A_462 : memref<16x1024xf32, #tpu.memory_space<hbm>>)
    %add3A_463 = arith.constant 240 : i32
    %add3A_464 = arith.addi %min3A_3, %add3A_463 : i32
    %multiple_of3A_465 = tpu.assume_multiple %add3A_464, 8 : i32
    %add3A_466 = arith.constant 8192 : i32
    %add3A_467 = arith.addi %multiple_of3A_465, %add3A_466 : i32
    %multiple_of3A_468 = tpu.assume_multiple %add3A_467, 8 : i32
    %dma_start3A_469 = arith.constant 0 : i32
    %dma_start3A_470 = tpu.memref_slice %arg2[%multiple_of3A_468, %dma_start3A_469] : memref<16383x1024xf32, #tpu.memory_space<hbm>> -> memref<16x1024xf32, #tpu.memory_space<hbm>>
    %dma_start3A_471 = arith.constant 0 : i32
    %dma_start3A_472 = tpu.memref_slice %arg2[%multiple_of3A_468, %dma_start3A_471] : memref<16383x1024xf32, #tpu.memory_space<hbm>> -> memref<16x1024xf32, #tpu.memory_space<hbm>>
    tpu.enqueue_dma source(%dma_start3A_472 : memref<16x1024xf32, #tpu.memory_space<hbm>>) target(%arg7 : memref<16x1024xf32, #tpu.memory_space<vmem>>) target_semaphore(%arg19 : memref<!tpu.dma_semaphore, #tpu.memory_space<semaphore_mem>>)
    %add3A_473 = arith.constant 224 : i32
    %add3A_474 = arith.addi %min3A_3, %add3A_473 : i32
    %multiple_of3A_475 = tpu.assume_multiple %add3A_474, 8 : i32
    %add3A_476 = arith.constant 8192 : i32
    %add3A_477 = arith.addi %multiple_of3A_475, %add3A_476 : i32
    %multiple_of3A_478 = tpu.assume_multiple %add3A_477, 8 : i32
    %dma_wait3A_479 = arith.constant 0 : i32
    %dma_wait3A_480 = tpu.memref_slice %arg2[%multiple_of3A_478, %dma_wait3A_479] : memref<16383x1024xf32, #tpu.memory_space<hbm>> -> memref<16x1024xf32, #tpu.memory_space<hbm>>
    %dma_wait3A_481 = arith.constant 0 : i32
    %dma_wait3A_482 = tpu.memref_slice %arg2[%multiple_of3A_478, %dma_wait3A_481] : memref<16383x1024xf32, #tpu.memory_space<hbm>> -> memref<16x1024xf32, #tpu.memory_space<hbm>>
    tpu.wait_dma2 semaphore(%arg18 : memref<!tpu.dma_semaphore, #tpu.memory_space<semaphore_mem>>) src(%dma_wait3A_482 : memref<16x1024xf32, #tpu.memory_space<hbm>>) dst(%arg6 : memref<16x1024xf32, #tpu.memory_space<vmem>>)
    %add3A_483 = arith.constant 224 : i32
    %add3A_484 = arith.addi %min3A_3, %add3A_483 : i32
    %multiple_of3A_485 = tpu.assume_multiple %add3A_484, 8 : i32
    %dma_start3A_486 = arith.constant 0 : i32
    %dma_start3A_487 = tpu.memref_slice %arg3[%multiple_of3A_485, %dma_start3A_486] : memref<16383x1024xf32, #tpu.memory_space<hbm>> -> memref<16x1024xf32, #tpu.memory_space<hbm>>
    %dma_start3A_488 = arith.constant 0 : i32
    %dma_start3A_489 = tpu.memref_slice %arg3[%multiple_of3A_485, %dma_start3A_488] : memref<16383x1024xf32, #tpu.memory_space<hbm>> -> memref<16x1024xf32, #tpu.memory_space<hbm>>
    tpu.enqueue_dma source(%arg6 : memref<16x1024xf32, #tpu.memory_space<vmem>>) target(%dma_start3A_489 : memref<16x1024xf32, #tpu.memory_space<hbm>>) target_semaphore(%arg24 : memref<!tpu.dma_semaphore, #tpu.memory_space<semaphore_mem>>)
    %add3A_490 = arith.constant 160 : i32
    %add3A_491 = arith.addi %min3A_3, %add3A_490 : i32
    %multiple_of3A_492 = tpu.assume_multiple %add3A_491, 8 : i32
    %dma_wait3A_493 = arith.constant 0 : i32
    %dma_wait3A_494 = tpu.memref_slice %arg3[%multiple_of3A_492, %dma_wait3A_493] : memref<16383x1024xf32, #tpu.memory_space<hbm>> -> memref<16x1024xf32, #tpu.memory_space<hbm>>
    %dma_wait3A_495 = arith.constant 0 : i32
    %dma_wait3A_496 = tpu.memref_slice %arg3[%multiple_of3A_492, %dma_wait3A_495] : memref<16383x1024xf32, #tpu.memory_space<hbm>> -> memref<16x1024xf32, #tpu.memory_space<hbm>>
    tpu.wait_dma2 semaphore(%arg26 : memref<!tpu.dma_semaphore, #tpu.memory_space<semaphore_mem>>) src(%arg8 : memref<16x1024xf32, #tpu.memory_space<vmem>>) dst(%dma_wait3A_496 : memref<16x1024xf32, #tpu.memory_space<hbm>>)
    %add3A_497 = arith.constant 0 : i32
    %add3A_498 = arith.addi %add3A_7, %add3A_497 : i32
    %add3A_499 = arith.constant 8192 : i32
    %add3A_500 = arith.addi %add3A_498, %add3A_499 : i32
    %add3A_501 = vector.broadcast %add3A_500 : i32 to vector<16xi32>
    %add3A_502 = arith.addi %add3A_501, %iota3A : vector<16xi32>
    %ge3A = arith.constant 16383 : i32
    %ge3A_503 = vector.broadcast %ge3A : i32 to vector<16xi32>
    %ge3A_504 = arith.cmpi sge, %add3A_502, %ge3A_503 : vector<16xi32>
    %sub3A = arith.constant 16383 : i32
    %sub3A_505 = vector.broadcast %sub3A : i32 to vector<16xi32>
    %sub3A_506 = arith.subi %add3A_502, %sub3A_505 : vector<16xi32>
    %select_n3A = arith.select %ge3A_504, %sub3A_506, %add3A_502 : vector<16xi1>, vector<16xi32>
    %swap3A = arith.constant 0 : index
    %swap3A_507 = tpu.vector_load %arg14[%swap3A] {strides = array<i32>} : memref<16xi32, #tpu.memory_space<vmem>>, vector<16xi32>,
    %swap3A_508 = vector.shape_cast %swap3A_507 : vector<16xi32> to vector<16xi32>
    %swap3A_509 = vector.shape_cast %select_n3A : vector<16xi32> to vector<16xi32>
    tpu.vector_store %arg14[%swap3A], %swap3A_509 {strides = array<i32>} : memref<16xi32, #tpu.memory_space<vmem>>, vector<16xi32>,
    %dma_start3A_510 = arith.constant 0 : i32
    %dma_start3A_511 = arith.constant 0 : i32
    %dma_start3A_512 = tpu.memref_slice %arg2[%dma_start3A_510, %dma_start3A_511] : memref<16383x1024xf32, #tpu.memory_space<hbm>> -> memref<16383x1024xf32, #tpu.memory_space<hbm>>
    tpu.enqueue_indirect_dma source(%dma_start3A_512 : memref<16383x1024xf32, #tpu.memory_space<hbm>>) target(%arg8 : memref<16x1024xf32, #tpu.memory_space<vmem>>) offsets(%arg14 : memref<16xi32, #tpu.memory_space<vmem>>) semaphore(%arg20 : memref<!tpu.dma_semaphore, #tpu.memory_space<semaphore_mem>>)
    %add3A_513 = arith.constant 240 : i32
    %add3A_514 = arith.addi %min3A_3, %add3A_513 : i32
    %multiple_of3A_515 = tpu.assume_multiple %add3A_514, 8 : i32
    %add3A_516 = arith.constant 8192 : i32
    %add3A_517 = arith.addi %multiple_of3A_515, %add3A_516 : i32
    %multiple_of3A_518 = tpu.assume_multiple %add3A_517, 8 : i32
    %dma_wait3A_519 = arith.constant 0 : i32
    %dma_wait3A_520 = tpu.memref_slice %arg2[%multiple_of3A_518, %dma_wait3A_519] : memref<16383x1024xf32, #tpu.memory_space<hbm>> -> memref<16x1024xf32, #tpu.memory_space<hbm>>
    %dma_wait3A_521 = arith.constant 0 : i32
    %dma_wait3A_522 = tpu.memref_slice %arg2[%multiple_of3A_518, %dma_wait3A_521] : memref<16383x1024xf32, #tpu.memory_space<hbm>> -> memref<16x1024xf32, #tpu.memory_space<hbm>>
    tpu.wait_dma2 semaphore(%arg19 : memref<!tpu.dma_semaphore, #tpu.memory_space<semaphore_mem>>) src(%dma_wait3A_522 : memref<16x1024xf32, #tpu.memory_space<hbm>>) dst(%arg7 : memref<16x1024xf32, #tpu.memory_space<vmem>>)
    %add3A_523 = arith.constant 240 : i32
    %add3A_524 = arith.addi %min3A_3, %add3A_523 : i32
    %multiple_of3A_525 = tpu.assume_multiple %add3A_524, 8 : i32
    %dma_start3A_526 = arith.constant 0 : i32
    %dma_start3A_527 = tpu.memref_slice %arg3[%multiple_of3A_525, %dma_start3A_526] : memref<16383x1024xf32, #tpu.memory_space<hbm>> -> memref<16x1024xf32, #tpu.memory_space<hbm>>
    %dma_start3A_528 = arith.constant 0 : i32
    %dma_start3A_529 = tpu.memref_slice %arg3[%multiple_of3A_525, %dma_start3A_528] : memref<16383x1024xf32, #tpu.memory_space<hbm>> -> memref<16x1024xf32, #tpu.memory_space<hbm>>
    tpu.enqueue_dma source(%arg7 : memref<16x1024xf32, #tpu.memory_space<vmem>>) target(%dma_start3A_529 : memref<16x1024xf32, #tpu.memory_space<hbm>>) target_semaphore(%arg25 : memref<!tpu.dma_semaphore, #tpu.memory_space<semaphore_mem>>)
    %add3A_530 = arith.constant 176 : i32
    %add3A_531 = arith.addi %min3A_3, %add3A_530 : i32
    %multiple_of3A_532 = tpu.assume_multiple %add3A_531, 8 : i32
    %dma_wait3A_533 = arith.constant 0 : i32
    %dma_wait3A_534 = tpu.memref_slice %arg3[%multiple_of3A_532, %dma_wait3A_533] : memref<16383x1024xf32, #tpu.memory_space<hbm>> -> memref<16x1024xf32, #tpu.memory_space<hbm>>
    %dma_wait3A_535 = arith.constant 0 : i32
    %dma_wait3A_536 = tpu.memref_slice %arg3[%multiple_of3A_532, %dma_wait3A_535] : memref<16383x1024xf32, #tpu.memory_space<hbm>> -> memref<16x1024xf32, #tpu.memory_space<hbm>>
    tpu.wait_dma2 semaphore(%arg27 : memref<!tpu.dma_semaphore, #tpu.memory_space<semaphore_mem>>) src(%arg9 : memref<16x1024xf32, #tpu.memory_space<vmem>>) dst(%dma_wait3A_536 : memref<16x1024xf32, #tpu.memory_space<hbm>>)
    %add3A_537 = arith.constant 16 : i32
    %add3A_538 = arith.addi %add3A_7, %add3A_537 : i32
    %add3A_539 = arith.constant 8192 : i32
    %add3A_540 = arith.addi %add3A_538, %add3A_539 : i32
    %add3A_541 = vector.broadcast %add3A_540 : i32 to vector<16xi32>
    %add3A_542 = arith.addi %add3A_541, %iota3A : vector<16xi32>
    %ge3A_543 = arith.constant 16383 : i32
    %ge3A_544 = vector.broadcast %ge3A_543 : i32 to vector<16xi32>
    %ge3A_545 = arith.cmpi sge, %add3A_542, %ge3A_544 : vector<16xi32>
    %sub3A_546 = arith.constant 16383 : i32
    %sub3A_547 = vector.broadcast %sub3A_546 : i32 to vector<16xi32>
    %sub3A_548 = arith.subi %add3A_542, %sub3A_547 : vector<16xi32>
    %select_n3A_549 = arith.select %ge3A_545, %sub3A_548, %add3A_542 : vector<16xi1>, vector<16xi32>
    %swap3A_550 = arith.constant 0 : index
    %swap3A_551 = tpu.vector_load %arg15[%swap3A_550] {strides = array<i32>} : memref<16xi32, #tpu.memory_space<vmem>>, vector<16xi32>,
    %swap3A_552 = vector.shape_cast %swap3A_551 : vector<16xi32> to vector<16xi32>
    %swap3A_553 = vector.shape_cast %select_n3A_549 : vector<16xi32> to vector<16xi32>
    tpu.vector_store %arg15[%swap3A_550], %swap3A_553 {strides = array<i32>} : memref<16xi32, #tpu.memory_space<vmem>>, vector<16xi32>,
    %dma_start3A_554 = arith.constant 0 : i32
    %dma_start3A_555 = arith.constant 0 : i32
    %dma_start3A_556 = tpu.memref_slice %arg2[%dma_start3A_554, %dma_start3A_555] : memref<16383x1024xf32, #tpu.memory_space<hbm>> -> memref<16383x1024xf32, #tpu.memory_space<hbm>>
    tpu.enqueue_indirect_dma source(%dma_start3A_556 : memref<16383x1024xf32, #tpu.memory_space<hbm>>) target(%arg9 : memref<16x1024xf32, #tpu.memory_space<vmem>>) offsets(%arg15 : memref<16xi32, #tpu.memory_space<vmem>>) semaphore(%arg21 : memref<!tpu.dma_semaphore, #tpu.memory_space<semaphore_mem>>)
    %dma_wait3A_557 = arith.constant 0 : i32
    %dma_wait3A_558 = arith.constant 0 : i32
    %dma_wait3A_559 = tpu.memref_slice %arg2[%dma_wait3A_557, %dma_wait3A_558] : memref<16383x1024xf32, #tpu.memory_space<hbm>> -> memref<16383x1024xf32, #tpu.memory_space<hbm>>
    tpu.wait_indirect_dma semaphore(%arg20 : memref<!tpu.dma_semaphore, #tpu.memory_space<semaphore_mem>>) src(%dma_wait3A_559 : memref<16383x1024xf32, #tpu.memory_space<hbm>>) dst(%arg8 : memref<16x1024xf32, #tpu.memory_space<vmem>>)
    %add3A_560 = arith.constant 0 : i32
    %add3A_561 = arith.addi %add3A_7, %add3A_560 : i32
    %multiple_of3A_562 = tpu.assume_multiple %add3A_561, 8 : i32
    %dma_start3A_563 = arith.constant 0 : i32
    %dma_start3A_564 = tpu.memref_slice %arg3[%multiple_of3A_562, %dma_start3A_563] : memref<16383x1024xf32, #tpu.memory_space<hbm>> -> memref<16x1024xf32, #tpu.memory_space<hbm>>
    %dma_start3A_565 = arith.constant 0 : i32
    %dma_start3A_566 = tpu.memref_slice %arg3[%multiple_of3A_562, %dma_start3A_565] : memref<16383x1024xf32, #tpu.memory_space<hbm>> -> memref<16x1024xf32, #tpu.memory_space<hbm>>
    tpu.enqueue_dma source(%arg8 : memref<16x1024xf32, #tpu.memory_space<vmem>>) target(%dma_start3A_566 : memref<16x1024xf32, #tpu.memory_space<hbm>>) target_semaphore(%arg26 : memref<!tpu.dma_semaphore, #tpu.memory_space<semaphore_mem>>)
    %add3A_567 = arith.constant 192 : i32
    %add3A_568 = arith.addi %min3A_3, %add3A_567 : i32
    %multiple_of3A_569 = tpu.assume_multiple %add3A_568, 8 : i32
    %dma_wait3A_570 = arith.constant 0 : i32
    %dma_wait3A_571 = tpu.memref_slice %arg3[%multiple_of3A_569, %dma_wait3A_570] : memref<16383x1024xf32, #tpu.memory_space<hbm>> -> memref<16x1024xf32, #tpu.memory_space<hbm>>
    %dma_wait3A_572 = arith.constant 0 : i32
    %dma_wait3A_573 = tpu.memref_slice %arg3[%multiple_of3A_569, %dma_wait3A_572] : memref<16383x1024xf32, #tpu.memory_space<hbm>> -> memref<16x1024xf32, #tpu.memory_space<hbm>>
    tpu.wait_dma2 semaphore(%arg22 : memref<!tpu.dma_semaphore, #tpu.memory_space<semaphore_mem>>) src(%arg4 : memref<16x1024xf32, #tpu.memory_space<vmem>>) dst(%dma_wait3A_573 : memref<16x1024xf32, #tpu.memory_space<hbm>>)
    %add3A_574 = arith.constant 32 : i32
    %add3A_575 = arith.addi %add3A_7, %add3A_574 : i32
    %add3A_576 = arith.constant 8192 : i32
    %add3A_577 = arith.addi %add3A_575, %add3A_576 : i32
    %add3A_578 = vector.broadcast %add3A_577 : i32 to vector<16xi32>
    %add3A_579 = arith.addi %add3A_578, %iota3A : vector<16xi32>
    %ge3A_580 = arith.constant 16383 : i32
    %ge3A_581 = vector.broadcast %ge3A_580 : i32 to vector<16xi32>
    %ge3A_582 = arith.cmpi sge, %add3A_579, %ge3A_581 : vector<16xi32>
    %sub3A_583 = arith.constant 16383 : i32
    %sub3A_584 = vector.broadcast %sub3A_583 : i32 to vector<16xi32>
    %sub3A_585 = arith.subi %add3A_579, %sub3A_584 : vector<16xi32>
    %select_n3A_586 = arith.select %ge3A_582, %sub3A_585, %add3A_579 : vector<16xi1>, vector<16xi32>
    %swap3A_587 = arith.constant 0 : index
    %swap3A_588 = tpu.vector_load %arg10[%swap3A_587] {strides = array<i32>} : memref<16xi32, #tpu.memory_space<vmem>>, vector<16xi32>,
    %swap3A_589 = vector.shape_cast %swap3A_588 : vector<16xi32> to vector<16xi32>
    %swap3A_590 = vector.shape_cast %select_n3A_586 : vector<16xi32> to vector<16xi32>
    tpu.vector_store %arg10[%swap3A_587], %swap3A_590 {strides = array<i32>} : memref<16xi32, #tpu.memory_space<vmem>>, vector<16xi32>,
    %dma_start3A_591 = arith.constant 0 : i32
    %dma_start3A_592 = arith.constant 0 : i32
    %dma_start3A_593 = tpu.memref_slice %arg2[%dma_start3A_591, %dma_start3A_592] : memref<16383x1024xf32, #tpu.memory_space<hbm>> -> memref<16383x1024xf32, #tpu.memory_space<hbm>>
    tpu.enqueue_indirect_dma source(%dma_start3A_593 : memref<16383x1024xf32, #tpu.memory_space<hbm>>) target(%arg4 : memref<16x1024xf32, #tpu.memory_space<vmem>>) offsets(%arg10 : memref<16xi32, #tpu.memory_space<vmem>>) semaphore(%arg16 : memref<!tpu.dma_semaphore, #tpu.memory_space<semaphore_mem>>)
    %dma_wait3A_594 = arith.constant 0 : i32
    %dma_wait3A_595 = arith.constant 0 : i32
    %dma_wait3A_596 = tpu.memref_slice %arg2[%dma_wait3A_594, %dma_wait3A_595] : memref<16383x1024xf32, #tpu.memory_space<hbm>> -> memref<16383x1024xf32, #tpu.memory_space<hbm>>
    tpu.wait_indirect_dma semaphore(%arg21 : memref<!tpu.dma_semaphore, #tpu.memory_space<semaphore_mem>>) src(%dma_wait3A_596 : memref<16383x1024xf32, #tpu.memory_space<hbm>>) dst(%arg9 : memref<16x1024xf32, #tpu.memory_space<vmem>>)
    %add3A_597 = arith.constant 16 : i32
    %add3A_598 = arith.addi %add3A_7, %add3A_597 : i32
    %multiple_of3A_599 = tpu.assume_multiple %add3A_598, 8 : i32
    %dma_start3A_600 = arith.constant 0 : i32
    %dma_start3A_601 = tpu.memref_slice %arg3[%multiple_of3A_599, %dma_start3A_600] : memref<16383x1024xf32, #tpu.memory_space<hbm>> -> memref<16x1024xf32, #tpu.memory_space<hbm>>
    %dma_start3A_602 = arith.constant 0 : i32
    %dma_start3A_603 = tpu.memref_slice %arg3[%multiple_of3A_599, %dma_start3A_602] : memref<16383x1024xf32, #tpu.memory_space<hbm>> -> memref<16x1024xf32, #tpu.memory_space<hbm>>
    tpu.enqueue_dma source(%arg9 : memref<16x1024xf32, #tpu.memory_space<vmem>>) target(%dma_start3A_603 : memref<16x1024xf32, #tpu.memory_space<hbm>>) target_semaphore(%arg27 : memref<!tpu.dma_semaphore, #tpu.memory_space<semaphore_mem>>)
    %add3A_604 = arith.constant 208 : i32
    %add3A_605 = arith.addi %min3A_3, %add3A_604 : i32
    %multiple_of3A_606 = tpu.assume_multiple %add3A_605, 8 : i32
    %dma_wait3A_607 = arith.constant 0 : i32
    %dma_wait3A_608 = tpu.memref_slice %arg3[%multiple_of3A_606, %dma_wait3A_607] : memref<16383x1024xf32, #tpu.memory_space<hbm>> -> memref<16x1024xf32, #tpu.memory_space<hbm>>
    %dma_wait3A_609 = arith.constant 0 : i32
    %dma_wait3A_610 = tpu.memref_slice %arg3[%multiple_of3A_606, %dma_wait3A_609] : memref<16383x1024xf32, #tpu.memory_space<hbm>> -> memref<16x1024xf32, #tpu.memory_space<hbm>>
    tpu.wait_dma2 semaphore(%arg23 : memref<!tpu.dma_semaphore, #tpu.memory_space<semaphore_mem>>) src(%arg5 : memref<16x1024xf32, #tpu.memory_space<vmem>>) dst(%dma_wait3A_610 : memref<16x1024xf32, #tpu.memory_space<hbm>>)
    %add3A_611 = arith.constant 48 : i32
    %add3A_612 = arith.addi %add3A_7, %add3A_611 : i32
    %add3A_613 = arith.constant 8192 : i32
    %add3A_614 = arith.addi %add3A_612, %add3A_613 : i32
    %add3A_615 = vector.broadcast %add3A_614 : i32 to vector<16xi32>
    %add3A_616 = arith.addi %add3A_615, %iota3A : vector<16xi32>
    %ge3A_617 = arith.constant 16383 : i32
    %ge3A_618 = vector.broadcast %ge3A_617 : i32 to vector<16xi32>
    %ge3A_619 = arith.cmpi sge, %add3A_616, %ge3A_618 : vector<16xi32>
    %sub3A_620 = arith.constant 16383 : i32
    %sub3A_621 = vector.broadcast %sub3A_620 : i32 to vector<16xi32>
    %sub3A_622 = arith.subi %add3A_616, %sub3A_621 : vector<16xi32>
    %select_n3A_623 = arith.select %ge3A_619, %sub3A_622, %add3A_616 : vector<16xi1>, vector<16xi32>
    %swap3A_624 = arith.constant 0 : index
    %swap3A_625 = tpu.vector_load %arg11[%swap3A_624] {strides = array<i32>} : memref<16xi32, #tpu.memory_space<vmem>>, vector<16xi32>,
    %swap3A_626 = vector.shape_cast %swap3A_625 : vector<16xi32> to vector<16xi32>
    %swap3A_627 = vector.shape_cast %select_n3A_623 : vector<16xi32> to vector<16xi32>
    tpu.vector_store %arg11[%swap3A_624], %swap3A_627 {strides = array<i32>} : memref<16xi32, #tpu.memory_space<vmem>>, vector<16xi32>,
    %dma_start3A_628 = arith.constant 0 : i32
    %dma_start3A_629 = arith.constant 0 : i32
    %dma_start3A_630 = tpu.memref_slice %arg2[%dma_start3A_628, %dma_start3A_629] : memref<16383x1024xf32, #tpu.memory_space<hbm>> -> memref<16383x1024xf32, #tpu.memory_space<hbm>>
    tpu.enqueue_indirect_dma source(%dma_start3A_630 : memref<16383x1024xf32, #tpu.memory_space<hbm>>) target(%arg5 : memref<16x1024xf32, #tpu.memory_space<vmem>>) offsets(%arg11 : memref<16xi32, #tpu.memory_space<vmem>>) semaphore(%arg17 : memref<!tpu.dma_semaphore, #tpu.memory_space<semaphore_mem>>)
    %dma_wait3A_631 = arith.constant 0 : i32
    %dma_wait3A_632 = arith.constant 0 : i32
    %dma_wait3A_633 = tpu.memref_slice %arg2[%dma_wait3A_631, %dma_wait3A_632] : memref<16383x1024xf32, #tpu.memory_space<hbm>> -> memref<16383x1024xf32, #tpu.memory_space<hbm>>
    tpu.wait_indirect_dma semaphore(%arg16 : memref<!tpu.dma_semaphore, #tpu.memory_space<semaphore_mem>>) src(%dma_wait3A_633 : memref<16383x1024xf32, #tpu.memory_space<hbm>>) dst(%arg4 : memref<16x1024xf32, #tpu.memory_space<vmem>>)
    %add3A_634 = arith.constant 32 : i32
    %add3A_635 = arith.addi %add3A_7, %add3A_634 : i32
    %multiple_of3A_636 = tpu.assume_multiple %add3A_635, 8 : i32
    %dma_start3A_637 = arith.constant 0 : i32
    %dma_start3A_638 = tpu.memref_slice %arg3[%multiple_of3A_636, %dma_start3A_637] : memref<16383x1024xf32, #tpu.memory_space<hbm>> -> memref<16x1024xf32, #tpu.memory_space<hbm>>
    %dma_start3A_639 = arith.constant 0 : i32
    %dma_start3A_640 = tpu.memref_slice %arg3[%multiple_of3A_636, %dma_start3A_639] : memref<16383x1024xf32, #tpu.memory_space<hbm>> -> memref<16x1024xf32, #tpu.memory_space<hbm>>
    tpu.enqueue_dma source(%arg4 : memref<16x1024xf32, #tpu.memory_space<vmem>>) target(%dma_start3A_640 : memref<16x1024xf32, #tpu.memory_space<hbm>>) target_semaphore(%arg22 : memref<!tpu.dma_semaphore, #tpu.memory_space<semaphore_mem>>)
    %add3A_641 = arith.constant 224 : i32
    %add3A_642 = arith.addi %min3A_3, %add3A_641 : i32
    %multiple_of3A_643 = tpu.assume_multiple %add3A_642, 8 : i32
    %dma_wait3A_644 = arith.constant 0 : i32
    %dma_wait3A_645 = tpu.memref_slice %arg3[%multiple_of3A_643, %dma_wait3A_644] : memref<16383x1024xf32, #tpu.memory_space<hbm>> -> memref<16x1024xf32, #tpu.memory_space<hbm>>
    %dma_wait3A_646 = arith.constant 0 : i32
    %dma_wait3A_647 = tpu.memref_slice %arg3[%multiple_of3A_643, %dma_wait3A_646] : memref<16383x1024xf32, #tpu.memory_space<hbm>> -> memref<16x1024xf32, #tpu.memory_space<hbm>>
    tpu.wait_dma2 semaphore(%arg24 : memref<!tpu.dma_semaphore, #tpu.memory_space<semaphore_mem>>) src(%arg6 : memref<16x1024xf32, #tpu.memory_space<vmem>>) dst(%dma_wait3A_647 : memref<16x1024xf32, #tpu.memory_space<hbm>>)
    %add3A_648 = arith.constant 64 : i32
    %add3A_649 = arith.addi %add3A_7, %add3A_648 : i32
    %add3A_650 = arith.constant 8192 : i32
    %add3A_651 = arith.addi %add3A_649, %add3A_650 : i32
    %add3A_652 = vector.broadcast %add3A_651 : i32 to vector<16xi32>
    %add3A_653 = arith.addi %add3A_652, %iota3A : vector<16xi32>
    %ge3A_654 = arith.constant 16383 : i32
    %ge3A_655 = vector.broadcast %ge3A_654 : i32 to vector<16xi32>
    %ge3A_656 = arith.cmpi sge, %add3A_653, %ge3A_655 : vector<16xi32>
    %sub3A_657 = arith.constant 16383 : i32
    %sub3A_658 = vector.broadcast %sub3A_657 : i32 to vector<16xi32>
    %sub3A_659 = arith.subi %add3A_653, %sub3A_658 : vector<16xi32>
    %select_n3A_660 = arith.select %ge3A_656, %sub3A_659, %add3A_653 : vector<16xi1>, vector<16xi32>
    %swap3A_661 = arith.constant 0 : index
    %swap3A_662 = tpu.vector_load %arg12[%swap3A_661] {strides = array<i32>} : memref<16xi32, #tpu.memory_space<vmem>>, vector<16xi32>,
    %swap3A_663 = vector.shape_cast %swap3A_662 : vector<16xi32> to vector<16xi32>
    %swap3A_664 = vector.shape_cast %select_n3A_660 : vector<16xi32> to vector<16xi32>
    tpu.vector_store %arg12[%swap3A_661], %swap3A_664 {strides = array<i32>} : memref<16xi32, #tpu.memory_space<vmem>>, vector<16xi32>,
    %dma_start3A_665 = arith.constant 0 : i32
    %dma_start3A_666 = arith.constant 0 : i32
    %dma_start3A_667 = tpu.memref_slice %arg2[%dma_start3A_665, %dma_start3A_666] : memref<16383x1024xf32, #tpu.memory_space<hbm>> -> memref<16383x1024xf32, #tpu.memory_space<hbm>>
    tpu.enqueue_indirect_dma source(%dma_start3A_667 : memref<16383x1024xf32, #tpu.memory_space<hbm>>) target(%arg6 : memref<16x1024xf32, #tpu.memory_space<vmem>>) offsets(%arg12 : memref<16xi32, #tpu.memory_space<vmem>>) semaphore(%arg18 : memref<!tpu.dma_semaphore, #tpu.memory_space<semaphore_mem>>)
    %dma_wait3A_668 = arith.constant 0 : i32
    %dma_wait3A_669 = arith.constant 0 : i32
    %dma_wait3A_670 = tpu.memref_slice %arg2[%dma_wait3A_668, %dma_wait3A_669] : memref<16383x1024xf32, #tpu.memory_space<hbm>> -> memref<16383x1024xf32, #tpu.memory_space<hbm>>
    tpu.wait_indirect_dma semaphore(%arg17 : memref<!tpu.dma_semaphore, #tpu.memory_space<semaphore_mem>>) src(%dma_wait3A_670 : memref<16383x1024xf32, #tpu.memory_space<hbm>>) dst(%arg5 : memref<16x1024xf32, #tpu.memory_space<vmem>>)
    %add3A_671 = arith.constant 48 : i32
    %add3A_672 = arith.addi %add3A_7, %add3A_671 : i32
    %multiple_of3A_673 = tpu.assume_multiple %add3A_672, 8 : i32
    %dma_start3A_674 = arith.constant 0 : i32
    %dma_start3A_675 = tpu.memref_slice %arg3[%multiple_of3A_673, %dma_start3A_674] : memref<16383x1024xf32, #tpu.memory_space<hbm>> -> memref<16x1024xf32, #tpu.memory_space<hbm>>
    %dma_start3A_676 = arith.constant 0 : i32
    %dma_start3A_677 = tpu.memref_slice %arg3[%multiple_of3A_673, %dma_start3A_676] : memref<16383x1024xf32, #tpu.memory_space<hbm>> -> memref<16x1024xf32, #tpu.memory_space<hbm>>
    tpu.enqueue_dma source(%arg5 : memref<16x1024xf32, #tpu.memory_space<vmem>>) target(%dma_start3A_677 : memref<16x1024xf32, #tpu.memory_space<hbm>>) target_semaphore(%arg23 : memref<!tpu.dma_semaphore, #tpu.memory_space<semaphore_mem>>)
    %add3A_678 = arith.constant 240 : i32
    %add3A_679 = arith.addi %min3A_3, %add3A_678 : i32
    %multiple_of3A_680 = tpu.assume_multiple %add3A_679, 8 : i32
    %dma_wait3A_681 = arith.constant 0 : i32
    %dma_wait3A_682 = tpu.memref_slice %arg3[%multiple_of3A_680, %dma_wait3A_681] : memref<16383x1024xf32, #tpu.memory_space<hbm>> -> memref<16x1024xf32, #tpu.memory_space<hbm>>
    %dma_wait3A_683 = arith.constant 0 : i32
    %dma_wait3A_684 = tpu.memref_slice %arg3[%multiple_of3A_680, %dma_wait3A_683] : memref<16383x1024xf32, #tpu.memory_space<hbm>> -> memref<16x1024xf32, #tpu.memory_space<hbm>>
    tpu.wait_dma2 semaphore(%arg25 : memref<!tpu.dma_semaphore, #tpu.memory_space<semaphore_mem>>) src(%arg7 : memref<16x1024xf32, #tpu.memory_space<vmem>>) dst(%dma_wait3A_684 : memref<16x1024xf32, #tpu.memory_space<hbm>>)
    %add3A_685 = arith.constant 80 : i32
    %add3A_686 = arith.addi %add3A_7, %add3A_685 : i32
    %add3A_687 = arith.constant 8192 : i32
    %add3A_688 = arith.addi %add3A_686, %add3A_687 : i32
    %add3A_689 = vector.broadcast %add3A_688 : i32 to vector<16xi32>
    %add3A_690 = arith.addi %add3A_689, %iota3A : vector<16xi32>
    %ge3A_691 = arith.constant 16383 : i32
    %ge3A_692 = vector.broadcast %ge3A_691 : i32 to vector<16xi32>
    %ge3A_693 = arith.cmpi sge, %add3A_690, %ge3A_692 : vector<16xi32>
    %sub3A_694 = arith.constant 16383 : i32
    %sub3A_695 = vector.broadcast %sub3A_694 : i32 to vector<16xi32>
    %sub3A_696 = arith.subi %add3A_690, %sub3A_695 : vector<16xi32>
    %select_n3A_697 = arith.select %ge3A_693, %sub3A_696, %add3A_690 : vector<16xi1>, vector<16xi32>
    %swap3A_698 = arith.constant 0 : index
    %swap3A_699 = tpu.vector_load %arg13[%swap3A_698] {strides = array<i32>} : memref<16xi32, #tpu.memory_space<vmem>>, vector<16xi32>,
    %swap3A_700 = vector.shape_cast %swap3A_699 : vector<16xi32> to vector<16xi32>
    %swap3A_701 = vector.shape_cast %select_n3A_697 : vector<16xi32> to vector<16xi32>
    tpu.vector_store %arg13[%swap3A_698], %swap3A_701 {strides = array<i32>} : memref<16xi32, #tpu.memory_space<vmem>>, vector<16xi32>,
    %dma_start3A_702 = arith.constant 0 : i32
    %dma_start3A_703 = arith.constant 0 : i32
    %dma_start3A_704 = tpu.memref_slice %arg2[%dma_start3A_702, %dma_start3A_703] : memref<16383x1024xf32, #tpu.memory_space<hbm>> -> memref<16383x1024xf32, #tpu.memory_space<hbm>>
    tpu.enqueue_indirect_dma source(%dma_start3A_704 : memref<16383x1024xf32, #tpu.memory_space<hbm>>) target(%arg7 : memref<16x1024xf32, #tpu.memory_space<vmem>>) offsets(%arg13 : memref<16xi32, #tpu.memory_space<vmem>>) semaphore(%arg19 : memref<!tpu.dma_semaphore, #tpu.memory_space<semaphore_mem>>)
    %dma_wait3A_705 = arith.constant 0 : i32
    %dma_wait3A_706 = arith.constant 0 : i32
    %dma_wait3A_707 = tpu.memref_slice %arg2[%dma_wait3A_705, %dma_wait3A_706] : memref<16383x1024xf32, #tpu.memory_space<hbm>> -> memref<16383x1024xf32, #tpu.memory_space<hbm>>
    tpu.wait_indirect_dma semaphore(%arg18 : memref<!tpu.dma_semaphore, #tpu.memory_space<semaphore_mem>>) src(%dma_wait3A_707 : memref<16383x1024xf32, #tpu.memory_space<hbm>>) dst(%arg6 : memref<16x1024xf32, #tpu.memory_space<vmem>>)
    %add3A_708 = arith.constant 64 : i32
    %add3A_709 = arith.addi %add3A_7, %add3A_708 : i32
    %multiple_of3A_710 = tpu.assume_multiple %add3A_709, 8 : i32
    %dma_start3A_711 = arith.constant 0 : i32
    %dma_start3A_712 = tpu.memref_slice %arg3[%multiple_of3A_710, %dma_start3A_711] : memref<16383x1024xf32, #tpu.memory_space<hbm>> -> memref<16x1024xf32, #tpu.memory_space<hbm>>
    %dma_start3A_713 = arith.constant 0 : i32
    %dma_start3A_714 = tpu.memref_slice %arg3[%multiple_of3A_710, %dma_start3A_713] : memref<16383x1024xf32, #tpu.memory_space<hbm>> -> memref<16x1024xf32, #tpu.memory_space<hbm>>
    tpu.enqueue_dma source(%arg6 : memref<16x1024xf32, #tpu.memory_space<vmem>>) target(%dma_start3A_714 : memref<16x1024xf32, #tpu.memory_space<hbm>>) target_semaphore(%arg24 : memref<!tpu.dma_semaphore, #tpu.memory_space<semaphore_mem>>)
    %add3A_715 = arith.constant 0 : i32
    %add3A_716 = arith.addi %add3A_7, %add3A_715 : i32
    %multiple_of3A_717 = tpu.assume_multiple %add3A_716, 8 : i32
    %dma_wait3A_718 = arith.constant 0 : i32
    %dma_wait3A_719 = tpu.memref_slice %arg3[%multiple_of3A_717, %dma_wait3A_718] : memref<16383x1024xf32, #tpu.memory_space<hbm>> -> memref<16x1024xf32, #tpu.memory_space<hbm>>
    %dma_wait3A_720 = arith.constant 0 : i32
    %dma_wait3A_721 = tpu.memref_slice %arg3[%multiple_of3A_717, %dma_wait3A_720] : memref<16383x1024xf32, #tpu.memory_space<hbm>> -> memref<16x1024xf32, #tpu.memory_space<hbm>>
    tpu.wait_dma2 semaphore(%arg26 : memref<!tpu.dma_semaphore, #tpu.memory_space<semaphore_mem>>) src(%arg8 : memref<16x1024xf32, #tpu.memory_space<vmem>>) dst(%dma_wait3A_721 : memref<16x1024xf32, #tpu.memory_space<hbm>>)
    %add3A_722 = arith.constant 96 : i32
    %add3A_723 = arith.addi %add3A_7, %add3A_722 : i32
    %add3A_724 = arith.constant 8192 : i32
    %add3A_725 = arith.addi %add3A_723, %add3A_724 : i32
    %add3A_726 = vector.broadcast %add3A_725 : i32 to vector<16xi32>
    %add3A_727 = arith.addi %add3A_726, %iota3A : vector<16xi32>
    %ge3A_728 = arith.constant 16383 : i32
    %ge3A_729 = vector.broadcast %ge3A_728 : i32 to vector<16xi32>
    %ge3A_730 = arith.cmpi sge, %add3A_727, %ge3A_729 : vector<16xi32>
    %sub3A_731 = arith.constant 16383 : i32
    %sub3A_732 = vector.broadcast %sub3A_731 : i32 to vector<16xi32>
    %sub3A_733 = arith.subi %add3A_727, %sub3A_732 : vector<16xi32>
    %select_n3A_734 = arith.select %ge3A_730, %sub3A_733, %add3A_727 : vector<16xi1>, vector<16xi32>
    %swap3A_735 = arith.constant 0 : index
    %swap3A_736 = tpu.vector_load %arg14[%swap3A_735] {strides = array<i32>} : memref<16xi32, #tpu.memory_space<vmem>>, vector<16xi32>,
    %swap3A_737 = vector.shape_cast %swap3A_736 : vector<16xi32> to vector<16xi32>
    %swap3A_738 = vector.shape_cast %select_n3A_734 : vector<16xi32> to vector<16xi32>
    tpu.vector_store %arg14[%swap3A_735], %swap3A_738 {strides = array<i32>} : memref<16xi32, #tpu.memory_space<vmem>>, vector<16xi32>,
    %dma_start3A_739 = arith.constant 0 : i32
    %dma_start3A_740 = arith.constant 0 : i32
    %dma_start3A_741 = tpu.memref_slice %arg2[%dma_start3A_739, %dma_start3A_740] : memref<16383x1024xf32, #tpu.memory_space<hbm>> -> memref<16383x1024xf32, #tpu.memory_space<hbm>>
    tpu.enqueue_indirect_dma source(%dma_start3A_741 : memref<16383x1024xf32, #tpu.memory_space<hbm>>) target(%arg8 : memref<16x1024xf32, #tpu.memory_space<vmem>>) offsets(%arg14 : memref<16xi32, #tpu.memory_space<vmem>>) semaphore(%arg20 : memref<!tpu.dma_semaphore, #tpu.memory_space<semaphore_mem>>)
    %dma_wait3A_742 = arith.constant 0 : i32
    %dma_wait3A_743 = arith.constant 0 : i32
    %dma_wait3A_744 = tpu.memref_slice %arg2[%dma_wait3A_742, %dma_wait3A_743] : memref<16383x1024xf32, #tpu.memory_space<hbm>> -> memref<16383x1024xf32, #tpu.memory_space<hbm>>
    tpu.wait_indirect_dma semaphore(%arg19 : memref<!tpu.dma_semaphore, #tpu.memory_space<semaphore_mem>>) src(%dma_wait3A_744 : memref<16383x1024xf32, #tpu.memory_space<hbm>>) dst(%arg7 : memref<16x1024xf32, #tpu.memory_space<vmem>>)
    %add3A_745 = arith.constant 80 : i32
    %add3A_746 = arith.addi %add3A_7, %add3A_745 : i32
    %multiple_of3A_747 = tpu.assume_multiple %add3A_746, 8 : i32
    %dma_start3A_748 = arith.constant 0 : i32
    %dma_start3A_749 = tpu.memref_slice %arg3[%multiple_of3A_747, %dma_start3A_748] : memref<16383x1024xf32, #tpu.memory_space<hbm>> -> memref<16x1024xf32, #tpu.memory_space<hbm>>
    %dma_start3A_750 = arith.constant 0 : i32
    %dma_start3A_751 = tpu.memref_slice %arg3[%multiple_of3A_747, %dma_start3A_750] : memref<16383x1024xf32, #tpu.memory_space<hbm>> -> memref<16x1024xf32, #tpu.memory_space<hbm>>
    tpu.enqueue_dma source(%arg7 : memref<16x1024xf32, #tpu.memory_space<vmem>>) target(%dma_start3A_751 : memref<16x1024xf32, #tpu.memory_space<hbm>>) target_semaphore(%arg25 : memref<!tpu.dma_semaphore, #tpu.memory_space<semaphore_mem>>)
    %add3A_752 = arith.constant 16 : i32
    %add3A_753 = arith.addi %add3A_7, %add3A_752 : i32
    %multiple_of3A_754 = tpu.assume_multiple %add3A_753, 8 : i32
    %dma_wait3A_755 = arith.constant 0 : i32
    %dma_wait3A_756 = tpu.memref_slice %arg3[%multiple_of3A_754, %dma_wait3A_755] : memref<16383x1024xf32, #tpu.memory_space<hbm>> -> memref<16x1024xf32, #tpu.memory_space<hbm>>
    %dma_wait3A_757 = arith.constant 0 : i32
    %dma_wait3A_758 = tpu.memref_slice %arg3[%multiple_of3A_754, %dma_wait3A_757] : memref<16383x1024xf32, #tpu.memory_space<hbm>> -> memref<16x1024xf32, #tpu.memory_space<hbm>>
    tpu.wait_dma2 semaphore(%arg27 : memref<!tpu.dma_semaphore, #tpu.memory_space<semaphore_mem>>) src(%arg9 : memref<16x1024xf32, #tpu.memory_space<vmem>>) dst(%dma_wait3A_758 : memref<16x1024xf32, #tpu.memory_space<hbm>>)
    %add3A_759 = arith.constant 112 : i32
    %add3A_760 = arith.addi %add3A_7, %add3A_759 : i32
    %add3A_761 = arith.constant 8192 : i32
    %add3A_762 = arith.addi %add3A_760, %add3A_761 : i32
    %add3A_763 = vector.broadcast %add3A_762 : i32 to vector<16xi32>
    %add3A_764 = arith.addi %add3A_763, %iota3A : vector<16xi32>
    %ge3A_765 = arith.constant 16383 : i32
    %ge3A_766 = vector.broadcast %ge3A_765 : i32 to vector<16xi32>
    %ge3A_767 = arith.cmpi sge, %add3A_764, %ge3A_766 : vector<16xi32>
    %sub3A_768 = arith.constant 16383 : i32
    %sub3A_769 = vector.broadcast %sub3A_768 : i32 to vector<16xi32>
    %sub3A_770 = arith.subi %add3A_764, %sub3A_769 : vector<16xi32>
    %select_n3A_771 = arith.select %ge3A_767, %sub3A_770, %add3A_764 : vector<16xi1>, vector<16xi32>
    %swap3A_772 = arith.constant 0 : index
    %swap3A_773 = tpu.vector_load %arg15[%swap3A_772] {strides = array<i32>} : memref<16xi32, #tpu.memory_space<vmem>>, vector<16xi32>,
    %swap3A_774 = vector.shape_cast %swap3A_773 : vector<16xi32> to vector<16xi32>
    %swap3A_775 = vector.shape_cast %select_n3A_771 : vector<16xi32> to vector<16xi32>
    tpu.vector_store %arg15[%swap3A_772], %swap3A_775 {strides = array<i32>} : memref<16xi32, #tpu.memory_space<vmem>>, vector<16xi32>,
    %dma_start3A_776 = arith.constant 0 : i32
    %dma_start3A_777 = arith.constant 0 : i32
    %dma_start3A_778 = tpu.memref_slice %arg2[%dma_start3A_776, %dma_start3A_777] : memref<16383x1024xf32, #tpu.memory_space<hbm>> -> memref<16383x1024xf32, #tpu.memory_space<hbm>>
    tpu.enqueue_indirect_dma source(%dma_start3A_778 : memref<16383x1024xf32, #tpu.memory_space<hbm>>) target(%arg9 : memref<16x1024xf32, #tpu.memory_space<vmem>>) offsets(%arg15 : memref<16xi32, #tpu.memory_space<vmem>>) semaphore(%arg21 : memref<!tpu.dma_semaphore, #tpu.memory_space<semaphore_mem>>)
    %dma_wait3A_779 = arith.constant 0 : i32
    %dma_wait3A_780 = arith.constant 0 : i32
    %dma_wait3A_781 = tpu.memref_slice %arg2[%dma_wait3A_779, %dma_wait3A_780] : memref<16383x1024xf32, #tpu.memory_space<hbm>> -> memref<16383x1024xf32, #tpu.memory_space<hbm>>
    tpu.wait_indirect_dma semaphore(%arg20 : memref<!tpu.dma_semaphore, #tpu.memory_space<semaphore_mem>>) src(%dma_wait3A_781 : memref<16383x1024xf32, #tpu.memory_space<hbm>>) dst(%arg8 : memref<16x1024xf32, #tpu.memory_space<vmem>>)
    %add3A_782 = arith.constant 96 : i32
    %add3A_783 = arith.addi %add3A_7, %add3A_782 : i32
    %multiple_of3A_784 = tpu.assume_multiple %add3A_783, 8 : i32
    %dma_start3A_785 = arith.constant 0 : i32
    %dma_start3A_786 = tpu.memref_slice %arg3[%multiple_of3A_784, %dma_start3A_785] : memref<16383x1024xf32, #tpu.memory_space<hbm>> -> memref<16x1024xf32, #tpu.memory_space<hbm>>
    %dma_start3A_787 = arith.constant 0 : i32
    %dma_start3A_788 = tpu.memref_slice %arg3[%multiple_of3A_784, %dma_start3A_787] : memref<16383x1024xf32, #tpu.memory_space<hbm>> -> memref<16x1024xf32, #tpu.memory_space<hbm>>
    tpu.enqueue_dma source(%arg8 : memref<16x1024xf32, #tpu.memory_space<vmem>>) target(%dma_start3A_788 : memref<16x1024xf32, #tpu.memory_space<hbm>>) target_semaphore(%arg26 : memref<!tpu.dma_semaphore, #tpu.memory_space<semaphore_mem>>)
    %add3A_789 = arith.constant 32 : i32
    %add3A_790 = arith.addi %add3A_7, %add3A_789 : i32
    %multiple_of3A_791 = tpu.assume_multiple %add3A_790, 8 : i32
    %dma_wait3A_792 = arith.constant 0 : i32
    %dma_wait3A_793 = tpu.memref_slice %arg3[%multiple_of3A_791, %dma_wait3A_792] : memref<16383x1024xf32, #tpu.memory_space<hbm>> -> memref<16x1024xf32, #tpu.memory_space<hbm>>
    %dma_wait3A_794 = arith.constant 0 : i32
    %dma_wait3A_795 = tpu.memref_slice %arg3[%multiple_of3A_791, %dma_wait3A_794] : memref<16383x1024xf32, #tpu.memory_space<hbm>> -> memref<16x1024xf32, #tpu.memory_space<hbm>>
    tpu.wait_dma2 semaphore(%arg22 : memref<!tpu.dma_semaphore, #tpu.memory_space<semaphore_mem>>) src(%arg4 : memref<16x1024xf32, #tpu.memory_space<vmem>>) dst(%dma_wait3A_795 : memref<16x1024xf32, #tpu.memory_space<hbm>>)
    %add3A_796 = arith.constant 128 : i32
    %add3A_797 = arith.addi %add3A_7, %add3A_796 : i32
    %add3A_798 = arith.constant 8192 : i32
    %add3A_799 = arith.addi %add3A_797, %add3A_798 : i32
    %add3A_800 = vector.broadcast %add3A_799 : i32 to vector<16xi32>
    %add3A_801 = arith.addi %add3A_800, %iota3A : vector<16xi32>
    %ge3A_802 = arith.constant 16383 : i32
    %ge3A_803 = vector.broadcast %ge3A_802 : i32 to vector<16xi32>
    %ge3A_804 = arith.cmpi sge, %add3A_801, %ge3A_803 : vector<16xi32>
    %sub3A_805 = arith.constant 16383 : i32
    %sub3A_806 = vector.broadcast %sub3A_805 : i32 to vector<16xi32>
    %sub3A_807 = arith.subi %add3A_801, %sub3A_806 : vector<16xi32>
    %select_n3A_808 = arith.select %ge3A_804, %sub3A_807, %add3A_801 : vector<16xi1>, vector<16xi32>
    %swap3A_809 = arith.constant 0 : index
    %swap3A_810 = tpu.vector_load %arg10[%swap3A_809] {strides = array<i32>} : memref<16xi32, #tpu.memory_space<vmem>>, vector<16xi32>,
    %swap3A_811 = vector.shape_cast %swap3A_810 : vector<16xi32> to vector<16xi32>
    %swap3A_812 = vector.shape_cast %select_n3A_808 : vector<16xi32> to vector<16xi32>
    tpu.vector_store %arg10[%swap3A_809], %swap3A_812 {strides = array<i32>} : memref<16xi32, #tpu.memory_space<vmem>>, vector<16xi32>,
    %dma_start3A_813 = arith.constant 0 : i32
    %dma_start3A_814 = arith.constant 0 : i32
    %dma_start3A_815 = tpu.memref_slice %arg2[%dma_start3A_813, %dma_start3A_814] : memref<16383x1024xf32, #tpu.memory_space<hbm>> -> memref<16383x1024xf32, #tpu.memory_space<hbm>>
    tpu.enqueue_indirect_dma source(%dma_start3A_815 : memref<16383x1024xf32, #tpu.memory_space<hbm>>) target(%arg4 : memref<16x1024xf32, #tpu.memory_space<vmem>>) offsets(%arg10 : memref<16xi32, #tpu.memory_space<vmem>>) semaphore(%arg16 : memref<!tpu.dma_semaphore, #tpu.memory_space<semaphore_mem>>)
    %dma_wait3A_816 = arith.constant 0 : i32
    %dma_wait3A_817 = arith.constant 0 : i32
    %dma_wait3A_818 = tpu.memref_slice %arg2[%dma_wait3A_816, %dma_wait3A_817] : memref<16383x1024xf32, #tpu.memory_space<hbm>> -> memref<16383x1024xf32, #tpu.memory_space<hbm>>
    tpu.wait_indirect_dma semaphore(%arg21 : memref<!tpu.dma_semaphore, #tpu.memory_space<semaphore_mem>>) src(%dma_wait3A_818 : memref<16383x1024xf32, #tpu.memory_space<hbm>>) dst(%arg9 : memref<16x1024xf32, #tpu.memory_space<vmem>>)
    %add3A_819 = arith.constant 112 : i32
    %add3A_820 = arith.addi %add3A_7, %add3A_819 : i32
    %multiple_of3A_821 = tpu.assume_multiple %add3A_820, 8 : i32
    %dma_start3A_822 = arith.constant 0 : i32
    %dma_start3A_823 = tpu.memref_slice %arg3[%multiple_of3A_821, %dma_start3A_822] : memref<16383x1024xf32, #tpu.memory_space<hbm>> -> memref<16x1024xf32, #tpu.memory_space<hbm>>
    %dma_start3A_824 = arith.constant 0 : i32
    %dma_start3A_825 = tpu.memref_slice %arg3[%multiple_of3A_821, %dma_start3A_824] : memref<16383x1024xf32, #tpu.memory_space<hbm>> -> memref<16x1024xf32, #tpu.memory_space<hbm>>
    tpu.enqueue_dma source(%arg9 : memref<16x1024xf32, #tpu.memory_space<vmem>>) target(%dma_start3A_825 : memref<16x1024xf32, #tpu.memory_space<hbm>>) target_semaphore(%arg27 : memref<!tpu.dma_semaphore, #tpu.memory_space<semaphore_mem>>)
    %add3A_826 = arith.constant 48 : i32
    %add3A_827 = arith.addi %add3A_7, %add3A_826 : i32
    %multiple_of3A_828 = tpu.assume_multiple %add3A_827, 8 : i32
    %dma_wait3A_829 = arith.constant 0 : i32
    %dma_wait3A_830 = tpu.memref_slice %arg3[%multiple_of3A_828, %dma_wait3A_829] : memref<16383x1024xf32, #tpu.memory_space<hbm>> -> memref<16x1024xf32, #tpu.memory_space<hbm>>
    %dma_wait3A_831 = arith.constant 0 : i32
    %dma_wait3A_832 = tpu.memref_slice %arg3[%multiple_of3A_828, %dma_wait3A_831] : memref<16383x1024xf32, #tpu.memory_space<hbm>> -> memref<16x1024xf32, #tpu.memory_space<hbm>>
    tpu.wait_dma2 semaphore(%arg23 : memref<!tpu.dma_semaphore, #tpu.memory_space<semaphore_mem>>) src(%arg5 : memref<16x1024xf32, #tpu.memory_space<vmem>>) dst(%dma_wait3A_832 : memref<16x1024xf32, #tpu.memory_space<hbm>>)
    %add3A_833 = arith.constant 144 : i32
    %add3A_834 = arith.addi %add3A_7, %add3A_833 : i32
    %add3A_835 = arith.constant 8192 : i32
    %add3A_836 = arith.addi %add3A_834, %add3A_835 : i32
    %add3A_837 = vector.broadcast %add3A_836 : i32 to vector<16xi32>
    %add3A_838 = arith.addi %add3A_837, %iota3A : vector<16xi32>
    %ge3A_839 = arith.constant 16383 : i32
    %ge3A_840 = vector.broadcast %ge3A_839 : i32 to vector<16xi32>
    %ge3A_841 = arith.cmpi sge, %add3A_838, %ge3A_840 : vector<16xi32>
    %sub3A_842 = arith.constant 16383 : i32
    %sub3A_843 = vector.broadcast %sub3A_842 : i32 to vector<16xi32>
    %sub3A_844 = arith.subi %add3A_838, %sub3A_843 : vector<16xi32>
    %select_n3A_845 = arith.select %ge3A_841, %sub3A_844, %add3A_838 : vector<16xi1>, vector<16xi32>
    %swap3A_846 = arith.constant 0 : index
    %swap3A_847 = tpu.vector_load %arg11[%swap3A_846] {strides = array<i32>} : memref<16xi32, #tpu.memory_space<vmem>>, vector<16xi32>,
    %swap3A_848 = vector.shape_cast %swap3A_847 : vector<16xi32> to vector<16xi32>
    %swap3A_849 = vector.shape_cast %select_n3A_845 : vector<16xi32> to vector<16xi32>
    tpu.vector_store %arg11[%swap3A_846], %swap3A_849 {strides = array<i32>} : memref<16xi32, #tpu.memory_space<vmem>>, vector<16xi32>,
    %dma_start3A_850 = arith.constant 0 : i32
    %dma_start3A_851 = arith.constant 0 : i32
    %dma_start3A_852 = tpu.memref_slice %arg2[%dma_start3A_850, %dma_start3A_851] : memref<16383x1024xf32, #tpu.memory_space<hbm>> -> memref<16383x1024xf32, #tpu.memory_space<hbm>>
    tpu.enqueue_indirect_dma source(%dma_start3A_852 : memref<16383x1024xf32, #tpu.memory_space<hbm>>) target(%arg5 : memref<16x1024xf32, #tpu.memory_space<vmem>>) offsets(%arg11 : memref<16xi32, #tpu.memory_space<vmem>>) semaphore(%arg17 : memref<!tpu.dma_semaphore, #tpu.memory_space<semaphore_mem>>)
    %dma_wait3A_853 = arith.constant 0 : i32
    %dma_wait3A_854 = arith.constant 0 : i32
    %dma_wait3A_855 = tpu.memref_slice %arg2[%dma_wait3A_853, %dma_wait3A_854] : memref<16383x1024xf32, #tpu.memory_space<hbm>> -> memref<16383x1024xf32, #tpu.memory_space<hbm>>
    tpu.wait_indirect_dma semaphore(%arg16 : memref<!tpu.dma_semaphore, #tpu.memory_space<semaphore_mem>>) src(%dma_wait3A_855 : memref<16383x1024xf32, #tpu.memory_space<hbm>>) dst(%arg4 : memref<16x1024xf32, #tpu.memory_space<vmem>>)
    %add3A_856 = arith.constant 128 : i32
    %add3A_857 = arith.addi %add3A_7, %add3A_856 : i32
    %multiple_of3A_858 = tpu.assume_multiple %add3A_857, 8 : i32
    %dma_start3A_859 = arith.constant 0 : i32
    %dma_start3A_860 = tpu.memref_slice %arg3[%multiple_of3A_858, %dma_start3A_859] : memref<16383x1024xf32, #tpu.memory_space<hbm>> -> memref<16x1024xf32, #tpu.memory_space<hbm>>
    %dma_start3A_861 = arith.constant 0 : i32
    %dma_start3A_862 = tpu.memref_slice %arg3[%multiple_of3A_858, %dma_start3A_861] : memref<16383x1024xf32, #tpu.memory_space<hbm>> -> memref<16x1024xf32, #tpu.memory_space<hbm>>
    tpu.enqueue_dma source(%arg4 : memref<16x1024xf32, #tpu.memory_space<vmem>>) target(%dma_start3A_862 : memref<16x1024xf32, #tpu.memory_space<hbm>>) target_semaphore(%arg22 : memref<!tpu.dma_semaphore, #tpu.memory_space<semaphore_mem>>)
    %add3A_863 = arith.constant 64 : i32
    %add3A_864 = arith.addi %add3A_7, %add3A_863 : i32
    %multiple_of3A_865 = tpu.assume_multiple %add3A_864, 8 : i32
    %dma_wait3A_866 = arith.constant 0 : i32
    %dma_wait3A_867 = tpu.memref_slice %arg3[%multiple_of3A_865, %dma_wait3A_866] : memref<16383x1024xf32, #tpu.memory_space<hbm>> -> memref<16x1024xf32, #tpu.memory_space<hbm>>
    %dma_wait3A_868 = arith.constant 0 : i32
    %dma_wait3A_869 = tpu.memref_slice %arg3[%multiple_of3A_865, %dma_wait3A_868] : memref<16383x1024xf32, #tpu.memory_space<hbm>> -> memref<16x1024xf32, #tpu.memory_space<hbm>>
    tpu.wait_dma2 semaphore(%arg24 : memref<!tpu.dma_semaphore, #tpu.memory_space<semaphore_mem>>) src(%arg6 : memref<16x1024xf32, #tpu.memory_space<vmem>>) dst(%dma_wait3A_869 : memref<16x1024xf32, #tpu.memory_space<hbm>>)
    %add3A_870 = arith.constant 160 : i32
    %add3A_871 = arith.addi %add3A_7, %add3A_870 : i32
    %add3A_872 = arith.constant 8192 : i32
    %add3A_873 = arith.addi %add3A_871, %add3A_872 : i32
    %add3A_874 = vector.broadcast %add3A_873 : i32 to vector<16xi32>
    %add3A_875 = arith.addi %add3A_874, %iota3A : vector<16xi32>
    %ge3A_876 = arith.constant 16383 : i32
    %ge3A_877 = vector.broadcast %ge3A_876 : i32 to vector<16xi32>
    %ge3A_878 = arith.cmpi sge, %add3A_875, %ge3A_877 : vector<16xi32>
    %sub3A_879 = arith.constant 16383 : i32
    %sub3A_880 = vector.broadcast %sub3A_879 : i32 to vector<16xi32>
    %sub3A_881 = arith.subi %add3A_875, %sub3A_880 : vector<16xi32>
    %select_n3A_882 = arith.select %ge3A_878, %sub3A_881, %add3A_875 : vector<16xi1>, vector<16xi32>
    %swap3A_883 = arith.constant 0 : index
    %swap3A_884 = tpu.vector_load %arg12[%swap3A_883] {strides = array<i32>} : memref<16xi32, #tpu.memory_space<vmem>>, vector<16xi32>,
    %swap3A_885 = vector.shape_cast %swap3A_884 : vector<16xi32> to vector<16xi32>
    %swap3A_886 = vector.shape_cast %select_n3A_882 : vector<16xi32> to vector<16xi32>
    tpu.vector_store %arg12[%swap3A_883], %swap3A_886 {strides = array<i32>} : memref<16xi32, #tpu.memory_space<vmem>>, vector<16xi32>,
    %dma_start3A_887 = arith.constant 0 : i32
    %dma_start3A_888 = arith.constant 0 : i32
    %dma_start3A_889 = tpu.memref_slice %arg2[%dma_start3A_887, %dma_start3A_888] : memref<16383x1024xf32, #tpu.memory_space<hbm>> -> memref<16383x1024xf32, #tpu.memory_space<hbm>>
    tpu.enqueue_indirect_dma source(%dma_start3A_889 : memref<16383x1024xf32, #tpu.memory_space<hbm>>) target(%arg6 : memref<16x1024xf32, #tpu.memory_space<vmem>>) offsets(%arg12 : memref<16xi32, #tpu.memory_space<vmem>>) semaphore(%arg18 : memref<!tpu.dma_semaphore, #tpu.memory_space<semaphore_mem>>)
    %dma_wait3A_890 = arith.constant 0 : i32
    %dma_wait3A_891 = arith.constant 0 : i32
    %dma_wait3A_892 = tpu.memref_slice %arg2[%dma_wait3A_890, %dma_wait3A_891] : memref<16383x1024xf32, #tpu.memory_space<hbm>> -> memref<16383x1024xf32, #tpu.memory_space<hbm>>
    tpu.wait_indirect_dma semaphore(%arg17 : memref<!tpu.dma_semaphore, #tpu.memory_space<semaphore_mem>>) src(%dma_wait3A_892 : memref<16383x1024xf32, #tpu.memory_space<hbm>>) dst(%arg5 : memref<16x1024xf32, #tpu.memory_space<vmem>>)
    %add3A_893 = arith.constant 144 : i32
    %add3A_894 = arith.addi %add3A_7, %add3A_893 : i32
    %multiple_of3A_895 = tpu.assume_multiple %add3A_894, 8 : i32
    %dma_start3A_896 = arith.constant 0 : i32
    %dma_start3A_897 = tpu.memref_slice %arg3[%multiple_of3A_895, %dma_start3A_896] : memref<16383x1024xf32, #tpu.memory_space<hbm>> -> memref<16x1024xf32, #tpu.memory_space<hbm>>
    %dma_start3A_898 = arith.constant 0 : i32
    %dma_start3A_899 = tpu.memref_slice %arg3[%multiple_of3A_895, %dma_start3A_898] : memref<16383x1024xf32, #tpu.memory_space<hbm>> -> memref<16x1024xf32, #tpu.memory_space<hbm>>
    tpu.enqueue_dma source(%arg5 : memref<16x1024xf32, #tpu.memory_space<vmem>>) target(%dma_start3A_899 : memref<16x1024xf32, #tpu.memory_space<hbm>>) target_semaphore(%arg23 : memref<!tpu.dma_semaphore, #tpu.memory_space<semaphore_mem>>)
    %add3A_900 = arith.constant 80 : i32
    %add3A_901 = arith.addi %add3A_7, %add3A_900 : i32
    %multiple_of3A_902 = tpu.assume_multiple %add3A_901, 8 : i32
    %dma_wait3A_903 = arith.constant 0 : i32
    %dma_wait3A_904 = tpu.memref_slice %arg3[%multiple_of3A_902, %dma_wait3A_903] : memref<16383x1024xf32, #tpu.memory_space<hbm>> -> memref<16x1024xf32, #tpu.memory_space<hbm>>
    %dma_wait3A_905 = arith.constant 0 : i32
    %dma_wait3A_906 = tpu.memref_slice %arg3[%multiple_of3A_902, %dma_wait3A_905] : memref<16383x1024xf32, #tpu.memory_space<hbm>> -> memref<16x1024xf32, #tpu.memory_space<hbm>>
    tpu.wait_dma2 semaphore(%arg25 : memref<!tpu.dma_semaphore, #tpu.memory_space<semaphore_mem>>) src(%arg7 : memref<16x1024xf32, #tpu.memory_space<vmem>>) dst(%dma_wait3A_906 : memref<16x1024xf32, #tpu.memory_space<hbm>>)
    %add3A_907 = arith.constant 176 : i32
    %add3A_908 = arith.addi %add3A_7, %add3A_907 : i32
    %add3A_909 = arith.constant 8192 : i32
    %add3A_910 = arith.addi %add3A_908, %add3A_909 : i32
    %add3A_911 = vector.broadcast %add3A_910 : i32 to vector<16xi32>
    %add3A_912 = arith.addi %add3A_911, %iota3A : vector<16xi32>
    %ge3A_913 = arith.constant 16383 : i32
    %ge3A_914 = vector.broadcast %ge3A_913 : i32 to vector<16xi32>
    %ge3A_915 = arith.cmpi sge, %add3A_912, %ge3A_914 : vector<16xi32>
    %sub3A_916 = arith.constant 16383 : i32
    %sub3A_917 = vector.broadcast %sub3A_916 : i32 to vector<16xi32>
    %sub3A_918 = arith.subi %add3A_912, %sub3A_917 : vector<16xi32>
    %select_n3A_919 = arith.select %ge3A_915, %sub3A_918, %add3A_912 : vector<16xi1>, vector<16xi32>
    %swap3A_920 = arith.constant 0 : index
    %swap3A_921 = tpu.vector_load %arg13[%swap3A_920] {strides = array<i32>} : memref<16xi32, #tpu.memory_space<vmem>>, vector<16xi32>,
    %swap3A_922 = vector.shape_cast %swap3A_921 : vector<16xi32> to vector<16xi32>
    %swap3A_923 = vector.shape_cast %select_n3A_919 : vector<16xi32> to vector<16xi32>
    tpu.vector_store %arg13[%swap3A_920], %swap3A_923 {strides = array<i32>} : memref<16xi32, #tpu.memory_space<vmem>>, vector<16xi32>,
    %dma_start3A_924 = arith.constant 0 : i32
    %dma_start3A_925 = arith.constant 0 : i32
    %dma_start3A_926 = tpu.memref_slice %arg2[%dma_start3A_924, %dma_start3A_925] : memref<16383x1024xf32, #tpu.memory_space<hbm>> -> memref<16383x1024xf32, #tpu.memory_space<hbm>>
    tpu.enqueue_indirect_dma source(%dma_start3A_926 : memref<16383x1024xf32, #tpu.memory_space<hbm>>) target(%arg7 : memref<16x1024xf32, #tpu.memory_space<vmem>>) offsets(%arg13 : memref<16xi32, #tpu.memory_space<vmem>>) semaphore(%arg19 : memref<!tpu.dma_semaphore, #tpu.memory_space<semaphore_mem>>)
    %dma_wait3A_927 = arith.constant 0 : i32
    %dma_wait3A_928 = arith.constant 0 : i32
    %dma_wait3A_929 = tpu.memref_slice %arg2[%dma_wait3A_927, %dma_wait3A_928] : memref<16383x1024xf32, #tpu.memory_space<hbm>> -> memref<16383x1024xf32, #tpu.memory_space<hbm>>
    tpu.wait_indirect_dma semaphore(%arg18 : memref<!tpu.dma_semaphore, #tpu.memory_space<semaphore_mem>>) src(%dma_wait3A_929 : memref<16383x1024xf32, #tpu.memory_space<hbm>>) dst(%arg6 : memref<16x1024xf32, #tpu.memory_space<vmem>>)
    %add3A_930 = arith.constant 160 : i32
    %add3A_931 = arith.addi %add3A_7, %add3A_930 : i32
    %multiple_of3A_932 = tpu.assume_multiple %add3A_931, 8 : i32
    %dma_start3A_933 = arith.constant 0 : i32
    %dma_start3A_934 = tpu.memref_slice %arg3[%multiple_of3A_932, %dma_start3A_933] : memref<16383x1024xf32, #tpu.memory_space<hbm>> -> memref<16x1024xf32, #tpu.memory_space<hbm>>
    %dma_start3A_935 = arith.constant 0 : i32
    %dma_start3A_936 = tpu.memref_slice %arg3[%multiple_of3A_932, %dma_start3A_935] : memref<16383x1024xf32, #tpu.memory_space<hbm>> -> memref<16x1024xf32, #tpu.memory_space<hbm>>
    tpu.enqueue_dma source(%arg6 : memref<16x1024xf32, #tpu.memory_space<vmem>>) target(%dma_start3A_936 : memref<16x1024xf32, #tpu.memory_space<hbm>>) target_semaphore(%arg24 : memref<!tpu.dma_semaphore, #tpu.memory_space<semaphore_mem>>)
    %add3A_937 = arith.constant 96 : i32
    %add3A_938 = arith.addi %add3A_7, %add3A_937 : i32
    %multiple_of3A_939 = tpu.assume_multiple %add3A_938, 8 : i32
    %dma_wait3A_940 = arith.constant 0 : i32
    %dma_wait3A_941 = tpu.memref_slice %arg3[%multiple_of3A_939, %dma_wait3A_940] : memref<16383x1024xf32, #tpu.memory_space<hbm>> -> memref<16x1024xf32, #tpu.memory_space<hbm>>
    %dma_wait3A_942 = arith.constant 0 : i32
    %dma_wait3A_943 = tpu.memref_slice %arg3[%multiple_of3A_939, %dma_wait3A_942] : memref<16383x1024xf32, #tpu.memory_space<hbm>> -> memref<16x1024xf32, #tpu.memory_space<hbm>>
    tpu.wait_dma2 semaphore(%arg26 : memref<!tpu.dma_semaphore, #tpu.memory_space<semaphore_mem>>) src(%arg8 : memref<16x1024xf32, #tpu.memory_space<vmem>>) dst(%dma_wait3A_943 : memref<16x1024xf32, #tpu.memory_space<hbm>>)
    %add3A_944 = arith.constant 192 : i32
    %add3A_945 = arith.addi %add3A_7, %add3A_944 : i32
    %add3A_946 = arith.constant 8192 : i32
    %add3A_947 = arith.addi %add3A_945, %add3A_946 : i32
    %add3A_948 = vector.broadcast %add3A_947 : i32 to vector<16xi32>
    %add3A_949 = arith.addi %add3A_948, %iota3A : vector<16xi32>
    %ge3A_950 = arith.constant 16383 : i32
    %ge3A_951 = vector.broadcast %ge3A_950 : i32 to vector<16xi32>
    %ge3A_952 = arith.cmpi sge, %add3A_949, %ge3A_951 : vector<16xi32>
    %sub3A_953 = arith.constant 16383 : i32
    %sub3A_954 = vector.broadcast %sub3A_953 : i32 to vector<16xi32>
    %sub3A_955 = arith.subi %add3A_949, %sub3A_954 : vector<16xi32>
    %select_n3A_956 = arith.select %ge3A_952, %sub3A_955, %add3A_949 : vector<16xi1>, vector<16xi32>
    %swap3A_957 = arith.constant 0 : index
    %swap3A_958 = tpu.vector_load %arg14[%swap3A_957] {strides = array<i32>} : memref<16xi32, #tpu.memory_space<vmem>>, vector<16xi32>,
    %swap3A_959 = vector.shape_cast %swap3A_958 : vector<16xi32> to vector<16xi32>
    %swap3A_960 = vector.shape_cast %select_n3A_956 : vector<16xi32> to vector<16xi32>
    tpu.vector_store %arg14[%swap3A_957], %swap3A_960 {strides = array<i32>} : memref<16xi32, #tpu.memory_space<vmem>>, vector<16xi32>,
    %dma_start3A_961 = arith.constant 0 : i32
    %dma_start3A_962 = arith.constant 0 : i32
    %dma_start3A_963 = tpu.memref_slice %arg2[%dma_start3A_961, %dma_start3A_962] : memref<16383x1024xf32, #tpu.memory_space<hbm>> -> memref<16383x1024xf32, #tpu.memory_space<hbm>>
    tpu.enqueue_indirect_dma source(%dma_start3A_963 : memref<16383x1024xf32, #tpu.memory_space<hbm>>) target(%arg8 : memref<16x1024xf32, #tpu.memory_space<vmem>>) offsets(%arg14 : memref<16xi32, #tpu.memory_space<vmem>>) semaphore(%arg20 : memref<!tpu.dma_semaphore, #tpu.memory_space<semaphore_mem>>)
    %dma_wait3A_964 = arith.constant 0 : i32
    %dma_wait3A_965 = arith.constant 0 : i32
    %dma_wait3A_966 = tpu.memref_slice %arg2[%dma_wait3A_964, %dma_wait3A_965] : memref<16383x1024xf32, #tpu.memory_space<hbm>> -> memref<16383x1024xf32, #tpu.memory_space<hbm>>
    tpu.wait_indirect_dma semaphore(%arg19 : memref<!tpu.dma_semaphore, #tpu.memory_space<semaphore_mem>>) src(%dma_wait3A_966 : memref<16383x1024xf32, #tpu.memory_space<hbm>>) dst(%arg7 : memref<16x1024xf32, #tpu.memory_space<vmem>>)
    %add3A_967 = arith.constant 176 : i32
    %add3A_968 = arith.addi %add3A_7, %add3A_967 : i32
    %multiple_of3A_969 = tpu.assume_multiple %add3A_968, 8 : i32
    %dma_start3A_970 = arith.constant 0 : i32
    %dma_start3A_971 = tpu.memref_slice %arg3[%multiple_of3A_969, %dma_start3A_970] : memref<16383x1024xf32, #tpu.memory_space<hbm>> -> memref<16x1024xf32, #tpu.memory_space<hbm>>
    %dma_start3A_972 = arith.constant 0 : i32
    %dma_start3A_973 = tpu.memref_slice %arg3[%multiple_of3A_969, %dma_start3A_972] : memref<16383x1024xf32, #tpu.memory_space<hbm>> -> memref<16x1024xf32, #tpu.memory_space<hbm>>
    tpu.enqueue_dma source(%arg7 : memref<16x1024xf32, #tpu.memory_space<vmem>>) target(%dma_start3A_973 : memref<16x1024xf32, #tpu.memory_space<hbm>>) target_semaphore(%arg25 : memref<!tpu.dma_semaphore, #tpu.memory_space<semaphore_mem>>)
    %add3A_974 = arith.constant 112 : i32
    %add3A_975 = arith.addi %add3A_7, %add3A_974 : i32
    %multiple_of3A_976 = tpu.assume_multiple %add3A_975, 8 : i32
    %dma_wait3A_977 = arith.constant 0 : i32
    %dma_wait3A_978 = tpu.memref_slice %arg3[%multiple_of3A_976, %dma_wait3A_977] : memref<16383x1024xf32, #tpu.memory_space<hbm>> -> memref<16x1024xf32, #tpu.memory_space<hbm>>
    %dma_wait3A_979 = arith.constant 0 : i32
    %dma_wait3A_980 = tpu.memref_slice %arg3[%multiple_of3A_976, %dma_wait3A_979] : memref<16383x1024xf32, #tpu.memory_space<hbm>> -> memref<16x1024xf32, #tpu.memory_space<hbm>>
    tpu.wait_dma2 semaphore(%arg27 : memref<!tpu.dma_semaphore, #tpu.memory_space<semaphore_mem>>) src(%arg9 : memref<16x1024xf32, #tpu.memory_space<vmem>>) dst(%dma_wait3A_980 : memref<16x1024xf32, #tpu.memory_space<hbm>>)
    %add3A_981 = arith.constant 208 : i32
    %add3A_982 = arith.addi %add3A_7, %add3A_981 : i32
    %add3A_983 = arith.constant 8192 : i32
    %add3A_984 = arith.addi %add3A_982, %add3A_983 : i32
    %add3A_985 = vector.broadcast %add3A_984 : i32 to vector<16xi32>
    %add3A_986 = arith.addi %add3A_985, %iota3A : vector<16xi32>
    %ge3A_987 = arith.constant 16383 : i32
    %ge3A_988 = vector.broadcast %ge3A_987 : i32 to vector<16xi32>
    %ge3A_989 = arith.cmpi sge, %add3A_986, %ge3A_988 : vector<16xi32>
    %sub3A_990 = arith.constant 16383 : i32
    %sub3A_991 = vector.broadcast %sub3A_990 : i32 to vector<16xi32>
    %sub3A_992 = arith.subi %add3A_986, %sub3A_991 : vector<16xi32>
    %select_n3A_993 = arith.select %ge3A_989, %sub3A_992, %add3A_986 : vector<16xi1>, vector<16xi32>
    %swap3A_994 = arith.constant 0 : index
    %swap3A_995 = tpu.vector_load %arg15[%swap3A_994] {strides = array<i32>} : memref<16xi32, #tpu.memory_space<vmem>>, vector<16xi32>,
    %swap3A_996 = vector.shape_cast %swap3A_995 : vector<16xi32> to vector<16xi32>
    %swap3A_997 = vector.shape_cast %select_n3A_993 : vector<16xi32> to vector<16xi32>
    tpu.vector_store %arg15[%swap3A_994], %swap3A_997 {strides = array<i32>} : memref<16xi32, #tpu.memory_space<vmem>>, vector<16xi32>,
    %dma_start3A_998 = arith.constant 0 : i32
    %dma_start3A_999 = arith.constant 0 : i32
    %dma_start3A_1000 = tpu.memref_slice %arg2[%dma_start3A_998, %dma_start3A_999] : memref<16383x1024xf32, #tpu.memory_space<hbm>> -> memref<16383x1024xf32, #tpu.memory_space<hbm>>
    tpu.enqueue_indirect_dma source(%dma_start3A_1000 : memref<16383x1024xf32, #tpu.memory_space<hbm>>) target(%arg9 : memref<16x1024xf32, #tpu.memory_space<vmem>>) offsets(%arg15 : memref<16xi32, #tpu.memory_space<vmem>>) semaphore(%arg21 : memref<!tpu.dma_semaphore, #tpu.memory_space<semaphore_mem>>)
    %dma_wait3A_1001 = arith.constant 0 : i32
    %dma_wait3A_1002 = arith.constant 0 : i32
    %dma_wait3A_1003 = tpu.memref_slice %arg2[%dma_wait3A_1001, %dma_wait3A_1002] : memref<16383x1024xf32, #tpu.memory_space<hbm>> -> memref<16383x1024xf32, #tpu.memory_space<hbm>>
    tpu.wait_indirect_dma semaphore(%arg20 : memref<!tpu.dma_semaphore, #tpu.memory_space<semaphore_mem>>) src(%dma_wait3A_1003 : memref<16383x1024xf32, #tpu.memory_space<hbm>>) dst(%arg8 : memref<16x1024xf32, #tpu.memory_space<vmem>>)
    %add3A_1004 = arith.constant 192 : i32
    %add3A_1005 = arith.addi %add3A_7, %add3A_1004 : i32
    %multiple_of3A_1006 = tpu.assume_multiple %add3A_1005, 8 : i32
    %dma_start3A_1007 = arith.constant 0 : i32
    %dma_start3A_1008 = tpu.memref_slice %arg3[%multiple_of3A_1006, %dma_start3A_1007] : memref<16383x1024xf32, #tpu.memory_space<hbm>> -> memref<16x1024xf32, #tpu.memory_space<hbm>>
    %dma_start3A_1009 = arith.constant 0 : i32
    %dma_start3A_1010 = tpu.memref_slice %arg3[%multiple_of3A_1006, %dma_start3A_1009] : memref<16383x1024xf32, #tpu.memory_space<hbm>> -> memref<16x1024xf32, #tpu.memory_space<hbm>>
    tpu.enqueue_dma source(%arg8 : memref<16x1024xf32, #tpu.memory_space<vmem>>) target(%dma_start3A_1010 : memref<16x1024xf32, #tpu.memory_space<hbm>>) target_semaphore(%arg26 : memref<!tpu.dma_semaphore, #tpu.memory_space<semaphore_mem>>)
    %add3A_1011 = arith.constant 128 : i32
    %add3A_1012 = arith.addi %add3A_7, %add3A_1011 : i32
    %multiple_of3A_1013 = tpu.assume_multiple %add3A_1012, 8 : i32
    %dma_wait3A_1014 = arith.constant 0 : i32
    %dma_wait3A_1015 = tpu.memref_slice %arg3[%multiple_of3A_1013, %dma_wait3A_1014] : memref<16383x1024xf32, #tpu.memory_space<hbm>> -> memref<16x1024xf32, #tpu.memory_space<hbm>>
    %dma_wait3A_1016 = arith.constant 0 : i32
    %dma_wait3A_1017 = tpu.memref_slice %arg3[%multiple_of3A_1013, %dma_wait3A_1016] : memref<16383x1024xf32, #tpu.memory_space<hbm>> -> memref<16x1024xf32, #tpu.memory_space<hbm>>
    tpu.wait_dma2 semaphore(%arg22 : memref<!tpu.dma_semaphore, #tpu.memory_space<semaphore_mem>>) src(%arg4 : memref<16x1024xf32, #tpu.memory_space<vmem>>) dst(%dma_wait3A_1017 : memref<16x1024xf32, #tpu.memory_space<hbm>>)
    %add3A_1018 = arith.constant 224 : i32
    %add3A_1019 = arith.addi %add3A_7, %add3A_1018 : i32
    %add3A_1020 = arith.constant 8192 : i32
    %add3A_1021 = arith.addi %add3A_1019, %add3A_1020 : i32
    %add3A_1022 = vector.broadcast %add3A_1021 : i32 to vector<16xi32>
    %add3A_1023 = arith.addi %add3A_1022, %iota3A : vector<16xi32>
    %ge3A_1024 = arith.constant 16383 : i32
    %ge3A_1025 = vector.broadcast %ge3A_1024 : i32 to vector<16xi32>
    %ge3A_1026 = arith.cmpi sge, %add3A_1023, %ge3A_1025 : vector<16xi32>
    %sub3A_1027 = arith.constant 16383 : i32
    %sub3A_1028 = vector.broadcast %sub3A_1027 : i32 to vector<16xi32>
    %sub3A_1029 = arith.subi %add3A_1023, %sub3A_1028 : vector<16xi32>
    %select_n3A_1030 = arith.select %ge3A_1026, %sub3A_1029, %add3A_1023 : vector<16xi1>, vector<16xi32>
    %swap3A_1031 = arith.constant 0 : index
    %swap3A_1032 = tpu.vector_load %arg10[%swap3A_1031] {strides = array<i32>} : memref<16xi32, #tpu.memory_space<vmem>>, vector<16xi32>,
    %swap3A_1033 = vector.shape_cast %swap3A_1032 : vector<16xi32> to vector<16xi32>
    %swap3A_1034 = vector.shape_cast %select_n3A_1030 : vector<16xi32> to vector<16xi32>
    tpu.vector_store %arg10[%swap3A_1031], %swap3A_1034 {strides = array<i32>} : memref<16xi32, #tpu.memory_space<vmem>>, vector<16xi32>,
    %dma_start3A_1035 = arith.constant 0 : i32
    %dma_start3A_1036 = arith.constant 0 : i32
    %dma_start3A_1037 = tpu.memref_slice %arg2[%dma_start3A_1035, %dma_start3A_1036] : memref<16383x1024xf32, #tpu.memory_space<hbm>> -> memref<16383x1024xf32, #tpu.memory_space<hbm>>
    tpu.enqueue_indirect_dma source(%dma_start3A_1037 : memref<16383x1024xf32, #tpu.memory_space<hbm>>) target(%arg4 : memref<16x1024xf32, #tpu.memory_space<vmem>>) offsets(%arg10 : memref<16xi32, #tpu.memory_space<vmem>>) semaphore(%arg16 : memref<!tpu.dma_semaphore, #tpu.memory_space<semaphore_mem>>)
    %dma_wait3A_1038 = arith.constant 0 : i32
    %dma_wait3A_1039 = arith.constant 0 : i32
    %dma_wait3A_1040 = tpu.memref_slice %arg2[%dma_wait3A_1038, %dma_wait3A_1039] : memref<16383x1024xf32, #tpu.memory_space<hbm>> -> memref<16383x1024xf32, #tpu.memory_space<hbm>>
    tpu.wait_indirect_dma semaphore(%arg21 : memref<!tpu.dma_semaphore, #tpu.memory_space<semaphore_mem>>) src(%dma_wait3A_1040 : memref<16383x1024xf32, #tpu.memory_space<hbm>>) dst(%arg9 : memref<16x1024xf32, #tpu.memory_space<vmem>>)
    %add3A_1041 = arith.constant 208 : i32
    %add3A_1042 = arith.addi %add3A_7, %add3A_1041 : i32
    %multiple_of3A_1043 = tpu.assume_multiple %add3A_1042, 8 : i32
    %dma_start3A_1044 = arith.constant 0 : i32
    %dma_start3A_1045 = tpu.memref_slice %arg3[%multiple_of3A_1043, %dma_start3A_1044] : memref<16383x1024xf32, #tpu.memory_space<hbm>> -> memref<16x1024xf32, #tpu.memory_space<hbm>>
    %dma_start3A_1046 = arith.constant 0 : i32
    %dma_start3A_1047 = tpu.memref_slice %arg3[%multiple_of3A_1043, %dma_start3A_1046] : memref<16383x1024xf32, #tpu.memory_space<hbm>> -> memref<16x1024xf32, #tpu.memory_space<hbm>>
    tpu.enqueue_dma source(%arg9 : memref<16x1024xf32, #tpu.memory_space<vmem>>) target(%dma_start3A_1047 : memref<16x1024xf32, #tpu.memory_space<hbm>>) target_semaphore(%arg27 : memref<!tpu.dma_semaphore, #tpu.memory_space<semaphore_mem>>)
    %add3A_1048 = arith.constant 144 : i32
    %add3A_1049 = arith.addi %add3A_7, %add3A_1048 : i32
    %multiple_of3A_1050 = tpu.assume_multiple %add3A_1049, 8 : i32
    %dma_wait3A_1051 = arith.constant 0 : i32
    %dma_wait3A_1052 = tpu.memref_slice %arg3[%multiple_of3A_1050, %dma_wait3A_1051] : memref<16383x1024xf32, #tpu.memory_space<hbm>> -> memref<16x1024xf32, #tpu.memory_space<hbm>>
    %dma_wait3A_1053 = arith.constant 0 : i32
    %dma_wait3A_1054 = tpu.memref_slice %arg3[%multiple_of3A_1050, %dma_wait3A_1053] : memref<16383x1024xf32, #tpu.memory_space<hbm>> -> memref<16x1024xf32, #tpu.memory_space<hbm>>
    tpu.wait_dma2 semaphore(%arg23 : memref<!tpu.dma_semaphore, #tpu.memory_space<semaphore_mem>>) src(%arg5 : memref<16x1024xf32, #tpu.memory_space<vmem>>) dst(%dma_wait3A_1054 : memref<16x1024xf32, #tpu.memory_space<hbm>>)
    %add3A_1055 = arith.constant 240 : i32
    %add3A_1056 = arith.addi %add3A_7, %add3A_1055 : i32
    %add3A_1057 = arith.constant 8192 : i32
    %add3A_1058 = arith.addi %add3A_1056, %add3A_1057 : i32
    %add3A_1059 = vector.broadcast %add3A_1058 : i32 to vector<16xi32>
    %add3A_1060 = arith.addi %add3A_1059, %iota3A : vector<16xi32>
    %ge3A_1061 = arith.constant 16383 : i32
    %ge3A_1062 = vector.broadcast %ge3A_1061 : i32 to vector<16xi32>
    %ge3A_1063 = arith.cmpi sge, %add3A_1060, %ge3A_1062 : vector<16xi32>
    %sub3A_1064 = arith.constant 16383 : i32
    %sub3A_1065 = vector.broadcast %sub3A_1064 : i32 to vector<16xi32>
    %sub3A_1066 = arith.subi %add3A_1060, %sub3A_1065 : vector<16xi32>
    %select_n3A_1067 = arith.select %ge3A_1063, %sub3A_1066, %add3A_1060 : vector<16xi1>, vector<16xi32>
    %swap3A_1068 = arith.constant 0 : index
    %swap3A_1069 = tpu.vector_load %arg11[%swap3A_1068] {strides = array<i32>} : memref<16xi32, #tpu.memory_space<vmem>>, vector<16xi32>,
    %swap3A_1070 = vector.shape_cast %swap3A_1069 : vector<16xi32> to vector<16xi32>
    %swap3A_1071 = vector.shape_cast %select_n3A_1067 : vector<16xi32> to vector<16xi32>
    tpu.vector_store %arg11[%swap3A_1068], %swap3A_1071 {strides = array<i32>} : memref<16xi32, #tpu.memory_space<vmem>>, vector<16xi32>,
    %dma_start3A_1072 = arith.constant 0 : i32
    %dma_start3A_1073 = arith.constant 0 : i32
    %dma_start3A_1074 = tpu.memref_slice %arg2[%dma_start3A_1072, %dma_start3A_1073] : memref<16383x1024xf32, #tpu.memory_space<hbm>> -> memref<16383x1024xf32, #tpu.memory_space<hbm>>
    tpu.enqueue_indirect_dma source(%dma_start3A_1074 : memref<16383x1024xf32, #tpu.memory_space<hbm>>) target(%arg5 : memref<16x1024xf32, #tpu.memory_space<vmem>>) offsets(%arg11 : memref<16xi32, #tpu.memory_space<vmem>>) semaphore(%arg17 : memref<!tpu.dma_semaphore, #tpu.memory_space<semaphore_mem>>)
    %dma_wait3A_1075 = arith.constant 0 : i32
    %dma_wait3A_1076 = arith.constant 0 : i32
    %dma_wait3A_1077 = tpu.memref_slice %arg2[%dma_wait3A_1075, %dma_wait3A_1076] : memref<16383x1024xf32, #tpu.memory_space<hbm>> -> memref<16383x1024xf32, #tpu.memory_space<hbm>>
    tpu.wait_indirect_dma semaphore(%arg16 : memref<!tpu.dma_semaphore, #tpu.memory_space<semaphore_mem>>) src(%dma_wait3A_1077 : memref<16383x1024xf32, #tpu.memory_space<hbm>>) dst(%arg4 : memref<16x1024xf32, #tpu.memory_space<vmem>>)
    %add3A_1078 = arith.constant 224 : i32
    %add3A_1079 = arith.addi %add3A_7, %add3A_1078 : i32
    %multiple_of3A_1080 = tpu.assume_multiple %add3A_1079, 8 : i32
    %dma_start3A_1081 = arith.constant 0 : i32
    %dma_start3A_1082 = tpu.memref_slice %arg3[%multiple_of3A_1080, %dma_start3A_1081] : memref<16383x1024xf32, #tpu.memory_space<hbm>> -> memref<16x1024xf32, #tpu.memory_space<hbm>>
    %dma_start3A_1083 = arith.constant 0 : i32
    %dma_start3A_1084 = tpu.memref_slice %arg3[%multiple_of3A_1080, %dma_start3A_1083] : memref<16383x1024xf32, #tpu.memory_space<hbm>> -> memref<16x1024xf32, #tpu.memory_space<hbm>>
    tpu.enqueue_dma source(%arg4 : memref<16x1024xf32, #tpu.memory_space<vmem>>) target(%dma_start3A_1084 : memref<16x1024xf32, #tpu.memory_space<hbm>>) target_semaphore(%arg22 : memref<!tpu.dma_semaphore, #tpu.memory_space<semaphore_mem>>)
    %dma_wait3A_1085 = arith.constant 0 : i32
    %dma_wait3A_1086 = arith.constant 0 : i32
    %dma_wait3A_1087 = tpu.memref_slice %arg2[%dma_wait3A_1085, %dma_wait3A_1086] : memref<16383x1024xf32, #tpu.memory_space<hbm>> -> memref<16383x1024xf32, #tpu.memory_space<hbm>>
    tpu.wait_indirect_dma semaphore(%arg17 : memref<!tpu.dma_semaphore, #tpu.memory_space<semaphore_mem>>) src(%dma_wait3A_1087 : memref<16383x1024xf32, #tpu.memory_space<hbm>>) dst(%arg5 : memref<16x1024xf32, #tpu.memory_space<vmem>>)
    %add3A_1088 = arith.constant 240 : i32
    %add3A_1089 = arith.addi %add3A_7, %add3A_1088 : i32
    %multiple_of3A_1090 = tpu.assume_multiple %add3A_1089, 8 : i32
    %dma_start3A_1091 = arith.constant 0 : i32
    %dma_start3A_1092 = tpu.memref_slice %arg3[%multiple_of3A_1090, %dma_start3A_1091] : memref<16383x1024xf32, #tpu.memory_space<hbm>> -> memref<16x1024xf32, #tpu.memory_space<hbm>>
    %dma_start3A_1093 = arith.constant 0 : i32
    %dma_start3A_1094 = tpu.memref_slice %arg3[%multiple_of3A_1090, %dma_start3A_1093] : memref<16383x1024xf32, #tpu.memory_space<hbm>> -> memref<16x1024xf32, #tpu.memory_space<hbm>>
    tpu.enqueue_dma source(%arg5 : memref<16x1024xf32, #tpu.memory_space<vmem>>) target(%dma_start3A_1094 : memref<16x1024xf32, #tpu.memory_space<hbm>>) target_semaphore(%arg23 : memref<!tpu.dma_semaphore, #tpu.memory_space<semaphore_mem>>)
    %add3A_1095 = arith.constant 160 : i32
    %add3A_1096 = arith.addi %add3A_7, %add3A_1095 : i32
    %multiple_of3A_1097 = tpu.assume_multiple %add3A_1096, 8 : i32
    %dma_wait3A_1098 = arith.constant 0 : i32
    %dma_wait3A_1099 = tpu.memref_slice %arg3[%multiple_of3A_1097, %dma_wait3A_1098] : memref<16383x1024xf32, #tpu.memory_space<hbm>> -> memref<16x1024xf32, #tpu.memory_space<hbm>>
    %dma_wait3A_1100 = arith.constant 0 : i32
    %dma_wait3A_1101 = tpu.memref_slice %arg3[%multiple_of3A_1097, %dma_wait3A_1100] : memref<16383x1024xf32, #tpu.memory_space<hbm>> -> memref<16x1024xf32, #tpu.memory_space<hbm>>
    tpu.wait_dma2 semaphore(%arg24 : memref<!tpu.dma_semaphore, #tpu.memory_space<semaphore_mem>>) src(%arg6 : memref<16x1024xf32, #tpu.memory_space<vmem>>) dst(%dma_wait3A_1101 : memref<16x1024xf32, #tpu.memory_space<hbm>>)
    %add3A_1102 = arith.constant 176 : i32
    %add3A_1103 = arith.addi %add3A_7, %add3A_1102 : i32
    %multiple_of3A_1104 = tpu.assume_multiple %add3A_1103, 8 : i32
    %dma_wait3A_1105 = arith.constant 0 : i32
    %dma_wait3A_1106 = tpu.memref_slice %arg3[%multiple_of3A_1104, %dma_wait3A_1105] : memref<16383x1024xf32, #tpu.memory_space<hbm>> -> memref<16x1024xf32, #tpu.memory_space<hbm>>
    %dma_wait3A_1107 = arith.constant 0 : i32
    %dma_wait3A_1108 = tpu.memref_slice %arg3[%multiple_of3A_1104, %dma_wait3A_1107] : memref<16383x1024xf32, #tpu.memory_space<hbm>> -> memref<16x1024xf32, #tpu.memory_space<hbm>>
    tpu.wait_dma2 semaphore(%arg25 : memref<!tpu.dma_semaphore, #tpu.memory_space<semaphore_mem>>) src(%arg7 : memref<16x1024xf32, #tpu.memory_space<vmem>>) dst(%dma_wait3A_1108 : memref<16x1024xf32, #tpu.memory_space<hbm>>)
    %add3A_1109 = arith.constant 192 : i32
    %add3A_1110 = arith.addi %add3A_7, %add3A_1109 : i32
    %multiple_of3A_1111 = tpu.assume_multiple %add3A_1110, 8 : i32
    %dma_wait3A_1112 = arith.constant 0 : i32
    %dma_wait3A_1113 = tpu.memref_slice %arg3[%multiple_of3A_1111, %dma_wait3A_1112] : memref<16383x1024xf32, #tpu.memory_space<hbm>> -> memref<16x1024xf32, #tpu.memory_space<hbm>>
    %dma_wait3A_1114 = arith.constant 0 : i32
    %dma_wait3A_1115 = tpu.memref_slice %arg3[%multiple_of3A_1111, %dma_wait3A_1114] : memref<16383x1024xf32, #tpu.memory_space<hbm>> -> memref<16x1024xf32, #tpu.memory_space<hbm>>
    tpu.wait_dma2 semaphore(%arg26 : memref<!tpu.dma_semaphore, #tpu.memory_space<semaphore_mem>>) src(%arg8 : memref<16x1024xf32, #tpu.memory_space<vmem>>) dst(%dma_wait3A_1115 : memref<16x1024xf32, #tpu.memory_space<hbm>>)
    %add3A_1116 = arith.constant 208 : i32
    %add3A_1117 = arith.addi %add3A_7, %add3A_1116 : i32
    %multiple_of3A_1118 = tpu.assume_multiple %add3A_1117, 8 : i32
    %dma_wait3A_1119 = arith.constant 0 : i32
    %dma_wait3A_1120 = tpu.memref_slice %arg3[%multiple_of3A_1118, %dma_wait3A_1119] : memref<16383x1024xf32, #tpu.memory_space<hbm>> -> memref<16x1024xf32, #tpu.memory_space<hbm>>
    %dma_wait3A_1121 = arith.constant 0 : i32
    %dma_wait3A_1122 = tpu.memref_slice %arg3[%multiple_of3A_1118, %dma_wait3A_1121] : memref<16383x1024xf32, #tpu.memory_space<hbm>> -> memref<16x1024xf32, #tpu.memory_space<hbm>>
    tpu.wait_dma2 semaphore(%arg27 : memref<!tpu.dma_semaphore, #tpu.memory_space<semaphore_mem>>) src(%arg9 : memref<16x1024xf32, #tpu.memory_space<vmem>>) dst(%dma_wait3A_1122 : memref<16x1024xf32, #tpu.memory_space<hbm>>)
    %add3A_1123 = arith.constant 224 : i32
    %add3A_1124 = arith.addi %add3A_7, %add3A_1123 : i32
    %multiple_of3A_1125 = tpu.assume_multiple %add3A_1124, 8 : i32
    %dma_wait3A_1126 = arith.constant 0 : i32
    %dma_wait3A_1127 = tpu.memref_slice %arg3[%multiple_of3A_1125, %dma_wait3A_1126] : memref<16383x1024xf32, #tpu.memory_space<hbm>> -> memref<16x1024xf32, #tpu.memory_space<hbm>>
    %dma_wait3A_1128 = arith.constant 0 : i32
    %dma_wait3A_1129 = tpu.memref_slice %arg3[%multiple_of3A_1125, %dma_wait3A_1128] : memref<16383x1024xf32, #tpu.memory_space<hbm>> -> memref<16x1024xf32, #tpu.memory_space<hbm>>
    tpu.wait_dma2 semaphore(%arg22 : memref<!tpu.dma_semaphore, #tpu.memory_space<semaphore_mem>>) src(%arg4 : memref<16x1024xf32, #tpu.memory_space<vmem>>) dst(%dma_wait3A_1129 : memref<16x1024xf32, #tpu.memory_space<hbm>>)
    %add3A_1130 = arith.constant 240 : i32
    %add3A_1131 = arith.addi %add3A_7, %add3A_1130 : i32
    %multiple_of3A_1132 = tpu.assume_multiple %add3A_1131, 8 : i32
    %dma_wait3A_1133 = arith.constant 0 : i32
    %dma_wait3A_1134 = tpu.memref_slice %arg3[%multiple_of3A_1132, %dma_wait3A_1133] : memref<16383x1024xf32, #tpu.memory_space<hbm>> -> memref<16x1024xf32, #tpu.memory_space<hbm>>
    %dma_wait3A_1135 = arith.constant 0 : i32
    %dma_wait3A_1136 = tpu.memref_slice %arg3[%multiple_of3A_1132, %dma_wait3A_1135] : memref<16383x1024xf32, #tpu.memory_space<hbm>> -> memref<16x1024xf32, #tpu.memory_space<hbm>>
    tpu.wait_dma2 semaphore(%arg23 : memref<!tpu.dma_semaphore, #tpu.memory_space<semaphore_mem>>) src(%arg5 : memref<16x1024xf32, #tpu.memory_space<vmem>>) dst(%dma_wait3A_1136 : memref<16x1024xf32, #tpu.memory_space<hbm>>)
    %eq3A = arith.constant 0 : i32
    %eq3A_1137 = arith.cmpi eq, %add3A, %eq3A : i32
    %convert_element_type3A = arith.extui %eq3A_1137 : i1 to i32
    %cond3A = arith.constant 0 : i32
    %cond3A_1138 = arith.cmpi ne, %convert_element_type3A, %cond3A : i32
    scf.if %cond3A_1138 {
      %add3A_1139 = arith.constant 8176 : i32
      %add3A_1140 = vector.broadcast %add3A_1139 : i32 to vector<16xi32>
      %add3A_1141 = arith.addi %add3A_1140, %iota3A : vector<16xi32>
      %swap3A_1142 = arith.constant 0 : index
      %swap3A_1143 = tpu.vector_load %arg29[%swap3A_1142] {strides = array<i32>} : memref<16xi32, #tpu.memory_space<vmem>>, vector<16xi32>,
      %swap3A_1144 = vector.shape_cast %swap3A_1143 : vector<16xi32> to vector<16xi32>
      %swap3A_1145 = vector.shape_cast %add3A_1141 : vector<16xi32> to vector<16xi32>
      tpu.vector_store %arg29[%swap3A_1142], %swap3A_1145 {strides = array<i32>} : memref<16xi32, #tpu.memory_space<vmem>>, vector<16xi32>,
      %add3A_1146 = arith.constant 16367 : i32
      %add3A_1147 = vector.broadcast %add3A_1146 : i32 to vector<16xi32>
      %add3A_1148 = arith.addi %add3A_1147, %iota3A : vector<16xi32>
      %swap3A_1149 = arith.constant 0 : index
      %swap3A_1150 = tpu.vector_load %arg30[%swap3A_1149] {strides = array<i32>} : memref<16xi32, #tpu.memory_space<vmem>>, vector<16xi32>,
      %swap3A_1151 = vector.shape_cast %swap3A_1150 : vector<16xi32> to vector<16xi32>
      %swap3A_1152 = vector.shape_cast %add3A_1148 : vector<16xi32> to vector<16xi32>
      tpu.vector_store %arg30[%swap3A_1149], %swap3A_1152 {strides = array<i32>} : memref<16xi32, #tpu.memory_space<vmem>>, vector<16xi32>,
      %dma_start3A_1153 = arith.constant 0 : i32
      %dma_start3A_1154 = arith.constant 0 : i32
      %dma_start3A_1155 = tpu.memref_slice %arg2[%dma_start3A_1153, %dma_start3A_1154] : memref<16383x1024xf32, #tpu.memory_space<hbm>> -> memref<16383x1024xf32, #tpu.memory_space<hbm>>
      tpu.enqueue_indirect_dma source(%dma_start3A_1155 : memref<16383x1024xf32, #tpu.memory_space<hbm>>) target(%arg28 : memref<16x1024xf32, #tpu.memory_space<vmem>>) offsets(%arg29 : memref<16xi32, #tpu.memory_space<vmem>>) semaphore(%arg31 : memref<!tpu.dma_semaphore, #tpu.memory_space<semaphore_mem>>)
      %dma_wait3A_1156 = arith.constant 0 : i32
      %dma_wait3A_1157 = arith.constant 0 : i32
      %dma_wait3A_1158 = tpu.memref_slice %arg2[%dma_wait3A_1156, %dma_wait3A_1157] : memref<16383x1024xf32, #tpu.memory_space<hbm>> -> memref<16383x1024xf32, #tpu.memory_space<hbm>>
      tpu.wait_indirect_dma semaphore(%arg31 : memref<!tpu.dma_semaphore, #tpu.memory_space<semaphore_mem>>) src(%dma_wait3A_1158 : memref<16383x1024xf32, #tpu.memory_space<hbm>>) dst(%arg28 : memref<16x1024xf32, #tpu.memory_space<vmem>>)
      %dma_start3A_1159 = arith.constant 0 : i32
      %dma_start3A_1160 = arith.constant 0 : i32
      %dma_start3A_1161 = tpu.memref_slice %arg3[%dma_start3A_1159, %dma_start3A_1160] : memref<16383x1024xf32, #tpu.memory_space<hbm>> -> memref<16383x1024xf32, #tpu.memory_space<hbm>>
      tpu.enqueue_indirect_dma source(%arg28 : memref<16x1024xf32, #tpu.memory_space<vmem>>) target(%dma_start3A_1161 : memref<16383x1024xf32, #tpu.memory_space<hbm>>) offsets(%arg30 : memref<16xi32, #tpu.memory_space<vmem>>) semaphore(%arg31 : memref<!tpu.dma_semaphore, #tpu.memory_space<semaphore_mem>>)
      %dma_wait3A_1162 = arith.constant 0 : i32
      %dma_wait3A_1163 = arith.constant 0 : i32
      %dma_wait3A_1164 = tpu.memref_slice %arg3[%dma_wait3A_1162, %dma_wait3A_1163] : memref<16383x1024xf32, #tpu.memory_space<hbm>> -> memref<16383x1024xf32, #tpu.memory_space<hbm>>
      tpu.wait_indirect_dma semaphore(%arg31 : memref<!tpu.dma_semaphore, #tpu.memory_space<semaphore_mem>>) src(%arg28 : memref<16x1024xf32, #tpu.memory_space<vmem>>) dst(%dma_wait3A_1164 : memref<16383x1024xf32, #tpu.memory_space<hbm>>)
    } else {
    }
    return
  }
}

</mosaic_0001>

<sc_bundles>
// kernel: kernel.3.cloned.1.call-start
scs
__scs_entry_jumppad:
0x0: {  	(pc) =	sbr.rel $0x88, $3  }
0x1: {  	(tag) =	ssettag $0x0;
	lr =	simm.s32 $0x1  }
0x2: {  	[smem:$0x3FA0] =	sst lr;
	_ =	strace $0xD0000000  }
0x3: {  	_ = 	snop  }
0x4: {  	_ = 	snop  }
0x5: {  	_ = 	snop  }
0x6: {  	_ = 	snop  }
0x7: {  	_ = 	snop  }
__scs_overlays_trampoline_lowered:
0x8: {  	[smem:$0x3FAF] =	sst s0  }
0x9: {  	[smem:$0x3FB0] =	sst s1  }
0xa: {  	[smem:$0x3FB1] =	sst s2  }
0xb: {  	[smem:$0x3FB2] =	sst s3  }
0xc: {  	[smem:$0x3FB3] =	sst s4  }
0xd: {  	[smem:$0x3FB4] =	sst s5  }
0xe: {  	[smem:$0x3FB5] =	sst s6  }
0xf: {  	[smem:$0x3FB6] =	sst s7  }
0x10: {  	[smem:$0x3FB7] =	sst s8  }
0x11: {  	[smem:$0x3FB8] =	sst s9;
	s0 =	simm.s32 @!p0 $0x0  }
0x12: {  	s1 =	sld [smem:$0x3F9E];
	s0 =	simm.s32 @p0 $0x1  }
0x13: {  	[smem:$0x3FB9] =	sst s0;
	s0 =	simm.s32 @!p1 $0x0  }
0x14: {  	s2 =	sld [smem:$0x3F9D];
	s0 =	simm.s32 @p1 $0x1  }
0x15: {  	[smem:$0x3FBA] =	sst s0;
	s0 =	simm.s32 @!p2 $0x0  }
0x16: {  	s3 =	sld [smem:$0x3FDB];
	s0 =	simm.s32 @p2 $0x1  }
0x17: {  	s4 =	simm.s32 $0x1BF5;
	[smem:$0x3FBC] =	sst s0  }
0x18: {  	s0 =	sld [smem:$0x3F9F];
	_ =	swait.ge [sflag:s4], $0x0  }
0x19: {  	s7 =	sld [smem:$0x3FA0]  }
0x1a: {  	s8 =	sadd.s32 $0xFFFFE003, lr  }
0x1b: {  	s9 =	sadd.s32 $0xFFFFFEF7, lr;
	s5 =	simm.s32 $0xFFFFFFFF;
	p2 =	slt.u32 s8, $0xFFFFF086  }
0x1c: {  	p1 =	slt.u32 s9, $0xF7A;
	s5 =	simm.s32 @!p2 $0x0  }
0x1d: {  	s5 =	simm.s32 @p1 $0x1;
	p0 =	seq.s32 s7, s2  }
0x1e: {  	s7 =	smul.u32 @!p0 $0xF7A, s2;
	p2 =	seq.s32 @!p0 s5, $0x0  }
0x1f: {  	s9 =	smul.u32 $0xF7A, s1;
	s8 =	simm.s32 @!p0 $0x1BF5;
	p2 =	por !p2, p0  }
0x20: {  	[sflag:s8] =	ssyncset.s32 @!p0 $0xFFFFF086;
	s6 =	sadd.s32 @!p0 s3, s7;
	s7 =	simm.s32 @!p0 $0x108  }
0x21: {  	s3 =	sadd.s32 s3, s9;
	s6 =	sadd.s32 @!p0 $0x88, s6;
	s7 =	simm.s32 @p2 $0x1082  }
0x22: {  	[simem:s7], [sflag:s8] =	dma.local @!p0 [hbm:s6], $0xF7A  }
0x23: {  	s9 =	sor.u32 $0xD0000000, s2;
	s6 =	simm.s32 $0x108;
	_ =	swait.ge @!p0 [sflag:s8], $0x0  }
0x24: {  	s3 =	sadd.s32 $0x88, s3;
	s6 =	simm.s32 @!p1 $0x1082;
	[sflag:s4] =	ssyncset.s32 $0xFFFFF086  }
0x25: {  	[simem:s6], [sflag:s4] =	dma.local [hbm:s3], $0xF7A  }
0x26: {  	[smem:$0x3FA0] =	sst s1;
	(tag) =	ssettag s2;
	_ =	strace s9  }
0x27: {  	s1 =	sld [smem:$0x3FB0]  }
0x28: {  	s2 =	sld [smem:$0x3FB1]  }
0x29: {  	s4 =	sld [smem:$0x3FB3]  }
0x2a: {  	p0 =	seq.s32 s5, $0x0;
	s5 =	sld [smem:$0x3FB4]  }
0x2b: {  	s6 =	sld [smem:$0x3FB5]  }
0x2c: {  	s7 =	sld [smem:$0x3FB6]  }
0x2d: {  	s3 =	simm.s32 $0x108;
	s8 =	sld [smem:$0x3FB7]  }
0x2e: {  	s3 =	simm.s32 @!p0 $0x1082;
	s9 =	sld [smem:$0x3FB8]  }
0x2f: {  	lr =	sadd.s32 s0, s3;
	s0 =	sld [smem:$0x3FAF]  }
0x30: {  	s3 =	sld [smem:$0x3FB2]  }
0x31: {  	[smem:$0x3FBB] =	sst s10  }
0x32: {  	s10 =	sld [smem:$0x3FB9];
	_ =	sdelay $0x3  }
0x33: {  	p0 =	seq.s32 s10, $0x1;
	s10 =	sld [smem:$0x3FBB];
	_ =	sdelay $0x3  }
0x34: {  	[smem:$0x3FBB] =	sst s10  }
0x35: {  	s10 =	sld [smem:$0x3FBA];
	_ =	sdelay $0x3  }
0x36: {  	p1 =	seq.s32 s10, $0x1;
	s10 =	sld [smem:$0x3FBB];
	_ =	sdelay $0x3  }
0x37: {  	[smem:$0x3FBB] =	sst s10  }
0x38: {  	s10 =	sld [smem:$0x3FBC]  }
0x39: {  	_ = 	snop;
	(pc) =	sbr.ind lr, $3  }
0x3a: {  	_ = 	snop  }
0x3b: {  	_ = 	snop  }
0x3c: {  	p2 =	seq.s32 s10, $0x1;
	s10 =	sld [smem:$0x3FBB]  }
0x3d: {  	_ =	shalt  }
0x3e: {  	_ =	shalt  }
0x3f: {  	_ =	shalt  }
0x40: {  	_ =	shalt  }
0x41: {  	_ =	shalt  }
0x42: {  	_ =	shalt  }
0x43: {  	_ =	shalt  }
0x44: {  	_ =	shalt  }
0x45: {  	_ =	shalt  }
0x46: {  	_ =	shalt  }
0x47: {  	_ =	shalt  }
0x48: {  	_ =	shalt  }
0x49: {  	_ =	shalt  }
0x4a: {  	_ =	shalt  }
0x4b: {  	_ =	shalt  }
0x4c: {  	_ =	shalt  }
0x4d: {  	_ =	shalt  }
0x4e: {  	_ =	shalt  }
0x4f: {  	_ =	shalt  }
0x50: {  	_ =	shalt  }
0x51: {  	_ =	shalt  }
0x52: {  	_ =	shalt  }
0x53: {  	_ =	shalt  }
0x54: {  	_ =	shalt  }
0x55: {  	_ =	shalt  }
0x56: {  	_ =	shalt  }
0x57: {  	_ =	shalt  }
0x58: {  	_ =	shalt  }
0x59: {  	_ =	shalt  }
0x5a: {  	_ =	shalt  }
0x5b: {  	_ =	shalt  }
0x5c: {  	_ =	shalt  }
0x5d: {  	_ =	shalt  }
0x5e: {  	_ =	shalt  }
0x5f: {  	_ =	shalt  }
0x60: {  	_ =	shalt  }
0x61: {  	_ =	shalt  }
0x62: {  	_ =	shalt  }
0x63: {  	_ =	shalt  }
0x64: {  	_ =	shalt  }
0x65: {  	_ =	shalt  }
0x66: {  	_ =	shalt  }
0x67: {  	_ =	shalt  }
0x68: {  	_ =	shalt  }
0x69: {  	_ =	shalt  }
0x6a: {  	_ =	shalt  }
0x6b: {  	_ =	shalt  }
0x6c: {  	_ =	shalt  }
0x6d: {  	_ =	shalt  }
0x6e: {  	_ =	shalt  }
0x6f: {  	_ =	shalt  }
0x70: {  	_ =	shalt  }
0x71: {  	_ =	shalt  }
0x72: {  	_ =	shalt  }
0x73: {  	_ =	shalt  }
0x74: {  	_ =	shalt  }
0x75: {  	_ =	shalt  }
0x76: {  	_ =	shalt  }
0x77: {  	_ =	shalt  }
0x78: {  	_ =	shalt  }
0x79: {  	_ =	shalt  }
0x7a: {  	_ =	shalt  }
0x7b: {  	_ =	shalt  }
0x7c: {  	_ =	shalt  }
0x7d: {  	_ =	shalt  }
0x7e: {  	_ =	shalt  }
0x7f: {  	_ =	shalt  }
0x80: {  	_ =	shalt  }
0x81: {  	_ =	shalt  }
0x82: {  	_ =	shalt  }
0x83: {  	_ =	shalt  }
0x84: {  	_ =	shalt  }
0x85: {  	_ =	shalt  }
0x86: {  	_ =	shalt  }
0x87: {  	_ =	shalt  }
.Lfunc_end0:
.L_simem_size_0:
called_computation_lowered:
.L_overlay_start_0:
0x88: {  	s2 =	sld [smem:$0x3FD9]  }
0x89: {  	s3 =	sld [smem:$0x3FFE];
	_ =	sdelay $0x1  }
0x8a: {  	s1 =	srdreg.scid  }
0x8b: {  	s0 =	sand.u32 $0x1, s1  }
0x8c: {  	s18 =	sshll.u32 s0, $0xA;
	s2 =	sadd.s32 s3, s2  }
0x8d: {  	s2 =	sadd.s32 s2, s18  }
0x8e: {  	[smem:$0x3FC7] =	sst s2  }
0x8f: {  	_ = 	snop  }
0x90: {  	s2 =	sld [smem:$0x3FC9]  }
0x91: {  	s19 =	sld [smem:$0x3FD0];
	(tm) =	ssettm $0x1  }
0x92: {  	s4 =	sld [smem:$0x3FFB];
	_ =	sdelay $0x3  }
0x93: {  	_ =	strace s4  }
0x94: {  	s4 =	sld [smem:$0x3FFC];
	_ =	sdelay $0x3  }
0x95: {  	_ =	strace s4  }
0x96: {  	s4 =	sld [smem:$0x3FFD];
	_ =	sdelay $0x3  }
0x97: {  	_ =	strace s4  }
0x98: {  	_ =	strace $0x8FFFFFFF  }
0x99: {  	s20 =	sld [smem:$0x3FDB];
	_ =	sdelay $0x1  }
0x9a: {  	s5 =	simm.s32 $_scs_section_size  }
0x9b: {  	s6 =	simm.s32 $_size__tile_overlayer_lowered;
	s7 =	simm.s32 $_tile_overlayer_lowered  }
0x9c: {  	s23 =	simm.s32 $0x1BFF;
	s22 =	sshll.u32 s7, $0x1;
	s4 =	sadd.s32 s5, s20  }
0x9d: {  	s8 =	simm.s32 $0x0;
	s21 =	sshll.u32 s6, $0x1;
	s6 =	sadd.s32 s22, s4  }
0x9e: {  	[timem:s8], [sflag:s23] =	dma.local [hbm:s6], s21  }
0x9f: {  	_ =	swait.ge [sflag:s23], s21  }
0xa0: {  	s5 =	ssub.s32 $0x0, s21;
	[sflag:s23] =	ssyncset.done $0x0  }
0xa1: {  	[sflag:s23] =	ssyncadd.s32 s5;
	_ =	sdelay $0x1  }
0xa2: {  	s24 =	simm.s32 $0x1B8B  }
0xa3: {  	_ =	swait.ge [sflag:s24], $0x1  }
0xa4: {  	[sflag:s24] =	ssyncset.done $0x0  }
0xa5: {  	s25 =	simm.s32 $0x1B8E;
	[sflag:s24] =	ssyncadd.s32 $0xFFFFFFFF  }
0xa6: {  	s26 =	simm.s32 $execute0_lowered;
	[smem:$0x3FD2] =	sst s25  }
0xa7: {  	s5 =	sshll.u32 s26, $0x1;
	_ =	strace $0x80000046;
	[dreg:$0x1] =	wrdreg $0xFFFFFFFF  }
0xa8: {  	s28 =	simm.s32 $_size_execute0_lowered;
	s4 =	sadd.s32 s4, s5;
	[dreg:$0x0] =	wrdreg $0x0  }
0xa9: {  	s5 =	sshll.u32 s28, $0x1;
	[dreg:$0x2] =	wrdreg s4  }
0xaa: {  	[dreg:$0x3] =	wrdreg s5  }
0xab: {  	[dreg:$0x4] =	wrdreg $0xC0  }
0xac: {  	_ =	task [dreg:s8], $0x5FFFF  }
0xad: {  	[dreg:$0x1] =	wrdreg $0xFFFFFFFF  }
0xae: {  	[dreg:$0x0] =	wrdreg $0x60  }
0xaf: {  	[dreg:$0x2] =	wrdreg s2  }
0xb0: {  	[dreg:$0x3] =	wrdreg s19  }
0xb1: {  	[dreg:$0x4] =	wrdreg $0x9  }
0xb2: {  	_ =	task.clear_ibuf [dreg:s8], $0x5FFFF;
	_ =	strace $0x90000046  }
0xb3: {  	s29 =	simm.s32 $0x9;
	_ =	strace $0x80000048  }
0xb4: {  	_ =	swait.ge [sflag:s29], $0x1  }
0xb5: {  	[sflag:s29] =	ssyncadd.s32 $0xFFFFFFFF  }
0xb6: {  	_ =	strace $0x90000048  }
0xb7: {  	_ =	sfence  }
0xb8: {  	s30 =	sld [smem:$0x0];
	_ =	sdelay $0x2  }
0xb9: {  	s31 =	sshll.u32 s1, $0xD;
	s1 =	sshrl.u32 s1, $0x2  }
0xba: {  	s3 =	sand.u32 $0x4000, s31;
	s1 =	sadd.s32 s1, s30  }
0xbb: {  	s0 =	sor.u32 s3, s0;
	s1 =	sshll.u32 s1, $0x11  }
0xbc: {  	s0 =	sor.u32 s1, s0  }
0xbd: {  	s0 =	sadd.s32 $0x8F2B, s0  }
0xbe: {  	[sflag:s0] =	ssyncadd.remote.s32 $0x1  }
0xbf: {  	_ =	sfence.sel $0xFFFF  }
0xc0: {  	[dreg:$0x0] =	wrdreg $0xFFFFFFFF;
	(pc) =	sbr.abs _section_cstart, $3  }
0xc1: {  	[dreg:$0x1] =	wrdreg $0xFFFFFFFF  }
0xc2: {  	_ =	task.clear_ibuf [dreg:s8], $0x2FFFF;
	_ =	strace $0x9FFFFFFF  }
0xc3: {  	(tm) =	ssettm $0x7FFFFFFF  }
tec
execute0_lowered:
.L_overlay_start_1:
0x0: {  	(tag) =	ssettag $0x1  }
0x1: {  	s0 =	srdreg.scid;
	s1 =	stileid.u32  }
0x2: {  	s3 =	sand.u32 $0x1, s0;
	s20 =	sshll.u32 s1, $0x1  }
0x3: {  	s0 =	sor.u32 s3, s20  }
0x4: {  	s1 =	sshll.u32 s0, $0x8  }
0x5: {  	s2 =	rddreg [dreg:$0x0];
	s5 =	smin.u32 s1, $0x1EF8  }
0x6: {  	s11 =	rddreg [dreg:$0x1];
	s4 =	simm.s32 $0x0;
	s6 =	sshll.u32 s5, $0x7  }
0x7: {  	[smem:$0x7FF] =	sst s4;
	s5 =	sadd.s32 s6, s2;
	s9 =	sadd.s32 s11, s6  }
0x8: {  	_ =	strace $0x80000047;
	s7 =	sadd.s32 $0x100000, s5;
	[smem:$0x7E9] =	sst s9  }
0x9: {  	s21 =	sadd.s32 $0x100800, s5;
	[dreg:$0x3] =	wrdreg s7  }
0xa: {  	s22 =	sadd.s32 $0x101000, s5;
	[dreg:$0x4] =	wrdreg s21  }
0xb: {  	s23 =	sadd.s32 $0x800, s9;
	[dreg:$0x5] =	wrdreg s22  }
0xc: {  	s24 =	sadd.s32 $0x101800, s5;
	[dreg:$0x6] =	wrdreg s23  }
0xd: {  	s25 =	sadd.s32 $0x1000, s9;
	[dreg:$0x7] =	wrdreg s24  }
0xe: {  	s31 =	sadd.s32 $0x1800, s9;
	[dreg:$0x8] =	wrdreg s25  }
0xf: {  	v22 =	vlaneseq.u32;
	s26 =	sadd.s32 $0x102000, s5;
	[dreg:$0xa] =	wrdreg s31;
	s31 =	sadd.s32 $0x3FF8, s1  }
0x10: {  	v17 =	vadd.s32 $0xFFFFC001, v22;
	s8 =	sadd.s32 $0x2000, s9;
	[dreg:$0x9] =	wrdreg s26;
	v0 =	vadd.s32 s31, v22  }
0x11: {  	s10 =	sadd.s32 $0x103000, s5;
	[dreg:$0xc] =	wrdreg s8;
	v1 =	vadd.s32 s31, v17;
	vm0 =	vgt.u32 v0, $0x3FFE  }
0x12: {  	s15 =	sadd.s32 $0x104000, s5;
	[dreg:$0xd] =	wrdreg s10;
	v0 =	vsel vm0, v1, v0;
	v1 =	vimm.s32 $0x7654321  }
0x13: {  	v23 =	vshrl.u32 v22, $0x3;
	[dreg:$0x11] =	wrdreg s15;
	s8 =	sadd.s32 $0x107000, s5;
	s15 =	sor.u32 $0x4008, s1;
	v2 =	vshll.u32 v0, $0x3;
	v3 =	vunpack.c.l.s4.s8 v1  }
0x14: {  	s12 =	sadd.s32 $0x2800, s9;
	[dreg:$0x1d] =	wrdreg s8;
	s8 =	sor.u32 $0x4018, s1;
	v4 =	vand.u32 $0x7, v0;
	v1 =	vadd.s32 s15, v17;
	v5 =	vand.u32 $0xFFFFFFC0, v2  }
0x15: {  	s20 =	sadd.s32 $0x4800, s9;
	[dreg:$0xe] =	wrdreg s12;
	v6 =	vshll.u32 v1, $0x3;
	v2 =	vadd.s32 s8, v17;
	v21 =	vunpack.c.0.s8.s32 v3  }
0x16: {  	[dreg:$0x16] =	wrdreg s20;
	s22 =	sadd.s32 $0x5000, s9;
	s20 =	sor.u32 $0x4028, s1;
	v24 =	vor.u32 v4, v5;
	v3 =	vand.u32 $0xFFFDF9C0, v6;
	v4 =	vshll.u32 v2, $0x3  }
0x17: {  	s24 =	sadd.s32 $0x5800, s9;
	[dreg:$0x18] =	wrdreg s22;
	s22 =	sor.u32 $0x4038, s1;
	v4 =	vand.u32 $0xFFFDF9C0, v4;
	v25 =	vor.u32 v21, v3;
	v3 =	vadd.s32 s20, v17  }
0x18: {  	s13 =	sadd.s32 $0x103800, s5;
	[dreg:$0x1a] =	wrdreg s24;
	s24 =	sor.u32 $0x4048, s1;
	v26 =	vor.u32 v21, v4;
	v4 =	vadd.s32 s22, v17;
	v5 =	vshll.u32 v3, $0x3  }
0x19: {  	s14 =	sadd.s32 $0x3000, s9;
	[dreg:$0xf] =	wrdreg s13;
	v7 =	vshll.u32 v4, $0x3;
	v6 =	vand.u32 $0xFFFDFBC0, v5;
	v5 =	vadd.s32 s24, v17  }
0x1a: {  	s16 =	sadd.s32 $0x3800, s9;
	[dreg:$0x10] =	wrdreg s14;
	s31 =	sor.u32 $0x4058, s1;
	v29 =	vor.u32 v21, v6;
	v6 =	vand.u32 $0xFFFDFBC0, v7;
	v7 =	vshll.u32 v5, $0x3  }
0x1b: {  	[dreg:$0x12] =	wrdreg s16;
	s10 =	sadd.s32 $0x6800, s9;
	s8 =	sor.u32 $0x4068, s1;
	v30 =	vor.u32 v21, v6;
	v7 =	vand.u32 $0xFFFDFBC0, v7;
	v6 =	vadd.s32 s31, v17  }
0x1c: {  	s17 =	sadd.s32 $0x104800, s5;
	[dreg:$0x1e] =	wrdreg s10;
	s10 =	sor.u32 $0x4078, s1;
	v32 =	vor.u32 v21, v7;
	v8 =	vshll.u32 v6, $0x3;
	v7 =	vadd.s32 s8, v17  }
0x1d: {  	s18 =	sadd.s32 $0x4000, s9;
	[dreg:$0x13] =	wrdreg s17;
	s13 =	sadd.s32 $0x107800, s5;
	v9 =	vand.u32 $0xFFFDFBC0, v8;
	v10 =	vshll.u32 v7, $0x3;
	v8 =	vadd.s32 s10, v17  }
0x1e: {  	s19 =	sadd.s32 $0x105000, s5;
	[dreg:$0x1f] =	wrdreg s13;
	s13 =	sor.u32 $0x4088, s1;
	v35 =	vor.u32 v21, v9;
	v9 =	vand.u32 $0xFFFDFFC0, v10;
	v10 =	vshll.u32 v8, $0x3  }
0x1f: {  	[dreg:$0x14] =	wrdreg s18;
	s17 =	sshll.u32 s0, $0xF;
	s15 =	sor.u32 $0x4098, s1;
	v36 =	vor.u32 v21, v9;
	v10 =	vand.u32 $0xFFFDFFC0, v10;
	v9 =	vadd.s32 s13, v17  }
0x20: {  	s12 =	ssub.s32 $0x2, s3;
	s3 =	sadd.s32 s17, s11;
	s17 =	sor.u32 $0x40A8, s1;
	v38 =	vor.u32 v21, v10;
	v11 =	vshll.u32 v9, $0x3;
	v10 =	vadd.s32 s15, v17  }
0x21: {  	s7 =	sadd.s32 $0x102800, s5;
	[dreg:$0x15] =	wrdreg s19;
	v12 =	vand.u32 $0xFFFDFDC0, v11;
	v13 =	vshll.u32 v10, $0x3;
	v11 =	vadd.s32 s17, v17  }
0x22: {  	s21 =	sadd.s32 $0x105800, s5;
	[dreg:$0xb] =	wrdreg s7;
	s20 =	sor.u32 $0x40B8, s1;
	v41 =	vor.u32 v21, v12;
	v12 =	vand.u32 $0xFFFDFDC0, v13;
	v13 =	vshll.u32 v11, $0x3  }
0x23: {  	s23 =	sadd.s32 $0x106000, s5;
	[dreg:$0x17] =	wrdreg s21;
	s22 =	sor.u32 $0x40C8, s1;
	v42 =	vor.u32 v21, v12;
	v13 =	vand.u32 $0xFFFDFFC0, v13;
	v12 =	vadd.s32 s20, v17  }
0x24: {  	s25 =	sadd.s32 $0x106800, s5;
	[dreg:$0x19] =	wrdreg s23;
	s24 =	sor.u32 $0x40D8, s1;
	v43 =	vor.u32 v21, v13;
	v14 =	vshll.u32 v12, $0x3;
	v13 =	vadd.s32 s22, v17  }
0x25: {  	s26 =	sadd.s32 $0x6000, s9;
	[dreg:$0x1b] =	wrdreg s25;
	s1 =	sor.u32 $0x40E8, s1;
	v15 =	vand.u32 $0xFFFDFFC0, v14;
	v16 =	vshll.u32 v13, $0x3;
	v14 =	vadd.s32 s24, v17  }
0x26: {  	s16 =	sadd.s32 $0x7000, s9;
	[dreg:$0x1c] =	wrdreg s26;
	v17 =	vadd.s32 s1, v17;
	v15 =	vor.u32 v21, v15;
	v16 =	vand.u32 $0xFFFDFFC0, v16  }
0x27: {  	s18 =	sadd.s32 $0x7800, s9;
	[smem:$0x7E8] =	sst s16;
	v18 =	vshll.u32 v14, $0x3;
	v19 =	vshll.u32 v17, $0x3;
	v16 =	vor.u32 v21, v16  }
0x28: {  	[smem:$0x7EA] =	sst s18;
	s19 =	sadd.s32 $0xFFC00, s3;
	v20 =	vand.u32 $0xFFFDFFC0, v18;
	v18 =	vand.u32 $0x7, v22;
	v27 =	vand.u32 $0xFFFFFFC0, v19  }
0x29: {  	s21 =	sadd.s32 $0x100400, s3;
	[smem:$0x7EB] =	sst s19;
	v22 =	vor.u32 $0x8, v22;
	v28 =	vperm.xlane v24, v18;
	v20 =	vor.u32 v21, v20  }
0x2a: {  	s23 =	sadd.s32 $0x100C00, s3;
	[smem:$0x7EC] =	sst s21;
	v21 =	vor.u32 v21, v27;
	v24 =	vperm.xlane v24, v22;
	v27 =	vperm.xlane v25, v18  }
0x2b: {  	s25 =	sadd.s32 $0x101400, s3;
	[smem:$0x7ED] =	sst s23;
	v31 =	vperm.xlane v26, v18;
	v33 =	vperm.xlane v26, v22  }
0x2c: {  	s26 =	sadd.s32 $0x101C00, s3;
	[smem:$0x7EE] =	sst s25;
	v56 =	vperm.xlane v29, v22;
	v34 =	vperm.xlane v30, v18  }
0x2d: {  	s28 =	simm.s32 $0xA;
	s7 =	sadd.s32 $0x102400, s3;
	[smem:$0x7EF] =	sst s26;
	v37 =	vperm.xlane v30, v22;
	v39 =	vperm.xlane v32, v18  }
0x2e: {  	s14 =	sshrl.u32 s12, $0x1;
	s9 =	sadd.s32 $0x102C00, s3;
	[smem:$0x7F0] =	sst s7;
	v57 =	vperm.xlane v32, v22;
	v58 =	vperm.xlane v35, v18  }
0x2f: {  	s5 =	ssub.s32 s12, s14;
	s12 =	sadd.s32 $0x103400, s3;
	[smem:$0x7F1] =	sst s9;
	v59 =	vperm.xlane v35, v22;
	v40 =	vperm.xlane v36, v18  }
0x30: {  	s29 =	simm.s32 $0xB;
	s14 =	sadd.s32 $0x103C00, s3;
	[smem:$0x7F2] =	sst s12;
	v44 =	vperm.xlane v36, v22;
	v45 =	vperm.xlane v38, v18  }
0x31: {  	p0 =	sne.s32 s0, $0x0;
	s16 =	sadd.s32 $0x104400, s3;
	[smem:$0x7F3] =	sst s14;
	v60 =	vperm.xlane v38, v22;
	v61 =	vperm.xlane v41, v18  }
0x32: {  	s30 =	simm.s32 $0xC;
	vm1 =	vmmov @!p0 $0xffff;
	s18 =	sadd.s32 $0x104C00, s3;
	[smem:$0x7F4] =	sst s16;
	v62 =	vperm.xlane v41, v22;
	v46 =	vperm.xlane v42, v18  }
0x33: {  	s6 =	sadd.s32 $0x100, s2;
	[smem:$0x7F5] =	sst s18;
	s19 =	sadd.s32 $0x105400, s3;
	v19 =	vmul.u32 $0x8, v23;
	v63 =	vperm.xlane v42, v22;
	v47 =	vperm.xlane v43, v18  }
0x34: {  	s7 =	sadd.s32 $0x200, s2;
	s21 =	sadd.s32 $0x105C00, s3;
	vm0 =	vmmov $0xffff;
	[smem:$0x7F6] =	sst s19;
	v48 =	vperm.xlane v43, v22;
	v49 =	vperm.xlane v15, v18  }
0x35: {  	s23 =	sadd.s32 $0x106400, s3;
	s25 =	sadd.s32 $0x100, s11;
	[smem:$0x7F7] =	sst s21;
	v23 =	vadd.s32 v19, v28;
	v28 =	vperm.xlane v25, v22;
	v24 =	vadd.s32 v19, v24  }
0x36: {  	s26 =	sadd.s32 $0x200, s11;
	s14 =	simm.s32 $0x1;
	[smem:$0x7F8] =	sst s23;
	v25 =	vadd.s32 v19, v27;
	v27 =	vadd.s32 v19, v31;
	v31 =	vperm.xlane v29, v18  }
0x37: {  	s16 =	simm.s32 $0x2;
	s12 =	simm.s32 $0x4000;
	[smem:$0x7FB] =	sst s25;
	v30 =	vadd.s32 v19, v56;
	v32 =	vadd.s32 v19, v37;
	v35 =	vadd.s32 v19, v58  }
0x38: {  	s18 =	simm.s32 $0xB800;
	[smem:$0x7FC] =	sst s26;
	s23 =	simm.s32 $0x7;
	v36 =	vadd.s32 v19, v59;
	v37 =	vadd.s32 v19, v40;
	v38 =	vadd.s32 v19, v44  }
0x39: {  	s25 =	simm.s32 $0x8;
	s26 =	simm.s32 $0x9;
	s31 =	sadd.s32 $0x300, s11;
	v40 =	vadd.s32 v19, v60;
	v41 =	vadd.s32 v19, v61;
	v42 =	vadd.s32 v19, v62  }
0x3a: {  	s21 =	simm.s32 $0xA000;
	[smem:$0x7FD] =	sst s31;
	s10 =	sadd.s32 $0x106C00, s3;
	v43 =	vadd.s32 v19, v46;
	v44 =	vadd.s32 v19, v63;
	v46 =	vadd.s32 v19, v48  }
0x3b: {  	s8 =	sadd.s32 $0x300, s2;
	s3 =	sadd.s32 $0x107400, s3;
	[smem:$0x7F9] =	sst s10;
	v26 =	vadd.s32 v19, v28;
	v28 =	vadd.s32 v19, v33;
	v29 =	vadd.s32 v19, v31  }
0x3c: {  	[smem:$0x7FA] =	sst s3;
	s13 =	simm.s32 $0x4;
	s20 =	simm.s32 $0x3;
	v31 =	vadd.s32 v19, v34;
	v33 =	vadd.s32 v19, v39;
	v34 =	vadd.s32 v19, v57  }
0x3d: {  	s22 =	simm.s32 $0x5;
	s1 =	smax.u32 s5, $0x1;
	s24 =	simm.s32 $0x6;
	v39 =	vadd.s32 v19, v45;
	v45 =	vadd.s32 v19, v47;
	v47 =	vadd.s32 v19, v49  }
.LBB2_1:
0x3e: {  	[smem:$0x7E7] =	sst s1  }
0x3f: {  	s3 =	rddreg [dreg:$0x3]  }
0x40: {  	[tilespmem:s4], [sflag:$0x1] =	stream.linear.gather [hbm4b:s3+s4], $0x4000, $0x38;
	[tilespmem:$0x1C400] =	vst v63  }
0x41: {  	s5 =	rddreg [dreg:$0x4]  }
0x42: {  	[tilespmem:s12], [sflag:$0x2] =	stream.linear.gather [hbm4b:s5+s4], $0x4000, $0x38;
	[tilespmem:$0x1C400] =	vst v63  }
0x43: {  	_ =	swait.ge [sflag:s14], $0x4000  }
0x44: {  	s0 =	sld [smem:$0x7E9]  }
0x45: {  	[sflag:s14] =	ssyncset.done $0x0  }
0x46: {  	[sflag:s14] =	ssyncadd.s32 $0xFFFFC000  }
0x47: {  	[hbm4b:s0+s4] =	stream.linear.scatter [tilespmem:s4], [sflag:$0x7], $0x4000, $0x38;
	[tilespmem:$0x1C400] =	vst v63  }
0x48: {  	s9 =	rddreg [dreg:$0x5];
	s0 =	simm.s32 $0x8000  }
0x49: {  	[tilespmem:s0], [sflag:$0x3] =	stream.linear.gather [hbm4b:s9+s4], $0x4000, $0x38;
	[tilespmem:$0x1C400] =	vst v63  }
0x4a: {  	_ =	swait.ge [sflag:s16], $0x4000  }
0x4b: {  	[sflag:s16] =	ssyncset.done $0x0  }
0x4c: {  	s10 =	rddreg [dreg:$0x6];
	[sflag:s16] =	ssyncadd.s32 $0xFFFFC000  }
0x4d: {  	[hbm4b:s10+s4] =	stream.linear.scatter [tilespmem:s12], [sflag:$0x8], $0x4000, $0x38;
	[tilespmem:$0x1C400] =	vst v63  }
0x4e: {  	s1 =	simm.s32 $0xC000;
	s11 =	rddreg [dreg:$0x7]  }
0x4f: {  	[tilespmem:s1], [sflag:$0x4] =	stream.linear.gather [hbm4b:s11+s4], $0x4000, $0x38;
	[tilespmem:$0x1C400] =	vst v63  }
0x50: {  	_ =	swait.ge [sflag:s20], $0x4000  }
0x51: {  	[sflag:s20] =	ssyncset.done $0x0  }
0x52: {  	s15 =	rddreg [dreg:$0x8];
	[sflag:s20] =	ssyncadd.s32 $0xFFFFC000  }
0x53: {  	[hbm4b:s15+s4] =	stream.linear.scatter [tilespmem:s0], [sflag:$0x9], $0x4000, $0x38;
	[tilespmem:$0x1C400] =	vst v63  }
0x54: {  	s9 =	simm.s32 $0x10000;
	s17 =	rddreg [dreg:$0x9]  }
0x55: {  	[tilespmem:s9], [sflag:$0x5] =	stream.linear.gather [hbm4b:s17+s4], $0x4000, $0x38;
	[tilespmem:$0x1C400] =	vst v63  }
0x56: {  	_ =	swait.ge [sflag:s13], $0x4000  }
0x57: {  	[sflag:s13] =	ssyncset.done $0x0  }
0x58: {  	s19 =	rddreg [dreg:$0xa];
	[sflag:s13] =	ssyncadd.s32 $0xFFFFC000  }
0x59: {  	[hbm4b:s19+s4] =	stream.linear.scatter [tilespmem:s1], [sflag:$0xA], $0x4000, $0x38;
	[tilespmem:$0x1C400] =	vst v63  }
0x5a: {  	s10 =	simm.s32 $0x14000;
	s31 =	rddreg [dreg:$0xb]  }
0x5b: {  	[tilespmem:s10], [sflag:$0x6] =	stream.linear.gather [hbm4b:s31+s4], $0x4000, $0x38;
	[tilespmem:$0x1C400] =	vst v63  }
0x5c: {  	_ =	swait.ge [sflag:s22], $0x4000  }
0x5d: {  	[sflag:s22] =	ssyncset.done $0x0  }
0x5e: {  	s5 =	rddreg [dreg:$0xc];
	[sflag:s22] =	ssyncadd.s32 $0xFFFFC000  }
0x5f: {  	[hbm4b:s5+s4] =	stream.linear.scatter [tilespmem:s9], [sflag:$0xB], $0x4000, $0x38;
	[tilespmem:$0x1C400] =	vst v63  }
0x60: {  	_ =	swait.ge [sflag:s23], $0x4000  }
0x61: {  	[sflag:s23] =	ssyncset.done $0x0  }
0x62: {  	s11 =	rddreg [dreg:$0xd];
	[sflag:s23] =	ssyncadd.s32 $0xFFFFC000  }
0x63: {  	[tilespmem:s4], [sflag:$0x1] =	stream.linear.gather [hbm4b:s11+s4], $0x4000, $0x38;
	[tilespmem:$0x1C400] =	vst v63  }
0x64: {  	_ =	swait.ge [sflag:s24], $0x4000  }
0x65: {  	[sflag:s24] =	ssyncset.done $0x0  }
0x66: {  	s15 =	rddreg [dreg:$0xe];
	[sflag:s24] =	ssyncadd.s32 $0xFFFFC000  }
0x67: {  	[hbm4b:s15+s4] =	stream.linear.scatter [tilespmem:s10], [sflag:$0xC], $0x4000, $0x38;
	[tilespmem:$0x1C400] =	vst v63  }
0x68: {  	_ =	swait.ge [sflag:s25], $0x4000  }
0x69: {  	[sflag:s25] =	ssyncset.done $0x0  }
0x6a: {  	s17 =	rddreg [dreg:$0xf];
	[sflag:s25] =	ssyncadd.s32 $0xFFFFC000  }
0x6b: {  	[tilespmem:s12], [sflag:$0x2] =	stream.linear.gather [hbm4b:s17+s4], $0x4000, $0x38;
	[tilespmem:$0x1C400] =	vst v63  }
0x6c: {  	_ =	swait.ge [sflag:s14], $0x4000  }
0x6d: {  	[sflag:s14] =	ssyncset.done $0x0  }
0x6e: {  	s19 =	rddreg [dreg:$0x10];
	[sflag:s14] =	ssyncadd.s32 $0xFFFFC000  }
0x6f: {  	[hbm4b:s19+s4] =	stream.linear.scatter [tilespmem:s4], [sflag:$0x7], $0x4000, $0x38;
	[tilespmem:$0x1C400] =	vst v63  }
0x70: {  	_ =	swait.ge [sflag:s26], $0x4000  }
0x71: {  	[sflag:s26] =	ssyncset.done $0x0  }
0x72: {  	s31 =	rddreg [dreg:$0x11];
	[sflag:s26] =	ssyncadd.s32 $0xFFFFC000  }
0x73: {  	[tilespmem:s0], [sflag:$0x3] =	stream.linear.gather [hbm4b:s31+s4], $0x4000, $0x38;
	[tilespmem:$0x1C400] =	vst v63  }
0x74: {  	_ =	swait.ge [sflag:s16], $0x4000  }
0x75: {  	[sflag:s16] =	ssyncset.done $0x0  }
0x76: {  	s5 =	rddreg [dreg:$0x12];
	[sflag:s16] =	ssyncadd.s32 $0xFFFFC000  }
0x77: {  	[hbm4b:s5+s4] =	stream.linear.scatter [tilespmem:s12], [sflag:$0x8], $0x4000, $0x38;
	[tilespmem:$0x1C400] =	vst v63  }
0x78: {  	_ =	swait.ge [sflag:s28], $0x4000  }
0x79: {  	[sflag:s28] =	ssyncset.done $0x0  }
0x7a: {  	s11 =	rddreg [dreg:$0x13];
	[sflag:s28] =	ssyncadd.s32 $0xFFFFC000  }
0x7b: {  	[tilespmem:s1], [sflag:$0x4] =	stream.linear.gather [hbm4b:s11+s4], $0x4000, $0x38;
	[tilespmem:$0x1C400] =	vst v63  }
0x7c: {  	_ =	swait.ge [sflag:s20], $0x4000  }
0x7d: {  	[sflag:s20] =	ssyncset.done $0x0  }
0x7e: {  	s15 =	rddreg [dreg:$0x14];
	[sflag:s20] =	ssyncadd.s32 $0xFFFFC000  }
0x7f: {  	[hbm4b:s15+s4] =	stream.linear.scatter [tilespmem:s0], [sflag:$0x9], $0x4000, $0x38;
	[tilespmem:$0x1C400] =	vst v63  }
0x80: {  	_ =	swait.ge [sflag:s29], $0x4000  }
0x81: {  	[sflag:s29] =	ssyncset.done $0x0  }
0x82: {  	s17 =	rddreg [dreg:$0x15];
	[sflag:s29] =	ssyncadd.s32 $0xFFFFC000  }
0x83: {  	[tilespmem:s9], [sflag:$0x5] =	stream.linear.gather [hbm4b:s17+s4], $0x4000, $0x38;
	[tilespmem:$0x1C400] =	vst v63  }
0x84: {  	_ =	swait.ge [sflag:s13], $0x4000  }
0x85: {  	[sflag:s13] =	ssyncset.done $0x0  }
0x86: {  	s19 =	rddreg [dreg:$0x16];
	[sflag:s13] =	ssyncadd.s32 $0xFFFFC000  }
0x87: {  	[hbm4b:s19+s4] =	stream.linear.scatter [tilespmem:s1], [sflag:$0xA], $0x4000, $0x38;
	[tilespmem:$0x1C400] =	vst v63  }
0x88: {  	_ =	swait.ge [sflag:s30], $0x4000  }
0x89: {  	[sflag:s30] =	ssyncset.done $0x0  }
0x8a: {  	s31 =	rddreg [dreg:$0x17];
	[sflag:s30] =	ssyncadd.s32 $0xFFFFC000  }
0x8b: {  	[tilespmem:s10], [sflag:$0x6] =	stream.linear.gather [hbm4b:s31+s4], $0x4000, $0x38;
	[tilespmem:$0x1C400] =	vst v63  }
0x8c: {  	_ =	swait.ge [sflag:s22], $0x4000  }
0x8d: {  	[sflag:s22] =	ssyncset.done $0x0  }
0x8e: {  	s5 =	rddreg [dreg:$0x18];
	[sflag:s22] =	ssyncadd.s32 $0xFFFFC000  }
0x8f: {  	[hbm4b:s5+s4] =	stream.linear.scatter [tilespmem:s9], [sflag:$0xB], $0x4000, $0x38;
	[tilespmem:$0x1C400] =	vst v63  }
0x90: {  	_ =	swait.ge [sflag:s23], $0x4000  }
0x91: {  	[sflag:s23] =	ssyncset.done $0x0  }
0x92: {  	s11 =	rddreg [dreg:$0x19];
	[sflag:s23] =	ssyncadd.s32 $0xFFFFC000  }
0x93: {  	[tilespmem:s4], [sflag:$0x1] =	stream.linear.gather [hbm4b:s11+s4], $0x4000, $0x38;
	[tilespmem:$0x1C400] =	vst v63  }
0x94: {  	_ =	swait.ge [sflag:s24], $0x4000  }
0x95: {  	[sflag:s24] =	ssyncset.done $0x0  }
0x96: {  	s15 =	rddreg [dreg:$0x1a];
	[sflag:s24] =	ssyncadd.s32 $0xFFFFC000  }
0x97: {  	[hbm4b:s15+s4] =	stream.linear.scatter [tilespmem:s10], [sflag:$0xC], $0x4000, $0x38;
	[tilespmem:$0x1C400] =	vst v63  }
0x98: {  	_ =	swait.ge [sflag:s25], $0x4000  }
0x99: {  	[sflag:s25] =	ssyncset.done $0x0  }
0x9a: {  	s17 =	rddreg [dreg:$0x1b];
	[sflag:s25] =	ssyncadd.s32 $0xFFFFC000  }
0x9b: {  	[tilespmem:s12], [sflag:$0x2] =	stream.linear.gather [hbm4b:s17+s4], $0x4000, $0x38;
	[tilespmem:$0x1C400] =	vst v63  }
0x9c: {  	_ =	swait.ge [sflag:s14], $0x4000  }
0x9d: {  	[sflag:s14] =	ssyncset.done $0x0  }
0x9e: {  	s19 =	rddreg [dreg:$0x1c];
	[sflag:s14] =	ssyncadd.s32 $0xFFFFC000  }
0x9f: {  	[hbm4b:s19+s4] =	stream.linear.scatter [tilespmem:s4], [sflag:$0x7], $0x4000, $0x38;
	[tilespmem:$0x1C400] =	vst v63  }
0xa0: {  	_ =	swait.ge [sflag:s26], $0x4000  }
0xa1: {  	[sflag:s26] =	ssyncset.done $0x0  }
0xa2: {  	s31 =	rddreg [dreg:$0x1d];
	[sflag:s26] =	ssyncadd.s32 $0xFFFFC000  }
0xa3: {  	[tilespmem:s0], [sflag:$0x3] =	stream.linear.gather [hbm4b:s31+s4], $0x4000, $0x38;
	[tilespmem:$0x1C400] =	vst v63  }
0xa4: {  	_ =	swait.ge [sflag:s16], $0x4000  }
0xa5: {  	[sflag:s16] =	ssyncset.done $0x0  }
0xa6: {  	s5 =	rddreg [dreg:$0x1e];
	[sflag:s16] =	ssyncadd.s32 $0xFFFFC000  }
0xa7: {  	[hbm4b:s5+s4] =	stream.linear.scatter [tilespmem:s12], [sflag:$0x8], $0x4000, $0x38;
	[tilespmem:$0x1C400] =	vst v63  }
0xa8: {  	_ =	swait.ge [sflag:s28], $0x4000  }
0xa9: {  	[sflag:s28] =	ssyncset.done $0x0  }
0xaa: {  	s11 =	rddreg [dreg:$0x1f];
	[sflag:s28] =	ssyncadd.s32 $0xFFFFC000  }
0xab: {  	[tilespmem:s1], [sflag:$0x4] =	stream.linear.gather [hbm4b:s11+s4], $0x4000, $0x38;
	[tilespmem:$0x1C400] =	vst v63  }
0xac: {  	_ =	swait.ge [sflag:s20], $0x4000  }
0xad: {  	s15 =	sld [smem:$0x7E8]  }
0xae: {  	[sflag:s20] =	ssyncset.done $0x0  }
0xaf: {  	[sflag:s20] =	ssyncadd.s32 $0xFFFFC000  }
0xb0: {  	[hbm4b:s15+s4] =	stream.linear.scatter [tilespmem:s0], [sflag:$0x9], $0x4000, $0x38;
	[tilespmem:$0x1C400] =	vst v63  }
0xb1: {  	_ =	swait.ge [sflag:s29], $0x4000  }
0xb2: {  	[sflag:s29] =	ssyncset.done $0x0  }
0xb3: {  	[sflag:s29] =	ssyncadd.s32 $0xFFFFC000  }
0xb4: {  	[tilespmem:$0x18200] =	vst v0  }
0xb5: {  	[tilespmem:s9], [sflag:$0x5] =	stream.indirect_vreg.gather [hbm4b:s2+s4], $0x80, v23, vm0, $0xb8;
	[tilespmem:$0x1C400] =	vst v63  }
0xb6: {  	s17 =	simm.s32 $0x10800  }
0xb7: {  	[tilespmem:s17], [sflag:$0x5] =	stream.indirect_vreg.gather [hbm4b:s6+s4], $0x80, v23, vm0, $0xb8;
	[tilespmem:$0x1C400] =	vst v63  }
0xb8: {  	s19 =	simm.s32 $0x11000  }
0xb9: {  	[tilespmem:s19], [sflag:$0x5] =	stream.indirect_vreg.gather [hbm4b:s7+s4], $0x80, v23, vm0, $0xb8;
	[tilespmem:$0x1C400] =	vst v63  }
0xba: {  	s31 =	simm.s32 $0x11800  }
0xbb: {  	[tilespmem:s31], [sflag:$0x5] =	stream.indirect_vreg.gather [hbm4b:s8+s4], $0x80, v23, vm0, $0xb8;
	[tilespmem:$0x1C400] =	vst v63  }
0xbc: {  	s5 =	simm.s32 $0x12000  }
0xbd: {  	[tilespmem:s5], [sflag:$0x5] =	stream.indirect_vreg.gather [hbm4b:s2+s4], $0x80, v24, vm0, $0xb8;
	[tilespmem:$0x1C400] =	vst v63  }
0xbe: {  	s11 =	simm.s32 $0x12800  }
0xbf: {  	[tilespmem:s11], [sflag:$0x5] =	stream.indirect_vreg.gather [hbm4b:s6+s4], $0x80, v24, vm0, $0xb8;
	[tilespmem:$0x1C400] =	vst v63  }
0xc0: {  	s15 =	simm.s32 $0x13000  }
0xc1: {  	[tilespmem:s15], [sflag:$0x5] =	stream.indirect_vreg.gather [hbm4b:s7+s4], $0x80, v24, vm0, $0xb8;
	[tilespmem:$0x1C400] =	vst v63  }
0xc2: {  	s17 =	simm.s32 $0x13800  }
0xc3: {  	[tilespmem:s17], [sflag:$0x5] =	stream.indirect_vreg.gather [hbm4b:s8+s4], $0x80, v24, vm0, $0xb8;
	[tilespmem:$0x1C400] =	vst v63  }
0xc4: {  	_ =	swait.ge [sflag:s13], $0x4000  }
0xc5: {  	s19 =	sld [smem:$0x7EA]  }
0xc6: {  	[sflag:s13] =	ssyncset.done $0x0  }
0xc7: {  	[sflag:s13] =	ssyncadd.s32 $0xFFFFC000  }
0xc8: {  	[hbm4b:s19+s4] =	stream.linear.scatter [tilespmem:s1], [sflag:$0xA], $0x4000, $0x38;
	[tilespmem:$0x1C400] =	vst v63  }
0xc9: {  	_ =	swait.ge [sflag:s30], $0x4000  }
0xca: {  	[sflag:s30] =	ssyncset.done $0x0  }
0xcb: {  	[sflag:s30] =	ssyncadd.s32 $0xFFFFC000  }
0xcc: {  	[tilespmem:$0x18280] =	vst v1  }
0xcd: {  	[tilespmem:s10], [sflag:$0x6] =	stream.indirect_vreg.gather [hbm4b:s2+s4], $0x80, v25, vm0, $0xb8;
	[tilespmem:$0x1C400] =	vst v63  }
0xce: {  	s31 =	simm.s32 $0x14800  }
0xcf: {  	[tilespmem:s31], [sflag:$0x6] =	stream.indirect_vreg.gather [hbm4b:s6+s4], $0x80, v25, vm0, $0xb8;
	[tilespmem:$0x1C400] =	vst v63  }
0xd0: {  	s5 =	simm.s32 $0x15000  }
0xd1: {  	[tilespmem:s5], [sflag:$0x6] =	stream.indirect_vreg.gather [hbm4b:s7+s4], $0x80, v25, vm0, $0xb8;
	[tilespmem:$0x1C400] =	vst v63  }
0xd2: {  	s11 =	simm.s32 $0x15800  }
0xd3: {  	[tilespmem:s11], [sflag:$0x6] =	stream.indirect_vreg.gather [hbm4b:s8+s4], $0x80, v25, vm0, $0xb8;
	[tilespmem:$0x1C400] =	vst v63  }
0xd4: {  	s15 =	simm.s32 $0x16000  }
0xd5: {  	[tilespmem:s15], [sflag:$0x6] =	stream.indirect_vreg.gather [hbm4b:s2+s4], $0x80, v26, vm0, $0xb8;
	[tilespmem:$0x1C400] =	vst v63  }
0xd6: {  	s17 =	simm.s32 $0x16800  }
0xd7: {  	[tilespmem:s17], [sflag:$0x6] =	stream.indirect_vreg.gather [hbm4b:s6+s4], $0x80, v26, vm0, $0xb8;
	[tilespmem:$0x1C400] =	vst v63  }
0xd8: {  	s19 =	simm.s32 $0x17000  }
0xd9: {  	[tilespmem:s19], [sflag:$0x6] =	stream.indirect_vreg.gather [hbm4b:s7+s4], $0x80, v26, vm0, $0xb8;
	[tilespmem:$0x1C400] =	vst v63  }
0xda: {  	s31 =	simm.s32 $0x17800  }
0xdb: {  	[tilespmem:s31], [sflag:$0x6] =	stream.indirect_vreg.gather [hbm4b:s8+s4], $0x80, v26, vm0, $0xb8;
	[tilespmem:$0x1C400] =	vst v63  }
0xdc: {  	_ =	swait.ge [sflag:s22], $0x4000  }
0xdd: {  	s5 =	sld [smem:$0x7EB]  }
0xde: {  	[sflag:s22] =	ssyncset.done $0x0  }
0xdf: {  	[sflag:s22] =	ssyncadd.s32 $0xFFFFC000  }
0xe0: {  	[hbm4b:s5+s4] =	stream.linear.scatter [tilespmem:s9], [sflag:$0xB], $0x4000, $0x38;
	[tilespmem:$0x1C400] =	vst v63  }
0xe1: {  	_ =	swait.ge [sflag:s23], $0x4000  }
0xe2: {  	[sflag:s23] =	ssyncset.done $0x0  }
0xe3: {  	[sflag:s23] =	ssyncadd.s32 $0xFFFFC000  }
0xe4: {  	[tilespmem:$0x18000] =	vst v2  }
0xe5: {  	[tilespmem:s4], [sflag:$0x1] =	stream.indirect_vreg.gather [hbm4b:s2+s4], $0x80, v27, vm0, $0xb8;
	[tilespmem:$0x1C400] =	vst v63  }
0xe6: {  	s11 =	simm.s32 $0x800  }
0xe7: {  	[tilespmem:s11], [sflag:$0x1] =	stream.indirect_vreg.gather [hbm4b:s6+s4], $0x80, v27, vm0, $0xb8;
	[tilespmem:$0x1C400] =	vst v63  }
0xe8: {  	s15 =	simm.s32 $0x1000  }
0xe9: {  	[tilespmem:s15], [sflag:$0x1] =	stream.indirect_vreg.gather [hbm4b:s7+s4], $0x80, v27, vm0, $0xb8;
	[tilespmem:$0x1C400] =	vst v63  }
0xea: {  	s17 =	simm.s32 $0x1800  }
0xeb: {  	[tilespmem:s17], [sflag:$0x1] =	stream.indirect_vreg.gather [hbm4b:s8+s4], $0x80, v27, vm0, $0xb8;
	[tilespmem:$0x1C400] =	vst v63  }
0xec: {  	s19 =	simm.s32 $0x2000  }
0xed: {  	[tilespmem:s19], [sflag:$0x1] =	stream.indirect_vreg.gather [hbm4b:s2+s4], $0x80, v28, vm0, $0xb8;
	[tilespmem:$0x1C400] =	vst v63  }
0xee: {  	s31 =	simm.s32 $0x2800  }
0xef: {  	[tilespmem:s31], [sflag:$0x1] =	stream.indirect_vreg.gather [hbm4b:s6+s4], $0x80, v28, vm0, $0xb8;
	[tilespmem:$0x1C400] =	vst v63  }
0xf0: {  	s5 =	simm.s32 $0x3000  }
0xf1: {  	[tilespmem:s5], [sflag:$0x1] =	stream.indirect_vreg.gather [hbm4b:s7+s4], $0x80, v28, vm0, $0xb8;
	[tilespmem:$0x1C400] =	vst v63  }
0xf2: {  	s11 =	simm.s32 $0x3800  }
0xf3: {  	[tilespmem:s11], [sflag:$0x1] =	stream.indirect_vreg.gather [hbm4b:s8+s4], $0x80, v28, vm0, $0xb8;
	[tilespmem:$0x1C400] =	vst v63  }
0xf4: {  	_ =	swait.ge [sflag:s24], $0x4000  }
0xf5: {  	s15 =	sld [smem:$0x7EC]  }
0xf6: {  	[sflag:s24] =	ssyncset.done $0x0  }
0xf7: {  	[sflag:s24] =	ssyncadd.s32 $0xFFFFC000  }
0xf8: {  	[hbm4b:s15+s4] =	stream.linear.scatter [tilespmem:s10], [sflag:$0xC], $0x4000, $0x38;
	[tilespmem:$0x1C400] =	vst v63  }
0xf9: {  	_ =	swait.ge [sflag:s25], $0x4000  }
0xfa: {  	[sflag:s25] =	ssyncset.done $0x0  }
0xfb: {  	[sflag:s25] =	ssyncadd.s32 $0xFFFFC000  }
0xfc: {  	[tilespmem:$0x18080] =	vst v3  }
0xfd: {  	[tilespmem:s12], [sflag:$0x2] =	stream.indirect_vreg.gather [hbm4b:s2+s4], $0x80, v29, vm0, $0xb8;
	[tilespmem:$0x1C400] =	vst v63  }
0xfe: {  	s17 =	simm.s32 $0x4800  }
0xff: {  	[tilespmem:s17], [sflag:$0x2] =	stream.indirect_vreg.gather [hbm4b:s6+s4], $0x80, v29, vm0, $0xb8;
	[tilespmem:$0x1C400] =	vst v63  }
0x100: {  	s19 =	simm.s32 $0x5000  }
0x101: {  	[tilespmem:s19], [sflag:$0x2] =	stream.indirect_vreg.gather [hbm4b:s7+s4], $0x80, v29, vm0, $0xb8;
	[tilespmem:$0x1C400] =	vst v63  }
0x102: {  	s31 =	simm.s32 $0x5800  }
0x103: {  	[tilespmem:s31], [sflag:$0x2] =	stream.indirect_vreg.gather [hbm4b:s8+s4], $0x80, v29, vm0, $0xb8;
	[tilespmem:$0x1C400] =	vst v63  }
0x104: {  	s5 =	simm.s32 $0x6000  }
0x105: {  	[tilespmem:s5], [sflag:$0x2] =	stream.indirect_vreg.gather [hbm4b:s2+s4], $0x80, v30, vm0, $0xb8;
	[tilespmem:$0x1C400] =	vst v63  }
0x106: {  	s11 =	simm.s32 $0x6800  }
0x107: {  	[tilespmem:s11], [sflag:$0x2] =	stream.indirect_vreg.gather [hbm4b:s6+s4], $0x80, v30, vm0, $0xb8;
	[tilespmem:$0x1C400] =	vst v63  }
0x108: {  	s15 =	simm.s32 $0x7000  }
0x109: {  	[tilespmem:s15], [sflag:$0x2] =	stream.indirect_vreg.gather [hbm4b:s7+s4], $0x80, v30, vm0, $0xb8;
	[tilespmem:$0x1C400] =	vst v63  }
0x10a: {  	s17 =	simm.s32 $0x7800  }
0x10b: {  	[tilespmem:s17], [sflag:$0x2] =	stream.indirect_vreg.gather [hbm4b:s8+s4], $0x80, v30, vm0, $0xb8;
	[tilespmem:$0x1C400] =	vst v63  }
0x10c: {  	_ =	swait.ge [sflag:s14], $0x4000  }
0x10d: {  	s19 =	sld [smem:$0x7ED]  }
0x10e: {  	[sflag:s14] =	ssyncset.done $0x0  }
0x10f: {  	[sflag:s14] =	ssyncadd.s32 $0xFFFFC000  }
0x110: {  	[hbm4b:s19+s4] =	stream.linear.scatter [tilespmem:s4], [sflag:$0x7], $0x4000, $0x38;
	[tilespmem:$0x1C400] =	vst v63  }
0x111: {  	_ =	swait.ge [sflag:s26], $0x4000  }
0x112: {  	[sflag:s26] =	ssyncset.done $0x0  }
0x113: {  	[sflag:s26] =	ssyncadd.s32 $0xFFFFC000  }
0x114: {  	[tilespmem:$0x18100] =	vst v4  }
0x115: {  	[tilespmem:s0], [sflag:$0x3] =	stream.indirect_vreg.gather [hbm4b:s2+s4], $0x80, v31, vm0, $0xb8;
	[tilespmem:$0x1C400] =	vst v63  }
0x116: {  	s5 =	simm.s32 $0x8800  }
0x117: {  	[tilespmem:s5], [sflag:$0x3] =	stream.indirect_vreg.gather [hbm4b:s6+s4], $0x80, v31, vm0, $0xb8;
	[tilespmem:$0x1C400] =	vst v63  }
0x118: {  	s11 =	simm.s32 $0x9000  }
0x119: {  	[tilespmem:s11], [sflag:$0x3] =	stream.indirect_vreg.gather [hbm4b:s7+s4], $0x80, v31, vm0, $0xb8;
	[tilespmem:$0x1C400] =	vst v63  }
0x11a: {  	s19 =	simm.s32 $0x9800  }
0x11b: {  	[tilespmem:s19], [sflag:$0x3] =	stream.indirect_vreg.gather [hbm4b:s8+s4], $0x80, v31, vm0, $0xb8;
	[tilespmem:$0x1C400] =	vst v63  }
0x11c: {  	_ = 	snop  }
0x11d: {  	[tilespmem:s21], [sflag:$0x3] =	stream.indirect_vreg.gather [hbm4b:s2+s4], $0x80, v32, vm0, $0xb8;
	[tilespmem:$0x1C400] =	vst v63  }
0x11e: {  	s15 =	simm.s32 $0xA800  }
0x11f: {  	[tilespmem:s15], [sflag:$0x3] =	stream.indirect_vreg.gather [hbm4b:s6+s4], $0x80, v32, vm0, $0xb8;
	[tilespmem:$0x1C400] =	vst v63  }
0x120: {  	s17 =	simm.s32 $0xB000  }
0x121: {  	[tilespmem:s17], [sflag:$0x3] =	stream.indirect_vreg.gather [hbm4b:s7+s4], $0x80, v32, vm0, $0xb8;
	[tilespmem:$0x1C400] =	vst v63  }
0x122: {  	_ = 	snop  }
0x123: {  	[tilespmem:s18], [sflag:$0x3] =	stream.indirect_vreg.gather [hbm4b:s8+s4], $0x80, v32, vm0, $0xb8;
	[tilespmem:$0x1C400] =	vst v63  }
0x124: {  	_ =	swait.ge [sflag:s16], $0x4000  }
0x125: {  	s31 =	sld [smem:$0x7EE]  }
0x126: {  	[sflag:s16] =	ssyncset.done $0x0  }
0x127: {  	[sflag:s16] =	ssyncadd.s32 $0xFFFFC000  }
0x128: {  	[hbm4b:s31+s4] =	stream.linear.scatter [tilespmem:s12], [sflag:$0x8], $0x4000, $0x38;
	[tilespmem:$0x1C400] =	vst v63  }
0x129: {  	_ =	swait.ge [sflag:s28], $0x4000  }
0x12a: {  	[sflag:s28] =	ssyncset.done $0x0  }
0x12b: {  	[sflag:s28] =	ssyncadd.s32 $0xFFFFC000  }
0x12c: {  	[tilespmem:$0x18180] =	vst v5  }
0x12d: {  	[tilespmem:s1], [sflag:$0x4] =	stream.indirect_vreg.gather [hbm4b:s2+s4], $0x80, v33, vm0, $0xb8;
	[tilespmem:$0x1C400] =	vst v63  }
0x12e: {  	s31 =	simm.s32 $0xC800  }
0x12f: {  	[tilespmem:s31], [sflag:$0x4] =	stream.indirect_vreg.gather [hbm4b:s6+s4], $0x80, v33, vm0, $0xb8;
	[tilespmem:$0x1C400] =	vst v63  }
0x130: {  	s3 =	simm.s32 $0xD000  }
0x131: {  	[tilespmem:s3], [sflag:$0x4] =	stream.indirect_vreg.gather [hbm4b:s7+s4], $0x80, v33, vm0, $0xb8;
	[tilespmem:$0x1C400] =	vst v63  }
0x132: {  	s3 =	simm.s32 $0xD800  }
0x133: {  	[tilespmem:s3], [sflag:$0x4] =	stream.indirect_vreg.gather [hbm4b:s8+s4], $0x80, v33, vm0, $0xb8;
	[tilespmem:$0x1C400] =	vst v63  }
0x134: {  	s3 =	simm.s32 $0xE000  }
0x135: {  	[tilespmem:s3], [sflag:$0x4] =	stream.indirect_vreg.gather [hbm4b:s2+s4], $0x80, v34, vm0, $0xb8;
	[tilespmem:$0x1C400] =	vst v63  }
0x136: {  	s3 =	simm.s32 $0xE800  }
0x137: {  	[tilespmem:s3], [sflag:$0x4] =	stream.indirect_vreg.gather [hbm4b:s6+s4], $0x80, v34, vm0, $0xb8;
	[tilespmem:$0x1C400] =	vst v63  }
0x138: {  	s3 =	simm.s32 $0xF000  }
0x139: {  	[tilespmem:s3], [sflag:$0x4] =	stream.indirect_vreg.gather [hbm4b:s7+s4], $0x80, v34, vm0, $0xb8;
	[tilespmem:$0x1C400] =	vst v63  }
0x13a: {  	s3 =	simm.s32 $0xF800  }
0x13b: {  	[tilespmem:s3], [sflag:$0x4] =	stream.indirect_vreg.gather [hbm4b:s8+s4], $0x80, v34, vm0, $0xb8;
	[tilespmem:$0x1C400] =	vst v63  }
0x13c: {  	_ =	swait.ge [sflag:s20], $0x4000  }
0x13d: {  	s3 =	sld [smem:$0x7EF]  }
0x13e: {  	[sflag:s20] =	ssyncset.done $0x0  }
0x13f: {  	[sflag:s20] =	ssyncadd.s32 $0xFFFFC000  }
0x140: {  	[hbm4b:s3+s4] =	stream.linear.scatter [tilespmem:s0], [sflag:$0x9], $0x4000, $0x38;
	[tilespmem:$0x1C400] =	vst v63  }
0x141: {  	_ =	swait.ge [sflag:s29], $0x4000  }
0x142: {  	[sflag:s29] =	ssyncset.done $0x0  }
0x143: {  	[sflag:s29] =	ssyncadd.s32 $0xFFFFC000  }
0x144: {  	[tilespmem:$0x18200] =	vst v6  }
0x145: {  	[tilespmem:s9], [sflag:$0x5] =	stream.indirect_vreg.gather [hbm4b:s2+s4], $0x80, v35, vm0, $0xb8;
	[tilespmem:$0x1C400] =	vst v63  }
0x146: {  	s3 =	simm.s32 $0x10800  }
0x147: {  	[tilespmem:s3], [sflag:$0x5] =	stream.indirect_vreg.gather [hbm4b:s6+s4], $0x80, v35, vm0, $0xb8;
	[tilespmem:$0x1C400] =	vst v63  }
0x148: {  	s3 =	simm.s32 $0x11000  }
0x149: {  	[tilespmem:s3], [sflag:$0x5] =	stream.indirect_vreg.gather [hbm4b:s7+s4], $0x80, v35, vm0, $0xb8;
	[tilespmem:$0x1C400] =	vst v63  }
0x14a: {  	s3 =	simm.s32 $0x11800  }
0x14b: {  	[tilespmem:s3], [sflag:$0x5] =	stream.indirect_vreg.gather [hbm4b:s8+s4], $0x80, v35, vm0, $0xb8;
	[tilespmem:$0x1C400] =	vst v63  }
0x14c: {  	s3 =	simm.s32 $0x12000  }
0x14d: {  	[tilespmem:s3], [sflag:$0x5] =	stream.indirect_vreg.gather [hbm4b:s2+s4], $0x80, v36, vm0, $0xb8;
	[tilespmem:$0x1C400] =	vst v63  }
0x14e: {  	s3 =	simm.s32 $0x12800  }
0x14f: {  	[tilespmem:s3], [sflag:$0x5] =	stream.indirect_vreg.gather [hbm4b:s6+s4], $0x80, v36, vm0, $0xb8;
	[tilespmem:$0x1C400] =	vst v63  }
0x150: {  	s3 =	simm.s32 $0x13000  }
0x151: {  	[tilespmem:s3], [sflag:$0x5] =	stream.indirect_vreg.gather [hbm4b:s7+s4], $0x80, v36, vm0, $0xb8;
	[tilespmem:$0x1C400] =	vst v63  }
0x152: {  	s3 =	simm.s32 $0x13800  }
0x153: {  	[tilespmem:s3], [sflag:$0x5] =	stream.indirect_vreg.gather [hbm4b:s8+s4], $0x80, v36, vm0, $0xb8;
	[tilespmem:$0x1C400] =	vst v63  }
0x154: {  	_ =	swait.ge [sflag:s13], $0x4000  }
0x155: {  	s3 =	sld [smem:$0x7F0]  }
0x156: {  	[sflag:s13] =	ssyncset.done $0x0  }
0x157: {  	[sflag:s13] =	ssyncadd.s32 $0xFFFFC000  }
0x158: {  	[hbm4b:s3+s4] =	stream.linear.scatter [tilespmem:s1], [sflag:$0xA], $0x4000, $0x38;
	[tilespmem:$0x1C400] =	vst v63  }
0x159: {  	_ =	swait.ge [sflag:s30], $0x4000  }
0x15a: {  	[sflag:s30] =	ssyncset.done $0x0  }
0x15b: {  	[sflag:s30] =	ssyncadd.s32 $0xFFFFC000  }
0x15c: {  	[tilespmem:$0x18280] =	vst v7  }
0x15d: {  	[tilespmem:s10], [sflag:$0x6] =	stream.indirect_vreg.gather [hbm4b:s2+s4], $0x80, v37, vm0, $0xb8;
	[tilespmem:$0x1C400] =	vst v63  }
0x15e: {  	s3 =	simm.s32 $0x14800  }
0x15f: {  	[tilespmem:s3], [sflag:$0x6] =	stream.indirect_vreg.gather [hbm4b:s6+s4], $0x80, v37, vm0, $0xb8;
	[tilespmem:$0x1C400] =	vst v63  }
0x160: {  	s3 =	simm.s32 $0x15000  }
0x161: {  	[tilespmem:s3], [sflag:$0x6] =	stream.indirect_vreg.gather [hbm4b:s7+s4], $0x80, v37, vm0, $0xb8;
	[tilespmem:$0x1C400] =	vst v63  }
0x162: {  	s3 =	simm.s32 $0x15800  }
0x163: {  	[tilespmem:s3], [sflag:$0x6] =	stream.indirect_vreg.gather [hbm4b:s8+s4], $0x80, v37, vm0, $0xb8;
	[tilespmem:$0x1C400] =	vst v63  }
0x164: {  	s3 =	simm.s32 $0x16000  }
0x165: {  	[tilespmem:s3], [sflag:$0x6] =	stream.indirect_vreg.gather [hbm4b:s2+s4], $0x80, v38, vm0, $0xb8;
	[tilespmem:$0x1C400] =	vst v63  }
0x166: {  	s3 =	simm.s32 $0x16800  }
0x167: {  	[tilespmem:s3], [sflag:$0x6] =	stream.indirect_vreg.gather [hbm4b:s6+s4], $0x80, v38, vm0, $0xb8;
	[tilespmem:$0x1C400] =	vst v63  }
0x168: {  	s3 =	simm.s32 $0x17000  }
0x169: {  	[tilespmem:s3], [sflag:$0x6] =	stream.indirect_vreg.gather [hbm4b:s7+s4], $0x80, v38, vm0, $0xb8;
	[tilespmem:$0x1C400] =	vst v63  }
0x16a: {  	s3 =	simm.s32 $0x17800  }
0x16b: {  	[tilespmem:s3], [sflag:$0x6] =	stream.indirect_vreg.gather [hbm4b:s8+s4], $0x80, v38, vm0, $0xb8;
	[tilespmem:$0x1C400] =	vst v63  }
0x16c: {  	_ =	swait.ge [sflag:s22], $0x4000  }
0x16d: {  	s3 =	sld [smem:$0x7F1]  }
0x16e: {  	[sflag:s22] =	ssyncset.done $0x0  }
0x16f: {  	[sflag:s22] =	ssyncadd.s32 $0xFFFFC000  }
0x170: {  	[hbm4b:s3+s4] =	stream.linear.scatter [tilespmem:s9], [sflag:$0xB], $0x4000, $0x38;
	[tilespmem:$0x1C400] =	vst v63  }
0x171: {  	_ =	swait.ge [sflag:s23], $0x4000  }
0x172: {  	[sflag:s23] =	ssyncset.done $0x0  }
0x173: {  	[sflag:s23] =	ssyncadd.s32 $0xFFFFC000  }
0x174: {  	[tilespmem:$0x18000] =	vst v8  }
0x175: {  	[tilespmem:s4], [sflag:$0x1] =	stream.indirect_vreg.gather [hbm4b:s2+s4], $0x80, v39, vm0, $0xb8;
	[tilespmem:$0x1C400] =	vst v63  }
0x176: {  	s3 =	simm.s32 $0x800  }
0x177: {  	[tilespmem:s3], [sflag:$0x1] =	stream.indirect_vreg.gather [hbm4b:s6+s4], $0x80, v39, vm0, $0xb8;
	[tilespmem:$0x1C400] =	vst v63  }
0x178: {  	s3 =	simm.s32 $0x1000  }
0x179: {  	[tilespmem:s3], [sflag:$0x1] =	stream.indirect_vreg.gather [hbm4b:s7+s4], $0x80, v39, vm0, $0xb8;
	[tilespmem:$0x1C400] =	vst v63  }
0x17a: {  	s3 =	simm.s32 $0x1800  }
0x17b: {  	[tilespmem:s3], [sflag:$0x1] =	stream.indirect_vreg.gather [hbm4b:s8+s4], $0x80, v39, vm0, $0xb8;
	[tilespmem:$0x1C400] =	vst v63  }
0x17c: {  	s3 =	simm.s32 $0x2000  }
0x17d: {  	[tilespmem:s3], [sflag:$0x1] =	stream.indirect_vreg.gather [hbm4b:s2+s4], $0x80, v40, vm0, $0xb8;
	[tilespmem:$0x1C400] =	vst v63  }
0x17e: {  	s3 =	simm.s32 $0x2800  }
0x17f: {  	[tilespmem:s3], [sflag:$0x1] =	stream.indirect_vreg.gather [hbm4b:s6+s4], $0x80, v40, vm0, $0xb8;
	[tilespmem:$0x1C400] =	vst v63  }
0x180: {  	s3 =	simm.s32 $0x3000  }
0x181: {  	[tilespmem:s3], [sflag:$0x1] =	stream.indirect_vreg.gather [hbm4b:s7+s4], $0x80, v40, vm0, $0xb8;
	[tilespmem:$0x1C400] =	vst v63  }
0x182: {  	s3 =	simm.s32 $0x3800  }
0x183: {  	[tilespmem:s3], [sflag:$0x1] =	stream.indirect_vreg.gather [hbm4b:s8+s4], $0x80, v40, vm0, $0xb8;
	[tilespmem:$0x1C400] =	vst v63  }
0x184: {  	_ =	swait.ge [sflag:s24], $0x4000  }
0x185: {  	s3 =	sld [smem:$0x7F2]  }
0x186: {  	[sflag:s24] =	ssyncset.done $0x0  }
0x187: {  	[sflag:s24] =	ssyncadd.s32 $0xFFFFC000  }
0x188: {  	[hbm4b:s3+s4] =	stream.linear.scatter [tilespmem:s10], [sflag:$0xC], $0x4000, $0x38;
	[tilespmem:$0x1C400] =	vst v63  }
0x189: {  	_ =	swait.ge [sflag:s25], $0x4000  }
0x18a: {  	[sflag:s25] =	ssyncset.done $0x0  }
0x18b: {  	[sflag:s25] =	ssyncadd.s32 $0xFFFFC000  }
0x18c: {  	[tilespmem:$0x18080] =	vst v9  }
0x18d: {  	[tilespmem:s12], [sflag:$0x2] =	stream.indirect_vreg.gather [hbm4b:s2+s4], $0x80, v41, vm0, $0xb8;
	[tilespmem:$0x1C400] =	vst v63  }
0x18e: {  	s3 =	simm.s32 $0x4800  }
0x18f: {  	[tilespmem:s3], [sflag:$0x2] =	stream.indirect_vreg.gather [hbm4b:s6+s4], $0x80, v41, vm0, $0xb8;
	[tilespmem:$0x1C400] =	vst v63  }
0x190: {  	s3 =	simm.s32 $0x5000  }
0x191: {  	[tilespmem:s3], [sflag:$0x2] =	stream.indirect_vreg.gather [hbm4b:s7+s4], $0x80, v41, vm0, $0xb8;
	[tilespmem:$0x1C400] =	vst v63  }
0x192: {  	s3 =	simm.s32 $0x5800  }
0x193: {  	[tilespmem:s3], [sflag:$0x2] =	stream.indirect_vreg.gather [hbm4b:s8+s4], $0x80, v41, vm0, $0xb8;
	[tilespmem:$0x1C400] =	vst v63  }
0x194: {  	s3 =	simm.s32 $0x6000  }
0x195: {  	[tilespmem:s3], [sflag:$0x2] =	stream.indirect_vreg.gather [hbm4b:s2+s4], $0x80, v42, vm0, $0xb8;
	[tilespmem:$0x1C400] =	vst v63  }
0x196: {  	s3 =	simm.s32 $0x6800  }
0x197: {  	[tilespmem:s3], [sflag:$0x2] =	stream.indirect_vreg.gather [hbm4b:s6+s4], $0x80, v42, vm0, $0xb8;
	[tilespmem:$0x1C400] =	vst v63  }
0x198: {  	s3 =	simm.s32 $0x7000  }
0x199: {  	[tilespmem:s3], [sflag:$0x2] =	stream.indirect_vreg.gather [hbm4b:s7+s4], $0x80, v42, vm0, $0xb8;
	[tilespmem:$0x1C400] =	vst v63  }
0x19a: {  	s3 =	simm.s32 $0x7800  }
0x19b: {  	[tilespmem:s3], [sflag:$0x2] =	stream.indirect_vreg.gather [hbm4b:s8+s4], $0x80, v42, vm0, $0xb8;
	[tilespmem:$0x1C400] =	vst v63  }
0x19c: {  	_ =	swait.ge [sflag:s14], $0x4000  }
0x19d: {  	s3 =	sld [smem:$0x7F3]  }
0x19e: {  	[sflag:s14] =	ssyncset.done $0x0  }
0x19f: {  	[sflag:s14] =	ssyncadd.s32 $0xFFFFC000  }
0x1a0: {  	[hbm4b:s3+s4] =	stream.linear.scatter [tilespmem:s4], [sflag:$0x7], $0x4000, $0x38;
	[tilespmem:$0x1C400] =	vst v63  }
0x1a1: {  	_ =	swait.ge [sflag:s26], $0x4000  }
0x1a2: {  	[sflag:s26] =	ssyncset.done $0x0  }
0x1a3: {  	[sflag:s26] =	ssyncadd.s32 $0xFFFFC000  }
0x1a4: {  	[tilespmem:$0x18100] =	vst v10  }
0x1a5: {  	[tilespmem:s0], [sflag:$0x3] =	stream.indirect_vreg.gather [hbm4b:s2+s4], $0x80, v43, vm0, $0xb8;
	[tilespmem:$0x1C400] =	vst v63  }
0x1a6: {  	_ = 	snop  }
0x1a7: {  	[tilespmem:s5], [sflag:$0x3] =	stream.indirect_vreg.gather [hbm4b:s6+s4], $0x80, v43, vm0, $0xb8;
	[tilespmem:$0x1C400] =	vst v63  }
0x1a8: {  	_ = 	snop  }
0x1a9: {  	[tilespmem:s11], [sflag:$0x3] =	stream.indirect_vreg.gather [hbm4b:s7+s4], $0x80, v43, vm0, $0xb8;
	[tilespmem:$0x1C400] =	vst v63  }
0x1aa: {  	_ = 	snop  }
0x1ab: {  	[tilespmem:s19], [sflag:$0x3] =	stream.indirect_vreg.gather [hbm4b:s8+s4], $0x80, v43, vm0, $0xb8;
	[tilespmem:$0x1C400] =	vst v63  }
0x1ac: {  	_ = 	snop  }
0x1ad: {  	[tilespmem:s21], [sflag:$0x3] =	stream.indirect_vreg.gather [hbm4b:s2+s4], $0x80, v44, vm0, $0xb8;
	[tilespmem:$0x1C400] =	vst v63  }
0x1ae: {  	_ = 	snop  }
0x1af: {  	[tilespmem:s15], [sflag:$0x3] =	stream.indirect_vreg.gather [hbm4b:s6+s4], $0x80, v44, vm0, $0xb8;
	[tilespmem:$0x1C400] =	vst v63  }
0x1b0: {  	_ = 	snop  }
0x1b1: {  	[tilespmem:s17], [sflag:$0x3] =	stream.indirect_vreg.gather [hbm4b:s7+s4], $0x80, v44, vm0, $0xb8;
	[tilespmem:$0x1C400] =	vst v63  }
0x1b2: {  	_ = 	snop  }
0x1b3: {  	[tilespmem:s18], [sflag:$0x3] =	stream.indirect_vreg.gather [hbm4b:s8+s4], $0x80, v44, vm0, $0xb8;
	[tilespmem:$0x1C400] =	vst v63  }
0x1b4: {  	_ =	swait.ge [sflag:s16], $0x4000  }
0x1b5: {  	s19 =	sld [smem:$0x7F4]  }
0x1b6: {  	[sflag:s16] =	ssyncset.done $0x0  }
0x1b7: {  	[sflag:s16] =	ssyncadd.s32 $0xFFFFC000  }
0x1b8: {  	[hbm4b:s19+s4] =	stream.linear.scatter [tilespmem:s12], [sflag:$0x8], $0x4000, $0x38;
	[tilespmem:$0x1C400] =	vst v63  }
0x1b9: {  	_ =	swait.ge [sflag:s28], $0x4000  }
0x1ba: {  	[sflag:s28] =	ssyncset.done $0x0  }
0x1bb: {  	[sflag:s28] =	ssyncadd.s32 $0xFFFFC000  }
0x1bc: {  	[tilespmem:$0x18180] =	vst v11  }
0x1bd: {  	[tilespmem:s1], [sflag:$0x4] =	stream.indirect_vreg.gather [hbm4b:s2+s4], $0x80, v45, vm0, $0xb8;
	[tilespmem:$0x1C400] =	vst v63  }
0x1be: {  	_ = 	snop  }
0x1bf: {  	[tilespmem:s31], [sflag:$0x4] =	stream.indirect_vreg.gather [hbm4b:s6+s4], $0x80, v45, vm0, $0xb8;
	[tilespmem:$0x1C400] =	vst v63  }
0x1c0: {  	s31 =	simm.s32 $0xD000  }
0x1c1: {  	[tilespmem:s31], [sflag:$0x4] =	stream.indirect_vreg.gather [hbm4b:s7+s4], $0x80, v45, vm0, $0xb8;
	[tilespmem:$0x1C400] =	vst v63  }
0x1c2: {  	s5 =	simm.s32 $0xD800  }
0x1c3: {  	[tilespmem:s5], [sflag:$0x4] =	stream.indirect_vreg.gather [hbm4b:s8+s4], $0x80, v45, vm0, $0xb8;
	[tilespmem:$0x1C400] =	vst v63  }
0x1c4: {  	s11 =	simm.s32 $0xE000  }
0x1c5: {  	[tilespmem:s11], [sflag:$0x4] =	stream.indirect_vreg.gather [hbm4b:s2+s4], $0x80, v46, vm0, $0xb8;
	[tilespmem:$0x1C400] =	vst v63  }
0x1c6: {  	s15 =	simm.s32 $0xE800  }
0x1c7: {  	[tilespmem:s15], [sflag:$0x4] =	stream.indirect_vreg.gather [hbm4b:s6+s4], $0x80, v46, vm0, $0xb8;
	[tilespmem:$0x1C400] =	vst v63  }
0x1c8: {  	s17 =	simm.s32 $0xF000  }
0x1c9: {  	[tilespmem:s17], [sflag:$0x4] =	stream.indirect_vreg.gather [hbm4b:s7+s4], $0x80, v46, vm0, $0xb8;
	[tilespmem:$0x1C400] =	vst v63  }
0x1ca: {  	s19 =	simm.s32 $0xF800  }
0x1cb: {  	[tilespmem:s19], [sflag:$0x4] =	stream.indirect_vreg.gather [hbm4b:s8+s4], $0x80, v46, vm0, $0xb8;
	[tilespmem:$0x1C400] =	vst v63  }
0x1cc: {  	_ =	swait.ge [sflag:s20], $0x4000  }
0x1cd: {  	s31 =	sld [smem:$0x7F5]  }
0x1ce: {  	[sflag:s20] =	ssyncset.done $0x0  }
0x1cf: {  	[sflag:s20] =	ssyncadd.s32 $0xFFFFC000  }
0x1d0: {  	[hbm4b:s31+s4] =	stream.linear.scatter [tilespmem:s0], [sflag:$0x9], $0x4000, $0x38;
	[tilespmem:$0x1C400] =	vst v63  }
0x1d1: {  	_ =	swait.ge [sflag:s29], $0x4000  }
0x1d2: {  	[sflag:s29] =	ssyncset.done $0x0  }
0x1d3: {  	[sflag:s29] =	ssyncadd.s32 $0xFFFFC000  }
0x1d4: {  	[tilespmem:$0x18200] =	vst v12  }
0x1d5: {  	[tilespmem:s9], [sflag:$0x5] =	stream.indirect_vreg.gather [hbm4b:s2+s4], $0x80, v47, vm0, $0xb8;
	[tilespmem:$0x1C400] =	vst v63  }
0x1d6: {  	v48 =	vperm.xlane v15, v22;
	s3 =	simm.s32 $0x10800  }
0x1d7: {  	[tilespmem:s3], [sflag:$0x5] =	stream.indirect_vreg.gather [hbm4b:s6+s4], $0x80, v47, vm0, $0xb8;
	[tilespmem:$0x1C400] =	vst v63  }
0x1d8: {  	v48 =	vadd.s32 v19, v48;
	s5 =	simm.s32 $0x11000  }
0x1d9: {  	[tilespmem:s5], [sflag:$0x5] =	stream.indirect_vreg.gather [hbm4b:s7+s4], $0x80, v47, vm0, $0xb8;
	[tilespmem:$0x1C400] =	vst v63  }
0x1da: {  	s11 =	simm.s32 $0x11800  }
0x1db: {  	[tilespmem:s11], [sflag:$0x5] =	stream.indirect_vreg.gather [hbm4b:s8+s4], $0x80, v47, vm0, $0xb8;
	[tilespmem:$0x1C400] =	vst v63  }
0x1dc: {  	s15 =	simm.s32 $0x12000  }
0x1dd: {  	[tilespmem:s15], [sflag:$0x5] =	stream.indirect_vreg.gather [hbm4b:s2+s4], $0x80, v48, vm0, $0xb8;
	[tilespmem:$0x1C400] =	vst v63  }
0x1de: {  	s17 =	simm.s32 $0x12800  }
0x1df: {  	[tilespmem:s17], [sflag:$0x5] =	stream.indirect_vreg.gather [hbm4b:s6+s4], $0x80, v48, vm0, $0xb8;
	[tilespmem:$0x1C400] =	vst v63  }
0x1e0: {  	s19 =	simm.s32 $0x13000  }
0x1e1: {  	[tilespmem:s19], [sflag:$0x5] =	stream.indirect_vreg.gather [hbm4b:s7+s4], $0x80, v48, vm0, $0xb8;
	[tilespmem:$0x1C400] =	vst v63  }
0x1e2: {  	s31 =	simm.s32 $0x13800  }
0x1e3: {  	[tilespmem:s31], [sflag:$0x5] =	stream.indirect_vreg.gather [hbm4b:s8+s4], $0x80, v48, vm0, $0xb8;
	[tilespmem:$0x1C400] =	vst v63  }
0x1e4: {  	_ =	swait.ge [sflag:s13], $0x4000  }
0x1e5: {  	s0 =	sld [smem:$0x7F6]  }
0x1e6: {  	v59 =	vperm.xlane v16, v18;
	[sflag:s13] =	ssyncset.done $0x0  }
0x1e7: {  	[sflag:s13] =	ssyncadd.s32 $0xFFFFC000  }
0x1e8: {  	v48 =	vadd.s32 v19, v59;
	[hbm4b:s0+s4] =	stream.linear.scatter [tilespmem:s1], [sflag:$0xA], $0x4000, $0x38;
	[tilespmem:$0x1C400] =	vst v63  }
0x1e9: {  	_ =	swait.ge [sflag:s30], $0x4000  }
0x1ea: {  	[sflag:s30] =	ssyncset.done $0x0  }
0x1eb: {  	[sflag:s30] =	ssyncadd.s32 $0xFFFFC000  }
0x1ec: {  	[tilespmem:$0x18280] =	vst v13  }
0x1ed: {  	[tilespmem:s10], [sflag:$0x6] =	stream.indirect_vreg.gather [hbm4b:s2+s4], $0x80, v48, vm0, $0xb8;
	[tilespmem:$0x1C400] =	vst v63  }
0x1ee: {  	v49 =	vperm.xlane v16, v22;
	s3 =	simm.s32 $0x14800  }
0x1ef: {  	[tilespmem:s3], [sflag:$0x6] =	stream.indirect_vreg.gather [hbm4b:s6+s4], $0x80, v48, vm0, $0xb8;
	[tilespmem:$0x1C400] =	vst v63  }
0x1f0: {  	v49 =	vadd.s32 v19, v49;
	s5 =	simm.s32 $0x15000  }
0x1f1: {  	[tilespmem:s5], [sflag:$0x6] =	stream.indirect_vreg.gather [hbm4b:s7+s4], $0x80, v48, vm0, $0xb8;
	[tilespmem:$0x1C400] =	vst v63  }
0x1f2: {  	s11 =	simm.s32 $0x15800  }
0x1f3: {  	[tilespmem:s11], [sflag:$0x6] =	stream.indirect_vreg.gather [hbm4b:s8+s4], $0x80, v48, vm0, $0xb8;
	[tilespmem:$0x1C400] =	vst v63  }
0x1f4: {  	s15 =	simm.s32 $0x16000  }
0x1f5: {  	[tilespmem:s15], [sflag:$0x6] =	stream.indirect_vreg.gather [hbm4b:s2+s4], $0x80, v49, vm0, $0xb8;
	[tilespmem:$0x1C400] =	vst v63  }
0x1f6: {  	s17 =	simm.s32 $0x16800  }
0x1f7: {  	[tilespmem:s17], [sflag:$0x6] =	stream.indirect_vreg.gather [hbm4b:s6+s4], $0x80, v49, vm0, $0xb8;
	[tilespmem:$0x1C400] =	vst v63  }
0x1f8: {  	s19 =	simm.s32 $0x17000  }
0x1f9: {  	[tilespmem:s19], [sflag:$0x6] =	stream.indirect_vreg.gather [hbm4b:s7+s4], $0x80, v49, vm0, $0xb8;
	[tilespmem:$0x1C400] =	vst v63  }
0x1fa: {  	s31 =	simm.s32 $0x17800  }
0x1fb: {  	[tilespmem:s31], [sflag:$0x6] =	stream.indirect_vreg.gather [hbm4b:s8+s4], $0x80, v49, vm0, $0xb8;
	[tilespmem:$0x1C400] =	vst v63  }
0x1fc: {  	_ =	swait.ge [sflag:s22], $0x4000  }
0x1fd: {  	s1 =	sld [smem:$0x7F7]  }
0x1fe: {  	v60 =	vperm.xlane v20, v18;
	[sflag:s22] =	ssyncset.done $0x0  }
0x1ff: {  	[sflag:s22] =	ssyncadd.s32 $0xFFFFC000  }
0x200: {  	v48 =	vadd.s32 v19, v60;
	[hbm4b:s1+s4] =	stream.linear.scatter [tilespmem:s9], [sflag:$0xB], $0x4000, $0x38;
	[tilespmem:$0x1C400] =	vst v63  }
0x201: {  	_ =	swait.ge [sflag:s23], $0x4000  }
0x202: {  	[sflag:s23] =	ssyncset.done $0x0  }
0x203: {  	[sflag:s23] =	ssyncadd.s32 $0xFFFFC000  }
0x204: {  	[tilespmem:$0x18000] =	vst v14  }
0x205: {  	[tilespmem:s4], [sflag:$0x1] =	stream.indirect_vreg.gather [hbm4b:s2+s4], $0x80, v48, vm0, $0xb8;
	[tilespmem:$0x1C400] =	vst v63  }
0x206: {  	v61 =	vperm.xlane v20, v22;
	s5 =	simm.s32 $0x800  }
0x207: {  	[tilespmem:s5], [sflag:$0x1] =	stream.indirect_vreg.gather [hbm4b:s6+s4], $0x80, v48, vm0, $0xb8;
	[tilespmem:$0x1C400] =	vst v63  }
0x208: {  	v49 =	vadd.s32 v19, v61;
	s9 =	simm.s32 $0x1000  }
0x209: {  	[tilespmem:s9], [sflag:$0x1] =	stream.indirect_vreg.gather [hbm4b:s7+s4], $0x80, v48, vm0, $0xb8;
	[tilespmem:$0x1C400] =	vst v63  }
0x20a: {  	s11 =	simm.s32 $0x1800  }
0x20b: {  	[tilespmem:s11], [sflag:$0x1] =	stream.indirect_vreg.gather [hbm4b:s8+s4], $0x80, v48, vm0, $0xb8;
	[tilespmem:$0x1C400] =	vst v63  }
0x20c: {  	s15 =	simm.s32 $0x2000  }
0x20d: {  	[tilespmem:s15], [sflag:$0x1] =	stream.indirect_vreg.gather [hbm4b:s2+s4], $0x80, v49, vm0, $0xb8;
	[tilespmem:$0x1C400] =	vst v63  }
0x20e: {  	s17 =	simm.s32 $0x2800  }
0x20f: {  	[tilespmem:s17], [sflag:$0x1] =	stream.indirect_vreg.gather [hbm4b:s6+s4], $0x80, v49, vm0, $0xb8;
	[tilespmem:$0x1C400] =	vst v63  }
0x210: {  	s19 =	simm.s32 $0x3000  }
0x211: {  	[tilespmem:s19], [sflag:$0x1] =	stream.indirect_vreg.gather [hbm4b:s7+s4], $0x80, v49, vm0, $0xb8;
	[tilespmem:$0x1C400] =	vst v63  }
0x212: {  	s31 =	simm.s32 $0x3800  }
0x213: {  	[tilespmem:s31], [sflag:$0x1] =	stream.indirect_vreg.gather [hbm4b:s8+s4], $0x80, v49, vm0, $0xb8;
	[tilespmem:$0x1C400] =	vst v63  }
0x214: {  	_ =	swait.ge [sflag:s24], $0x4000  }
0x215: {  	s0 =	sld [smem:$0x7F8]  }
0x216: {  	v62 =	vperm.xlane v21, v18;
	[sflag:s24] =	ssyncset.done $0x0  }
0x217: {  	[sflag:s24] =	ssyncadd.s32 $0xFFFFC000  }
0x218: {  	v48 =	vadd.s32 v19, v62;
	[hbm4b:s0+s4] =	stream.linear.scatter [tilespmem:s10], [sflag:$0xC], $0x4000, $0x38;
	[tilespmem:$0x1C400] =	vst v63  }
0x219: {  	_ =	swait.ge [sflag:s25], $0x4000  }
0x21a: {  	[sflag:s25] =	ssyncset.done $0x0  }
0x21b: {  	[sflag:s25] =	ssyncadd.s32 $0xFFFFC000  }
0x21c: {  	[tilespmem:$0x18080] =	vst v17  }
0x21d: {  	[tilespmem:s12], [sflag:$0x2] =	stream.indirect_vreg.gather [hbm4b:s2+s4], $0x80, v48, vm0, $0xb8;
	[tilespmem:$0x1C400] =	vst v63  }
0x21e: {  	v63 =	vperm.xlane v21, v22;
	s1 =	simm.s32 $0x4800  }
0x21f: {  	[tilespmem:s1], [sflag:$0x2] =	stream.indirect_vreg.gather [hbm4b:s6+s4], $0x80, v48, vm0, $0xb8;
	[tilespmem:$0x1C400] =	vst v63  }
0x220: {  	s3 =	simm.s32 $0x5000;
	v49 =	vadd.s32 v19, v63  }
0x221: {  	[tilespmem:s3], [sflag:$0x2] =	stream.indirect_vreg.gather [hbm4b:s7+s4], $0x80, v48, vm0, $0xb8;
	[tilespmem:$0x1C400] =	vst v63  }
0x222: {  	s5 =	simm.s32 $0x5800  }
0x223: {  	[tilespmem:s5], [sflag:$0x2] =	stream.indirect_vreg.gather [hbm4b:s8+s4], $0x80, v48, vm0, $0xb8;
	[tilespmem:$0x1C400] =	vst v63  }
0x224: {  	s9 =	simm.s32 $0x6000  }
0x225: {  	[tilespmem:s9], [sflag:$0x2] =	stream.indirect_vreg.gather [hbm4b:s2+s4], $0x80, v49, vm0, $0xb8;
	[tilespmem:$0x1C400] =	vst v63  }
0x226: {  	s10 =	simm.s32 $0x6800  }
0x227: {  	[tilespmem:s10], [sflag:$0x2] =	stream.indirect_vreg.gather [hbm4b:s6+s4], $0x80, v49, vm0, $0xb8;
	[tilespmem:$0x1C400] =	vst v63  }
0x228: {  	s11 =	simm.s32 $0x7000  }
0x229: {  	[tilespmem:s11], [sflag:$0x2] =	stream.indirect_vreg.gather [hbm4b:s7+s4], $0x80, v49, vm0, $0xb8;
	[tilespmem:$0x1C400] =	vst v63  }
0x22a: {  	s15 =	simm.s32 $0x7800  }
0x22b: {  	[tilespmem:s15], [sflag:$0x2] =	stream.indirect_vreg.gather [hbm4b:s8+s4], $0x80, v49, vm0, $0xb8;
	[tilespmem:$0x1C400] =	vst v63  }
0x22c: {  	_ =	swait.ge [sflag:s14], $0x4000  }
0x22d: {  	s17 =	sld [smem:$0x7F9]  }
0x22e: {  	[sflag:s14] =	ssyncset.done $0x0  }
0x22f: {  	[sflag:s14] =	ssyncadd.s32 $0xFFFFC000  }
0x230: {  	[hbm4b:s17+s4] =	stream.linear.scatter [tilespmem:s4], [sflag:$0x7], $0x4000, $0x38;
	[tilespmem:$0x1C400] =	vst v63  }
0x231: {  	_ =	swait.ge [sflag:s16], $0x4000  }
0x232: {  	s19 =	sld [smem:$0x7FA]  }
0x233: {  	[sflag:s16] =	ssyncset.done $0x0  }
0x234: {  	[sflag:s16] =	ssyncadd.s32 $0xFFFFC000  }
0x235: {  	[hbm4b:s19+s4] =	stream.linear.scatter [tilespmem:s12], [sflag:$0x8], $0x4000, $0x38;
	[tilespmem:$0x1C400] =	vst v63  }
0x236: {  	_ =	swait.ge [sflag:s26], $0x4000  }
0x237: {  	[sflag:s26] =	ssyncset.done $0x0  }
0x238: {  	[sflag:s26] =	ssyncadd.s32 $0xFFFFC000  }
0x239: {  	_ =	swait.ge [sflag:s28], $0x4000  }
0x23a: {  	[sflag:s28] =	ssyncset.done $0x0  }
0x23b: {  	[sflag:s28] =	ssyncadd.s32 $0xFFFFC000  }
0x23c: {  	_ =	swait.ge [sflag:s29], $0x4000  }
0x23d: {  	[sflag:s29] =	ssyncset.done $0x0  }
0x23e: {  	[sflag:s29] =	ssyncadd.s32 $0xFFFFC000  }
0x23f: {  	_ =	swait.ge [sflag:s30], $0x4000  }
0x240: {  	[sflag:s30] =	ssyncset.done $0x0  }
0x241: {  	[sflag:s30] =	ssyncadd.s32 $0xFFFFC000  }
0x242: {  	_ =	swait.ge [sflag:s23], $0x4000  }
0x243: {  	[sflag:s23] =	ssyncset.done $0x0  }
0x244: {  	[sflag:s23] =	ssyncadd.s32 $0xFFFFC000  }
0x245: {  	_ =	swait.ge [sflag:s25], $0x4000  }
0x246: {  	v48 =	vlaneseq.u32 @!p0;
	[sflag:s25] =	ssyncset.done $0x0  }
0x247: {  	v49 =	vor.u32 @!p0 $0x1FF0, v48;
	[sflag:s25] =	ssyncadd.s32 $0xFFFFC000  }
0x248: {  	[tilespmem:$0x1C300] =	vst @!p0 v49  }
0x249: {  	v49 =	vld @!p0 [tilespmem:$0x1C300];
	_ =	sdelay $0x4  }
0x24a: {  	v50 =	vshll.u32 @!p0 v49, $0x3  }
0x24b: {  	v49 =	vand.u32 @!p0 $0x7, v49;
	v50 =	vand.u32 @!p0 $0xFFFFFFC0, v50  }
0x24c: {  	v51 =	vshrl.u32 @!p0 v48, $0x3;
	v49 =	vor.u32 @!p0 v49, v50;
	v50 =	vand.u32 @!p0 $0x7, v48  }
0x24d: {  	v51 =	vmul.u32 @!p0 $0x8, v51;
	v52 =	vperm.xlane @!p0 v49, v50;
	_ =	sdelay $0x1  }
0x24e: {  	v52 =	vadd.s32 @!p0 v51, v52;
	_ =	sdelay $0x2  }
0x24f: {  	v53 =	vadd.s32 @!p0 $0x3FEF, v48  }
0x250: {  	s3 =	simm.s32 @!p0 $0x0;
	s5 =	simm.s32 @!p0 $0x18300;
	[tilespmem:$0x1C380] =	vst @!p0 v53  }
0x251: {  	v48 =	vor.u32 @!p0 $0x8, v48;
	[tilespmem:s5], [sflag:$0xD] =	stream.indirect_vreg.gather @!p0 [hbm4b:s2+s3], $0x80, v52, vm1, $0xb8;
	[tilespmem:$0x1C400] =	vst v63  }
0x252: {  	s31 =	simm.s32 @!p0 $0x18B00;
	v49 =	vperm.xlane @!p0 v49, v48  }
0x253: {  	[tilespmem:s31], [sflag:$0xD] =	stream.indirect_vreg.gather @!p0 [hbm4b:s6+s3], $0x80, v52, vm1, $0xb8;
	[tilespmem:$0x1C400] =	vst v63  }
0x254: {  	s1 =	simm.s32 @!p0 $0x19300;
	v49 =	vadd.s32 @!p0 v51, v49  }
0x255: {  	[tilespmem:s1], [sflag:$0xD] =	stream.indirect_vreg.gather @!p0 [hbm4b:s7+s3], $0x80, v52, vm1, $0xb8;
	[tilespmem:$0x1C400] =	vst v63  }
0x256: {  	s0 =	simm.s32 @!p0 $0x19B00  }
0x257: {  	[tilespmem:s0], [sflag:$0xD] =	stream.indirect_vreg.gather @!p0 [hbm4b:s8+s3], $0x80, v52, vm1, $0xb8;
	[tilespmem:$0x1C400] =	vst v63  }
0x258: {  	s9 =	simm.s32 @!p0 $0x1A300  }
0x259: {  	[tilespmem:s9], [sflag:$0xD] =	stream.indirect_vreg.gather @!p0 [hbm4b:s2+s3], $0x80, v49, vm1, $0xb8;
	[tilespmem:$0x1C400] =	vst v63  }
0x25a: {  	s10 =	simm.s32 @!p0 $0x1AB00  }
0x25b: {  	[tilespmem:s10], [sflag:$0xD] =	stream.indirect_vreg.gather @!p0 [hbm4b:s6+s3], $0x80, v49, vm1, $0xb8;
	[tilespmem:$0x1C400] =	vst v63  }
0x25c: {  	s11 =	simm.s32 @!p0 $0x1B300  }
0x25d: {  	[tilespmem:s11], [sflag:$0xD] =	stream.indirect_vreg.gather @!p0 [hbm4b:s7+s3], $0x80, v49, vm1, $0xb8;
	[tilespmem:$0x1C400] =	vst v63  }
0x25e: {  	s15 =	simm.s32 @!p0 $0x1BB00;
	s17 =	simm.s32 @!p0 $0xD  }
0x25f: {  	[tilespmem:s15], [sflag:$0xD] =	stream.indirect_vreg.gather @!p0 [hbm4b:s8+s3], $0x80, v49, vm1, $0xb8;
	[tilespmem:$0x1C400] =	vst v63  }
0x260: {  	_ =	swait.ge @!p0 [sflag:s17], $0x4000  }
0x261: {  	[sflag:s17] =	ssyncset.done @!p0 $0x0  }
0x262: {  	[sflag:s17] =	ssyncadd.s32 @!p0 $0xFFFFC000  }
0x263: {  	v49 =	vld @!p0 [tilespmem:$0x1C380];
	_ =	sdelay $0x4  }
0x264: {  	v52 =	vshll.u32 @!p0 v49, $0x3  }
0x265: {  	v49 =	vand.u32 @!p0 $0x7, v49;
	v52 =	vand.u32 @!p0 $0xFFFFFFC0, v52  }
0x266: {  	v49 =	vor.u32 @!p0 v49, v52  }
0x267: {  	v50 =	vperm.xlane @!p0 v49, v50;
	_ =	sdelay $0x1  }
0x268: {  	v50 =	vadd.s32 @!p0 v51, v50;
	_ =	sdelay $0x3  }
0x269: {  	s19 =	rddreg [dreg:$0x1]  }
0x26a: {  	[hbm4b:s19+s3] =	stream.indirect_vreg.scatter @!p0 [tilespmem:s5], [sflag:$0xD], $0x80, v50, vm1, $0xb8;
	[tilespmem:$0x1C400] =	vst v63  }
0x26b: {  	s5 =	sld [smem:$0x7FB];
	_ =	sdelay $0x2  }
0x26c: {  	[hbm4b:s5+s3] =	stream.indirect_vreg.scatter @!p0 [tilespmem:s31], [sflag:$0xD], $0x80, v50, vm1, $0xb8;
	[tilespmem:$0x1C400] =	vst v63  }
0x26d: {  	s31 =	sld [smem:$0x7FC];
	_ =	sdelay $0x1  }
0x26e: {  	v48 =	vperm.xlane @!p0 v49, v48  }
0x26f: {  	[hbm4b:s31+s3] =	stream.indirect_vreg.scatter @!p0 [tilespmem:s1], [sflag:$0xD], $0x80, v50, vm1, $0xb8;
	[tilespmem:$0x1C400] =	vst v63  }
0x270: {  	v48 =	vadd.s32 @!p0 v51, v48;
	s1 =	sld [smem:$0x7FD];
	_ =	sdelay $0x2  }
0x271: {  	[hbm4b:s1+s3] =	stream.indirect_vreg.scatter @!p0 [tilespmem:s0], [sflag:$0xD], $0x80, v50, vm1, $0xb8;
	[tilespmem:$0x1C400] =	vst v63  }
0x272: {  	_ = 	snop  }
0x273: {  	[hbm4b:s19+s3] =	stream.indirect_vreg.scatter @!p0 [tilespmem:s9], [sflag:$0xD], $0x80, v48, vm1, $0xb8;
	[tilespmem:$0x1C400] =	vst v63  }
0x274: {  	_ = 	snop  }
0x275: {  	[hbm4b:s5+s3] =	stream.indirect_vreg.scatter @!p0 [tilespmem:s10], [sflag:$0xD], $0x80, v48, vm1, $0xb8;
	[tilespmem:$0x1C400] =	vst v63  }
0x276: {  	_ = 	snop  }
0x277: {  	[hbm4b:s31+s3] =	stream.indirect_vreg.scatter @!p0 [tilespmem:s11], [sflag:$0xD], $0x80, v48, vm1, $0xb8;
	[tilespmem:$0x1C400] =	vst v63  }
0x278: {  	s31 =	sld [smem:$0x7E7];
	_ =	sdelay $0x1  }
0x279: {  	[hbm4b:s1+s3] =	stream.indirect_vreg.scatter @!p0 [tilespmem:s15], [sflag:$0xD], $0x80, v48, vm1, $0xb8;
	[tilespmem:$0x1C400] =	vst v63  }
0x27a: {  	s1 =	sadd.s32 $0xFFFFFFFF, s31  }
0x27b: {  	p1 =	sne.s32 s1, $0x0  }
.Ltmp0:
0x27c: {  	_ = 	snop;
	(pc) =	sbr.rel @p1 .LBB2_1-.Ltmp0, $4  }
0x27d: {  	_ = 	snop  }
0x27e: {  	_ =	swait.ge @!p0 [sflag:s17], $0x4000  }
0x27f: {  	[sflag:s17] =	ssyncset.done @!p0 $0x0  }
0x280: {  	[sflag:s17] =	ssyncadd.s32 @!p0 $0xFFFFC000  }
0x281: {  	_ =	sfence.sel $0x180000  }
0x282: {  	[bflag:$0x0] =	sbarrier.arrive $0xFFFF  }
0x283: {  	_ =	strace $0x90000047  }
0x284: {  	s0 =	stileid.u32;
	[bflag:$0x2] =	sbarrier.arrive $0xFFFF  }
0x285: {  	p0 =	sne.s32 s0, $0x0;
	s0 =	rddreg [dreg:$0x2]  }
0x286: {  	s0 =	sadd.s32 @!p0 $0x100000, s0  }
0x287: {  	[sflag:s0] =	ssyncadd.tile.s32 @!p0 $0x1;
	_ =	shalt  }
.Lfunc_end2:
_tile_overlayer_lowered:
.L_overlay_start_2:
0x288: {  	(tag) =	ssettag $0x2  }
0x289: {  	s0 =	rddreg [dreg:$0x0];
	s2 =	stileid.u32  }
0x28a: {  	s1 =	rddreg [dreg:$0x1];
	p0 =	sne.s32 s2, $0x0  }
0x28b: {  	s3 =	rddreg [dreg:$0x2];
	[bflag:$0x3] =	sbarrier.arrive $0xFFFF;
	s2 =	simm.s32 @!p0 $0x1C0E  }
0x28c: {  	[timem:s3], [sflag:s2] =	dma.local @!p0 [hbm:s0], s1  }
0x28d: {  	s0 =	simm.s32 @!p0 $0xE  }
0x28e: {  	_ =	swait.ge @!p0 [sflag:s0], s1  }
0x28f: {  	s1 =	ssub.s32 @!p0 $0x0, s1;
	[sflag:s0] =	ssyncset.done @!p0 $0x0  }
0x290: {  	[sflag:s0] =	ssyncadd.s32 @!p0 s1  }
0x291: {  	[bflag:$0x3] =	sbarrier.arrive $0xFFFF  }
0x292: {  	_ =	shalt  }

</sc_bundles>
